<compile_context>
chip_gen: v7x
topology: tpu7x:2x2x1
jax: 0.10.2.dev20260603
libtpu: 0.0.44.dev20260713+nightly
codegen_flags: <defaults>
</compile_context>

<pallas_src>
import functools

import jax
import jax.numpy as jnp
from jax import lax
from jax.experimental import pallas as pl
from jax.experimental.pallas import tpu as pltpu
from jax.experimental.pallas import tpu_sc as plsc

_N = 10000
_D = 128
_E = 320000
_NC = 2
_NS = 16
_NW = _NC * _NS
_L = 16
_CHUNK = 125
_NCHUNKS = 80
_EDGES_PER_TILE = _E // _NW
_RCHUNK = 96
_RFULL = _N // _RCHUNK
_RTAIL = _N - _RFULL * _RCHUNK


def _unpack_chunk(pack_v, j, sidx, didx):
    offs = [l * _L for l in range(_CHUNK // _L)] + [_CHUNK - _L]
    for o in offs:
        w = pack_v[pl.ds(j * _CHUNK + o, _L)]
        sidx[0, pl.ds(o, _L)] = lax.shift_right_logical(w, 16)
        didx[0, pl.ds(o, _L)] = lax.bitwise_and(w, 0xFFFF)


def _sc_body(x_hbm, pack_hbm, zeros_hbm, out_hbm,
             pack_v, sidx, didx, rows, agg_sh, sem_g, sem_s):
    c = lax.axis_index("c")
    s = lax.axis_index("s")
    wid = c * _NS + s
    n = _NCHUNKS

    pbase = pl.multiple_of(wid * _EDGES_PER_TILE, 16)
    pltpu.sync_copy(pack_hbm.at[pl.ds(pbase, _EDGES_PER_TILE)], pack_v)

    pltpu.sync_copy(zeros_hbm, rows[0])
    for k in range(-(-(_RFULL + 1) // _NS)):
        blk = s + k * _NS

        @pl.when(blk < _RFULL)
        def _():
            pltpu.sync_copy(rows[0].at[pl.ds(0, _RCHUNK)],
                            agg_sh.at[pl.ds(blk * _RCHUNK, _RCHUNK)])

        @pl.when(blk == _RFULL)
        def _():
            pltpu.sync_copy(rows[0].at[pl.ds(0, _RTAIL)],
                            agg_sh.at[pl.ds(blk * _RCHUNK, _RTAIL)])

    plsc.subcore_barrier()

    def start_gather(j, b):
        _unpack_chunk(pack_v, j, sidx[b], didx[b])
        pltpu.async_copy(x_hbm.at[sidx[b].at[0]], rows[b], sem_g[b])

    def wait_gather(b):
        pltpu.make_async_copy(x_hbm.at[sidx[b].at[0]], rows[b], sem_g[b]).wait()

    start_gather(0, 0)
    start_gather(1, 1)

    def pair_body(i, carry):
        j0 = 2 * i
        for bi in range(2):
            j = j0 + bi
            wait_gather(bi)
            pltpu.async_copy(rows[bi], agg_sh.at[didx[bi].at[0]],
                             sem_s, add=True).wait()

            @pl.when(j + 2 < n)
            def _():
                start_gather(j + 2, bi)

        return carry

    lax.fori_loop(0, n // 2, pair_body, 0, unroll=False)

    plsc.subcore_barrier()

    for k in range(-(-(_RFULL + 1) // _NS)):
        blk = s + k * _NS
        r0 = pl.multiple_of(blk * _RCHUNK, 16)
        o0 = pl.multiple_of(c * _N + r0, 16)

        @pl.when(blk < _RFULL)
        def _():
            pltpu.sync_copy(agg_sh.at[pl.ds(r0, _RCHUNK)],
                            rows[0].at[pl.ds(0, _RCHUNK)])
            pltpu.sync_copy(rows[0].at[pl.ds(0, _RCHUNK)],
                            out_hbm.at[pl.ds(o0, _RCHUNK)])

        @pl.when(blk == _RFULL)
        def _():
            pltpu.sync_copy(agg_sh.at[pl.ds(r0, _RTAIL)],
                            rows[0].at[pl.ds(0, _RTAIL)])
            pltpu.sync_copy(rows[0].at[pl.ds(0, _RTAIL)],
                            out_hbm.at[pl.ds(o0, _RTAIL)])


@functools.cache
def _sc_segment_sum():
    mesh = plsc.VectorSubcoreMesh(
        core_axis_name="c", subcore_axis_name="s", num_cores=_NC, num_subcores=_NS
    )
    return pl.kernel(
        _sc_body,
        out_type=jax.ShapeDtypeStruct((_NC * _N, _D), jnp.bfloat16),
        mesh=mesh,
        compiler_params=pltpu.CompilerParams(use_tc_tiling_on_sc=False),
        scratch_types=[
            pltpu.VMEM((_EDGES_PER_TILE,), jnp.int32),
            [pltpu.VMEM((1, _CHUNK), jnp.int32) for _ in range(2)],
            [pltpu.VMEM((1, _CHUNK), jnp.int32) for _ in range(2)],
            [pltpu.VMEM((_CHUNK, _D), jnp.bfloat16) for _ in range(2)],
            pltpu.VMEM_SHARED((_N, _D), jnp.bfloat16),
            [pltpu.SemaphoreType.DMA for _ in range(2)],
            pltpu.SemaphoreType.DMA,
        ],
    )


_TC_ROWS = 1000


def _pack_body(e_ref, o_ref):
    o_ref[...] = jnp.left_shift(e_ref[0], 16) | e_ref[1]


def _tc_pack(edge_index):
    return pl.pallas_call(
        _pack_body,
        grid=(1,),
        in_specs=[pl.BlockSpec((2, _E), lambda i: (0, 0))],
        out_specs=pl.BlockSpec((_E,), lambda i: (0,)),
        out_shape=jax.ShapeDtypeStruct((_E,), jnp.int32),
    )(edge_index)


def _self_body(x_ref, ws_ref, b_ref, o_ref):
    o_ref[...] = jnp.dot(x_ref[...], ws_ref[...],
                         preferred_element_type=jnp.float32) + b_ref[...]


def _tc_self(x, W_self, b2):
    return pl.pallas_call(
        _self_body,
        grid=(_N // _TC_ROWS,),
        in_specs=[
            pl.BlockSpec((_TC_ROWS, _D), lambda i: (i, 0)),
            pl.BlockSpec((_D, _D), lambda i: (0, 0)),
            pl.BlockSpec((1, _D), lambda i: (0, 0)),
        ],
        out_specs=pl.BlockSpec((_TC_ROWS, _D), lambda i: (i, 0)),
        out_shape=jax.ShapeDtypeStruct((_N, _D), jnp.float32),
    )(x, W_self, b2)


def _final_body(sp_ref, agg_ref, wm_ref, o_ref):
    agg = agg_ref[0].astype(jnp.float32) + agg_ref[1].astype(jnp.float32)
    acc = sp_ref[...] + jnp.dot(agg, wm_ref[...],
                                preferred_element_type=jnp.float32)
    o_ref[...] = jnp.maximum(acc, 0.0)


def _tc_final(selfpart, agg2, W_msg):
    return pl.pallas_call(
        _final_body,
        grid=(_N // _TC_ROWS,),
        in_specs=[
            pl.BlockSpec((_TC_ROWS, _D), lambda i: (i, 0)),
            pl.BlockSpec((_NC, _TC_ROWS, _D), lambda i: (0, i, 0)),
            pl.BlockSpec((_D, _D), lambda i: (0, 0)),
        ],
        out_specs=pl.BlockSpec((_TC_ROWS, _D), lambda i: (i, 0)),
        out_shape=jax.ShapeDtypeStruct((_N, _D), jnp.float32),
    )(selfpart, agg2, W_msg)


def kernel(x, edge_index, W_msg, W_self, b):
    packed = _tc_pack(edge_index.astype(jnp.int32))
    zeros_blk = jnp.zeros((_CHUNK, _D), jnp.bfloat16)
    xbf = x.astype(jnp.bfloat16)
    agg2 = _sc_segment_sum()(xbf, packed, zeros_blk).reshape(_NC, _N, _D)
    selfpart = _tc_self(x, W_self, b.reshape(1, _D))
    return _tc_final(selfpart, agg2, W_msg)

# --- scband reference (transcript-rebuilt; emitter-appended) ---
"""Pipeline reference for scband-model-15324443312668 (READ-ONLY COPY).

The authoritative reference and input builder live on the scoring server;
editing this copy changes nothing except your own understanding.
"""

import jax, jax.numpy as jnp
import numpy as np

N_NODES = 10000
N_EDGES = 320000
D = 128

def setup_inputs(seed: int = 0) -> dict:
    key = jax.random.key(seed)
    k1, k2, k3, k4, k5 = jax.random.split(key, 5)
    x = jax.random.normal(k1, (N_NODES, D), dtype=jnp.float32)
    edge_index = jax.random.randint(k2, (2, N_EDGES), 0, N_NODES, dtype=jnp.int64)
    W_msg = jax.random.normal(k3, (D, D), dtype=jnp.float32) * (1.0 / np.sqrt(D))
    W_self = jax.random.normal(k4, (D, D), dtype=jnp.float32) * (1.0 / np.sqrt(D))
    b = jax.random.normal(k5, (D,), dtype=jnp.float32) * 0.01
    return {"x": x, "edge_index": edge_index, "W_msg": W_msg, "W_self": W_self, "b": b}

def reference(x, edge_index, W_msg, W_self, b):
    # Degree-0 (scalar channel) message passing layer, faithful to the
    # LinearSE3 + graph aggregation pattern in the original module:
    # 1) node-wise linear transform (LinearSE3 on degree-0 features)
    # 2) gather transformed features at edge sources (memory-bound gather)
    # 3) scatter-add messages into destination nodes (memory-bound scatter)
    # 4) residual self-connection + nonlinearity (config.nonlinearity = relu)
    src = edge_index[0]
    dst = edge_index[1]
    h = x @ W_msg                      # [N, D] node-level transform
    msg = jnp.take(h, src, axis=0)     # [E, D] gather
    agg = jax.ops.segment_sum(msg, dst, num_segments=N_NODES)  # [N, D] scatter-add
    out = jax.nn.relu(x @ W_self + agg + b)
    return out

if __name__ == "__main__":
    import jax
    _d = setup_inputs()
    print(jax.jit(kernel)(*tuple(_d.values())))

</pallas_src>

<mosaic_0001>
#map = affine_map<(d0, d1) -> (0, 0)>
#map1 = affine_map<(d0, d1) -> (0)>
module attributes {stable_mosaic.version = 14 : i64} {
  func.func @_sc_body(%arg0: i32, %arg1: i32, %arg2: memref<10000x128xbf16, #tpu.memory_space<hbm>>, %arg3: memref<320000xi32, #tpu.memory_space<hbm>>, %arg4: memref<125x128xbf16, #tpu.memory_space<hbm>>, %arg5: memref<20000x128xbf16, #tpu.memory_space<hbm>>, %arg6: memref<10000xi32, #tpu.memory_space<vmem>>, %arg7: memref<1x125xi32, #tpu.memory_space<vmem>>, %arg8: memref<1x125xi32, #tpu.memory_space<vmem>>, %arg9: memref<1x125xi32, #tpu.memory_space<vmem>>, %arg10: memref<1x125xi32, #tpu.memory_space<vmem>>, %arg11: memref<125x128xbf16, #tpu.memory_space<vmem>>, %arg12: memref<125x128xbf16, #tpu.memory_space<vmem>>, %arg13: memref<10000x128xbf16, #tpu.memory_space<vmem_shared>>, %arg14: memref<!tpu.dma_semaphore, #tpu.memory_space<semaphore_mem>>, %arg15: memref<!tpu.dma_semaphore, #tpu.memory_space<semaphore_mem>>, %arg16: memref<!tpu.dma_semaphore, #tpu.memory_space<semaphore_mem>>) attributes {dimension_semantics = [#tpu.dimension_semantics<core_parallel>, #tpu.dimension_semantics<subcore_parallel>], iteration_bounds = array<i64: 2, 16>, scalar_prefetch = 0 : i64, scratch_operands = 11 : i64, tpu.core_type = #tpu.core_type<sc_vector_subcore>, window_params = [{transform_indices = #map}, {transform_indices = #map1}, {transform_indices = #map}, {transform_indices = #map}]} {
    %mul3A = arith.constant 16 : i32
    %mul3A_0 = arith.muli %arg0, %mul3A : i32
    %add3A = arith.addi %mul3A_0, %arg1 : i32
    %mul3A_1 = arith.constant 10000 : i32
    %mul3A_2 = arith.muli %add3A, %mul3A_1 : i32
    %multiple_of3A = tpu.assume_multiple %mul3A_2, 16 : i32
    "tpu.region"() ({
      %run_scoped3A = tpu.sem_alloc : memref<!tpu.dma_semaphore, #tpu.memory_space<semaphore_mem>>
      %dma_start3A_567 = tpu.memref_slice %arg3[%multiple_of3A] : memref<320000xi32, #tpu.memory_space<hbm>> -> memref<10000xi32, #tpu.memory_space<hbm>>
      %dma_start3A_568 = tpu.memref_slice %arg3[%multiple_of3A] : memref<320000xi32, #tpu.memory_space<hbm>> -> memref<10000xi32, #tpu.memory_space<hbm>>
      tpu.enqueue_dma source(%dma_start3A_568 : memref<10000xi32, #tpu.memory_space<hbm>>) target(%arg6 : memref<10000xi32, #tpu.memory_space<vmem>>) target_semaphore(%run_scoped3A : memref<!tpu.dma_semaphore, #tpu.memory_space<semaphore_mem>>)
      %dma_wait3A = tpu.memref_slice %arg3[%multiple_of3A] : memref<320000xi32, #tpu.memory_space<hbm>> -> memref<10000xi32, #tpu.memory_space<hbm>>
      %dma_wait3A_569 = tpu.memref_slice %arg3[%multiple_of3A] : memref<320000xi32, #tpu.memory_space<hbm>> -> memref<10000xi32, #tpu.memory_space<hbm>>
      tpu.wait_dma2 semaphore(%run_scoped3A : memref<!tpu.dma_semaphore, #tpu.memory_space<semaphore_mem>>) src(%dma_wait3A_569 : memref<10000xi32, #tpu.memory_space<hbm>>) dst(%arg6 : memref<10000xi32, #tpu.memory_space<vmem>>)
      tpu.yield
    }) : () -> ()
    "tpu.region"() ({
      %run_scoped3A = tpu.sem_alloc : memref<!tpu.dma_semaphore, #tpu.memory_space<semaphore_mem>>
      tpu.enqueue_dma source(%arg4 : memref<125x128xbf16, #tpu.memory_space<hbm>>) target(%arg11 : memref<125x128xbf16, #tpu.memory_space<vmem>>) target_semaphore(%run_scoped3A : memref<!tpu.dma_semaphore, #tpu.memory_space<semaphore_mem>>)
      tpu.wait_dma2 semaphore(%run_scoped3A : memref<!tpu.dma_semaphore, #tpu.memory_space<semaphore_mem>>) src(%arg4 : memref<125x128xbf16, #tpu.memory_space<hbm>>) dst(%arg11 : memref<125x128xbf16, #tpu.memory_space<vmem>>)
      tpu.yield
    }) : () -> ()
    %add3A_3 = arith.constant 0 : i32
    %add3A_4 = arith.addi %arg1, %add3A_3 : i32
    %lt3A = arith.constant 104 : i32
    %lt3A_5 = arith.cmpi slt, %add3A_4, %lt3A : i32
    %convert_element_type3A = arith.extui %lt3A_5 : i1 to i32
    %cond3A = arith.constant 0 : i32
    %cond3A_6 = arith.cmpi ne, %convert_element_type3A, %cond3A : i32
    scf.if %cond3A_6 {
      %mul3A_567 = arith.constant 96 : i32
      %mul3A_568 = arith.muli %add3A_4, %mul3A_567 : i32
      "tpu.region"() ({
        %run_scoped3A = tpu.sem_alloc : memref<!tpu.dma_semaphore, #tpu.memory_space<semaphore_mem>>
        %dma_start3A_569 = arith.constant 0 : i32
        %dma_start3A_570 = arith.constant 0 : i32
        %dma_start3A_571 = tpu.memref_slice %arg11[%dma_start3A_569, %dma_start3A_570] : memref<125x128xbf16, #tpu.memory_space<vmem>> -> memref<96x128xbf16, #tpu.memory_space<vmem>>
        %dma_start3A_572 = arith.constant 0 : i32
        %dma_start3A_573 = tpu.memref_slice %arg13[%mul3A_568, %dma_start3A_572] : memref<10000x128xbf16, #tpu.memory_space<vmem_shared>> -> memref<96x128xbf16, #tpu.memory_space<vmem_shared>>
        %dma_start3A_574 = arith.constant 0 : i32
        %dma_start3A_575 = tpu.memref_slice %arg13[%mul3A_568, %dma_start3A_574] : memref<10000x128xbf16, #tpu.memory_space<vmem_shared>> -> memref<96x128xbf16, #tpu.memory_space<vmem_shared>>
        %dma_start3A_576 = arith.constant 0 : i32
        %dma_start3A_577 = arith.constant 0 : i32
        %dma_start3A_578 = tpu.memref_slice %arg11[%dma_start3A_576, %dma_start3A_577] : memref<125x128xbf16, #tpu.memory_space<vmem>> -> memref<96x128xbf16, #tpu.memory_space<vmem>>
        tpu.enqueue_dma source(%dma_start3A_578 : memref<96x128xbf16, #tpu.memory_space<vmem>>) target(%dma_start3A_575 : memref<96x128xbf16, #tpu.memory_space<vmem_shared>>) target_semaphore(%run_scoped3A : memref<!tpu.dma_semaphore, #tpu.memory_space<semaphore_mem>>)
        %dma_wait3A = arith.constant 0 : i32
        %dma_wait3A_579 = arith.constant 0 : i32
        %dma_wait3A_580 = tpu.memref_slice %arg11[%dma_wait3A, %dma_wait3A_579] : memref<125x128xbf16, #tpu.memory_space<vmem>> -> memref<96x128xbf16, #tpu.memory_space<vmem>>
        %dma_wait3A_581 = arith.constant 0 : i32
        %dma_wait3A_582 = tpu.memref_slice %arg13[%mul3A_568, %dma_wait3A_581] : memref<10000x128xbf16, #tpu.memory_space<vmem_shared>> -> memref<96x128xbf16, #tpu.memory_space<vmem_shared>>
        %dma_wait3A_583 = arith.constant 0 : i32
        %dma_wait3A_584 = tpu.memref_slice %arg13[%mul3A_568, %dma_wait3A_583] : memref<10000x128xbf16, #tpu.memory_space<vmem_shared>> -> memref<96x128xbf16, #tpu.memory_space<vmem_shared>>
        %dma_wait3A_585 = arith.constant 0 : i32
        %dma_wait3A_586 = arith.constant 0 : i32
        %dma_wait3A_587 = tpu.memref_slice %arg11[%dma_wait3A_585, %dma_wait3A_586] : memref<125x128xbf16, #tpu.memory_space<vmem>> -> memref<96x128xbf16, #tpu.memory_space<vmem>>
        tpu.wait_dma2 semaphore(%run_scoped3A : memref<!tpu.dma_semaphore, #tpu.memory_space<semaphore_mem>>) src(%dma_wait3A_587 : memref<96x128xbf16, #tpu.memory_space<vmem>>) dst(%dma_wait3A_584 : memref<96x128xbf16, #tpu.memory_space<vmem_shared>>)
        tpu.yield
      }) : () -> ()
    } else {
    }
    %eq3A = arith.constant 104 : i32
    %eq3A_7 = arith.cmpi eq, %add3A_4, %eq3A : i32
    %convert_element_type3A_8 = arith.extui %eq3A_7 : i1 to i32
    %cond3A_9 = arith.constant 0 : i32
    %cond3A_10 = arith.cmpi ne, %convert_element_type3A_8, %cond3A_9 : i32
    scf.if %cond3A_10 {
      %mul3A_567 = arith.constant 96 : i32
      %mul3A_568 = arith.muli %add3A_4, %mul3A_567 : i32
      "tpu.region"() ({
        %run_scoped3A = tpu.sem_alloc : memref<!tpu.dma_semaphore, #tpu.memory_space<semaphore_mem>>
        %dma_start3A_569 = arith.constant 0 : i32
        %dma_start3A_570 = arith.constant 0 : i32
        %dma_start3A_571 = tpu.memref_slice %arg11[%dma_start3A_569, %dma_start3A_570] : memref<125x128xbf16, #tpu.memory_space<vmem>> -> memref<16x128xbf16, #tpu.memory_space<vmem>>
        %dma_start3A_572 = arith.constant 0 : i32
        %dma_start3A_573 = tpu.memref_slice %arg13[%mul3A_568, %dma_start3A_572] : memref<10000x128xbf16, #tpu.memory_space<vmem_shared>> -> memref<16x128xbf16, #tpu.memory_space<vmem_shared>>
        %dma_start3A_574 = arith.constant 0 : i32
        %dma_start3A_575 = tpu.memref_slice %arg13[%mul3A_568, %dma_start3A_574] : memref<10000x128xbf16, #tpu.memory_space<vmem_shared>> -> memref<16x128xbf16, #tpu.memory_space<vmem_shared>>
        %dma_start3A_576 = arith.constant 0 : i32
        %dma_start3A_577 = arith.constant 0 : i32
        %dma_start3A_578 = tpu.memref_slice %arg11[%dma_start3A_576, %dma_start3A_577] : memref<125x128xbf16, #tpu.memory_space<vmem>> -> memref<16x128xbf16, #tpu.memory_space<vmem>>
        tpu.enqueue_dma source(%dma_start3A_578 : memref<16x128xbf16, #tpu.memory_space<vmem>>) target(%dma_start3A_575 : memref<16x128xbf16, #tpu.memory_space<vmem_shared>>) target_semaphore(%run_scoped3A : memref<!tpu.dma_semaphore, #tpu.memory_space<semaphore_mem>>)
        %dma_wait3A = arith.constant 0 : i32
        %dma_wait3A_579 = arith.constant 0 : i32
        %dma_wait3A_580 = tpu.memref_slice %arg11[%dma_wait3A, %dma_wait3A_579] : memref<125x128xbf16, #tpu.memory_space<vmem>> -> memref<16x128xbf16, #tpu.memory_space<vmem>>
        %dma_wait3A_581 = arith.constant 0 : i32
        %dma_wait3A_582 = tpu.memref_slice %arg13[%mul3A_568, %dma_wait3A_581] : memref<10000x128xbf16, #tpu.memory_space<vmem_shared>> -> memref<16x128xbf16, #tpu.memory_space<vmem_shared>>
        %dma_wait3A_583 = arith.constant 0 : i32
        %dma_wait3A_584 = tpu.memref_slice %arg13[%mul3A_568, %dma_wait3A_583] : memref<10000x128xbf16, #tpu.memory_space<vmem_shared>> -> memref<16x128xbf16, #tpu.memory_space<vmem_shared>>
        %dma_wait3A_585 = arith.constant 0 : i32
        %dma_wait3A_586 = arith.constant 0 : i32
        %dma_wait3A_587 = tpu.memref_slice %arg11[%dma_wait3A_585, %dma_wait3A_586] : memref<125x128xbf16, #tpu.memory_space<vmem>> -> memref<16x128xbf16, #tpu.memory_space<vmem>>
        tpu.wait_dma2 semaphore(%run_scoped3A : memref<!tpu.dma_semaphore, #tpu.memory_space<semaphore_mem>>) src(%dma_wait3A_587 : memref<16x128xbf16, #tpu.memory_space<vmem>>) dst(%dma_wait3A_584 : memref<16x128xbf16, #tpu.memory_space<vmem_shared>>)
        tpu.yield
      }) : () -> ()
    } else {
    }
    %add3A_11 = arith.constant 16 : i32
    %add3A_12 = arith.addi %arg1, %add3A_11 : i32
    %lt3A_13 = arith.constant 104 : i32
    %lt3A_14 = arith.cmpi slt, %add3A_12, %lt3A_13 : i32
    %convert_element_type3A_15 = arith.extui %lt3A_14 : i1 to i32
    %cond3A_16 = arith.constant 0 : i32
    %cond3A_17 = arith.cmpi ne, %convert_element_type3A_15, %cond3A_16 : i32
    scf.if %cond3A_17 {
      %mul3A_567 = arith.constant 96 : i32
      %mul3A_568 = arith.muli %add3A_12, %mul3A_567 : i32
      "tpu.region"() ({
        %run_scoped3A = tpu.sem_alloc : memref<!tpu.dma_semaphore, #tpu.memory_space<semaphore_mem>>
        %dma_start3A_569 = arith.constant 0 : i32
        %dma_start3A_570 = arith.constant 0 : i32
        %dma_start3A_571 = tpu.memref_slice %arg11[%dma_start3A_569, %dma_start3A_570] : memref<125x128xbf16, #tpu.memory_space<vmem>> -> memref<96x128xbf16, #tpu.memory_space<vmem>>
        %dma_start3A_572 = arith.constant 0 : i32
        %dma_start3A_573 = tpu.memref_slice %arg13[%mul3A_568, %dma_start3A_572] : memref<10000x128xbf16, #tpu.memory_space<vmem_shared>> -> memref<96x128xbf16, #tpu.memory_space<vmem_shared>>
        %dma_start3A_574 = arith.constant 0 : i32
        %dma_start3A_575 = tpu.memref_slice %arg13[%mul3A_568, %dma_start3A_574] : memref<10000x128xbf16, #tpu.memory_space<vmem_shared>> -> memref<96x128xbf16, #tpu.memory_space<vmem_shared>>
        %dma_start3A_576 = arith.constant 0 : i32
        %dma_start3A_577 = arith.constant 0 : i32
        %dma_start3A_578 = tpu.memref_slice %arg11[%dma_start3A_576, %dma_start3A_577] : memref<125x128xbf16, #tpu.memory_space<vmem>> -> memref<96x128xbf16, #tpu.memory_space<vmem>>
        tpu.enqueue_dma source(%dma_start3A_578 : memref<96x128xbf16, #tpu.memory_space<vmem>>) target(%dma_start3A_575 : memref<96x128xbf16, #tpu.memory_space<vmem_shared>>) target_semaphore(%run_scoped3A : memref<!tpu.dma_semaphore, #tpu.memory_space<semaphore_mem>>)
        %dma_wait3A = arith.constant 0 : i32
        %dma_wait3A_579 = arith.constant 0 : i32
        %dma_wait3A_580 = tpu.memref_slice %arg11[%dma_wait3A, %dma_wait3A_579] : memref<125x128xbf16, #tpu.memory_space<vmem>> -> memref<96x128xbf16, #tpu.memory_space<vmem>>
        %dma_wait3A_581 = arith.constant 0 : i32
        %dma_wait3A_582 = tpu.memref_slice %arg13[%mul3A_568, %dma_wait3A_581] : memref<10000x128xbf16, #tpu.memory_space<vmem_shared>> -> memref<96x128xbf16, #tpu.memory_space<vmem_shared>>
        %dma_wait3A_583 = arith.constant 0 : i32
        %dma_wait3A_584 = tpu.memref_slice %arg13[%mul3A_568, %dma_wait3A_583] : memref<10000x128xbf16, #tpu.memory_space<vmem_shared>> -> memref<96x128xbf16, #tpu.memory_space<vmem_shared>>
        %dma_wait3A_585 = arith.constant 0 : i32
        %dma_wait3A_586 = arith.constant 0 : i32
        %dma_wait3A_587 = tpu.memref_slice %arg11[%dma_wait3A_585, %dma_wait3A_586] : memref<125x128xbf16, #tpu.memory_space<vmem>> -> memref<96x128xbf16, #tpu.memory_space<vmem>>
        tpu.wait_dma2 semaphore(%run_scoped3A : memref<!tpu.dma_semaphore, #tpu.memory_space<semaphore_mem>>) src(%dma_wait3A_587 : memref<96x128xbf16, #tpu.memory_space<vmem>>) dst(%dma_wait3A_584 : memref<96x128xbf16, #tpu.memory_space<vmem_shared>>)
        tpu.yield
      }) : () -> ()
    } else {
    }
    %eq3A_18 = arith.constant 104 : i32
    %eq3A_19 = arith.cmpi eq, %add3A_12, %eq3A_18 : i32
    %convert_element_type3A_20 = arith.extui %eq3A_19 : i1 to i32
    %cond3A_21 = arith.constant 0 : i32
    %cond3A_22 = arith.cmpi ne, %convert_element_type3A_20, %cond3A_21 : i32
    scf.if %cond3A_22 {
      %mul3A_567 = arith.constant 96 : i32
      %mul3A_568 = arith.muli %add3A_12, %mul3A_567 : i32
      "tpu.region"() ({
        %run_scoped3A = tpu.sem_alloc : memref<!tpu.dma_semaphore, #tpu.memory_space<semaphore_mem>>
        %dma_start3A_569 = arith.constant 0 : i32
        %dma_start3A_570 = arith.constant 0 : i32
        %dma_start3A_571 = tpu.memref_slice %arg11[%dma_start3A_569, %dma_start3A_570] : memref<125x128xbf16, #tpu.memory_space<vmem>> -> memref<16x128xbf16, #tpu.memory_space<vmem>>
        %dma_start3A_572 = arith.constant 0 : i32
        %dma_start3A_573 = tpu.memref_slice %arg13[%mul3A_568, %dma_start3A_572] : memref<10000x128xbf16, #tpu.memory_space<vmem_shared>> -> memref<16x128xbf16, #tpu.memory_space<vmem_shared>>
        %dma_start3A_574 = arith.constant 0 : i32
        %dma_start3A_575 = tpu.memref_slice %arg13[%mul3A_568, %dma_start3A_574] : memref<10000x128xbf16, #tpu.memory_space<vmem_shared>> -> memref<16x128xbf16, #tpu.memory_space<vmem_shared>>
        %dma_start3A_576 = arith.constant 0 : i32
        %dma_start3A_577 = arith.constant 0 : i32
        %dma_start3A_578 = tpu.memref_slice %arg11[%dma_start3A_576, %dma_start3A_577] : memref<125x128xbf16, #tpu.memory_space<vmem>> -> memref<16x128xbf16, #tpu.memory_space<vmem>>
        tpu.enqueue_dma source(%dma_start3A_578 : memref<16x128xbf16, #tpu.memory_space<vmem>>) target(%dma_start3A_575 : memref<16x128xbf16, #tpu.memory_space<vmem_shared>>) target_semaphore(%run_scoped3A : memref<!tpu.dma_semaphore, #tpu.memory_space<semaphore_mem>>)
        %dma_wait3A = arith.constant 0 : i32
        %dma_wait3A_579 = arith.constant 0 : i32
        %dma_wait3A_580 = tpu.memref_slice %arg11[%dma_wait3A, %dma_wait3A_579] : memref<125x128xbf16, #tpu.memory_space<vmem>> -> memref<16x128xbf16, #tpu.memory_space<vmem>>
        %dma_wait3A_581 = arith.constant 0 : i32
        %dma_wait3A_582 = tpu.memref_slice %arg13[%mul3A_568, %dma_wait3A_581] : memref<10000x128xbf16, #tpu.memory_space<vmem_shared>> -> memref<16x128xbf16, #tpu.memory_space<vmem_shared>>
        %dma_wait3A_583 = arith.constant 0 : i32
        %dma_wait3A_584 = tpu.memref_slice %arg13[%mul3A_568, %dma_wait3A_583] : memref<10000x128xbf16, #tpu.memory_space<vmem_shared>> -> memref<16x128xbf16, #tpu.memory_space<vmem_shared>>
        %dma_wait3A_585 = arith.constant 0 : i32
        %dma_wait3A_586 = arith.constant 0 : i32
        %dma_wait3A_587 = tpu.memref_slice %arg11[%dma_wait3A_585, %dma_wait3A_586] : memref<125x128xbf16, #tpu.memory_space<vmem>> -> memref<16x128xbf16, #tpu.memory_space<vmem>>
        tpu.wait_dma2 semaphore(%run_scoped3A : memref<!tpu.dma_semaphore, #tpu.memory_space<semaphore_mem>>) src(%dma_wait3A_587 : memref<16x128xbf16, #tpu.memory_space<vmem>>) dst(%dma_wait3A_584 : memref<16x128xbf16, #tpu.memory_space<vmem_shared>>)
        tpu.yield
      }) : () -> ()
    } else {
    }
    %add3A_23 = arith.constant 32 : i32
    %add3A_24 = arith.addi %arg1, %add3A_23 : i32
    %lt3A_25 = arith.constant 104 : i32
    %lt3A_26 = arith.cmpi slt, %add3A_24, %lt3A_25 : i32
    %convert_element_type3A_27 = arith.extui %lt3A_26 : i1 to i32
    %cond3A_28 = arith.constant 0 : i32
    %cond3A_29 = arith.cmpi ne, %convert_element_type3A_27, %cond3A_28 : i32
    scf.if %cond3A_29 {
      %mul3A_567 = arith.constant 96 : i32
      %mul3A_568 = arith.muli %add3A_24, %mul3A_567 : i32
      "tpu.region"() ({
        %run_scoped3A = tpu.sem_alloc : memref<!tpu.dma_semaphore, #tpu.memory_space<semaphore_mem>>
        %dma_start3A_569 = arith.constant 0 : i32
        %dma_start3A_570 = arith.constant 0 : i32
        %dma_start3A_571 = tpu.memref_slice %arg11[%dma_start3A_569, %dma_start3A_570] : memref<125x128xbf16, #tpu.memory_space<vmem>> -> memref<96x128xbf16, #tpu.memory_space<vmem>>
        %dma_start3A_572 = arith.constant 0 : i32
        %dma_start3A_573 = tpu.memref_slice %arg13[%mul3A_568, %dma_start3A_572] : memref<10000x128xbf16, #tpu.memory_space<vmem_shared>> -> memref<96x128xbf16, #tpu.memory_space<vmem_shared>>
        %dma_start3A_574 = arith.constant 0 : i32
        %dma_start3A_575 = tpu.memref_slice %arg13[%mul3A_568, %dma_start3A_574] : memref<10000x128xbf16, #tpu.memory_space<vmem_shared>> -> memref<96x128xbf16, #tpu.memory_space<vmem_shared>>
        %dma_start3A_576 = arith.constant 0 : i32
        %dma_start3A_577 = arith.constant 0 : i32
        %dma_start3A_578 = tpu.memref_slice %arg11[%dma_start3A_576, %dma_start3A_577] : memref<125x128xbf16, #tpu.memory_space<vmem>> -> memref<96x128xbf16, #tpu.memory_space<vmem>>
        tpu.enqueue_dma source(%dma_start3A_578 : memref<96x128xbf16, #tpu.memory_space<vmem>>) target(%dma_start3A_575 : memref<96x128xbf16, #tpu.memory_space<vmem_shared>>) target_semaphore(%run_scoped3A : memref<!tpu.dma_semaphore, #tpu.memory_space<semaphore_mem>>)
        %dma_wait3A = arith.constant 0 : i32
        %dma_wait3A_579 = arith.constant 0 : i32
        %dma_wait3A_580 = tpu.memref_slice %arg11[%dma_wait3A, %dma_wait3A_579] : memref<125x128xbf16, #tpu.memory_space<vmem>> -> memref<96x128xbf16, #tpu.memory_space<vmem>>
        %dma_wait3A_581 = arith.constant 0 : i32
        %dma_wait3A_582 = tpu.memref_slice %arg13[%mul3A_568, %dma_wait3A_581] : memref<10000x128xbf16, #tpu.memory_space<vmem_shared>> -> memref<96x128xbf16, #tpu.memory_space<vmem_shared>>
        %dma_wait3A_583 = arith.constant 0 : i32
        %dma_wait3A_584 = tpu.memref_slice %arg13[%mul3A_568, %dma_wait3A_583] : memref<10000x128xbf16, #tpu.memory_space<vmem_shared>> -> memref<96x128xbf16, #tpu.memory_space<vmem_shared>>
        %dma_wait3A_585 = arith.constant 0 : i32
        %dma_wait3A_586 = arith.constant 0 : i32
        %dma_wait3A_587 = tpu.memref_slice %arg11[%dma_wait3A_585, %dma_wait3A_586] : memref<125x128xbf16, #tpu.memory_space<vmem>> -> memref<96x128xbf16, #tpu.memory_space<vmem>>
        tpu.wait_dma2 semaphore(%run_scoped3A : memref<!tpu.dma_semaphore, #tpu.memory_space<semaphore_mem>>) src(%dma_wait3A_587 : memref<96x128xbf16, #tpu.memory_space<vmem>>) dst(%dma_wait3A_584 : memref<96x128xbf16, #tpu.memory_space<vmem_shared>>)
        tpu.yield
      }) : () -> ()
    } else {
    }
    %eq3A_30 = arith.constant 104 : i32
    %eq3A_31 = arith.cmpi eq, %add3A_24, %eq3A_30 : i32
    %convert_element_type3A_32 = arith.extui %eq3A_31 : i1 to i32
    %cond3A_33 = arith.constant 0 : i32
    %cond3A_34 = arith.cmpi ne, %convert_element_type3A_32, %cond3A_33 : i32
    scf.if %cond3A_34 {
      %mul3A_567 = arith.constant 96 : i32
      %mul3A_568 = arith.muli %add3A_24, %mul3A_567 : i32
      "tpu.region"() ({
        %run_scoped3A = tpu.sem_alloc : memref<!tpu.dma_semaphore, #tpu.memory_space<semaphore_mem>>
        %dma_start3A_569 = arith.constant 0 : i32
        %dma_start3A_570 = arith.constant 0 : i32
        %dma_start3A_571 = tpu.memref_slice %arg11[%dma_start3A_569, %dma_start3A_570] : memref<125x128xbf16, #tpu.memory_space<vmem>> -> memref<16x128xbf16, #tpu.memory_space<vmem>>
        %dma_start3A_572 = arith.constant 0 : i32
        %dma_start3A_573 = tpu.memref_slice %arg13[%mul3A_568, %dma_start3A_572] : memref<10000x128xbf16, #tpu.memory_space<vmem_shared>> -> memref<16x128xbf16, #tpu.memory_space<vmem_shared>>
        %dma_start3A_574 = arith.constant 0 : i32
        %dma_start3A_575 = tpu.memref_slice %arg13[%mul3A_568, %dma_start3A_574] : memref<10000x128xbf16, #tpu.memory_space<vmem_shared>> -> memref<16x128xbf16, #tpu.memory_space<vmem_shared>>
        %dma_start3A_576 = arith.constant 0 : i32
        %dma_start3A_577 = arith.constant 0 : i32
        %dma_start3A_578 = tpu.memref_slice %arg11[%dma_start3A_576, %dma_start3A_577] : memref<125x128xbf16, #tpu.memory_space<vmem>> -> memref<16x128xbf16, #tpu.memory_space<vmem>>
        tpu.enqueue_dma source(%dma_start3A_578 : memref<16x128xbf16, #tpu.memory_space<vmem>>) target(%dma_start3A_575 : memref<16x128xbf16, #tpu.memory_space<vmem_shared>>) target_semaphore(%run_scoped3A : memref<!tpu.dma_semaphore, #tpu.memory_space<semaphore_mem>>)
        %dma_wait3A = arith.constant 0 : i32
        %dma_wait3A_579 = arith.constant 0 : i32
        %dma_wait3A_580 = tpu.memref_slice %arg11[%dma_wait3A, %dma_wait3A_579] : memref<125x128xbf16, #tpu.memory_space<vmem>> -> memref<16x128xbf16, #tpu.memory_space<vmem>>
        %dma_wait3A_581 = arith.constant 0 : i32
        %dma_wait3A_582 = tpu.memref_slice %arg13[%mul3A_568, %dma_wait3A_581] : memref<10000x128xbf16, #tpu.memory_space<vmem_shared>> -> memref<16x128xbf16, #tpu.memory_space<vmem_shared>>
        %dma_wait3A_583 = arith.constant 0 : i32
        %dma_wait3A_584 = tpu.memref_slice %arg13[%mul3A_568, %dma_wait3A_583] : memref<10000x128xbf16, #tpu.memory_space<vmem_shared>> -> memref<16x128xbf16, #tpu.memory_space<vmem_shared>>
        %dma_wait3A_585 = arith.constant 0 : i32
        %dma_wait3A_586 = arith.constant 0 : i32
        %dma_wait3A_587 = tpu.memref_slice %arg11[%dma_wait3A_585, %dma_wait3A_586] : memref<125x128xbf16, #tpu.memory_space<vmem>> -> memref<16x128xbf16, #tpu.memory_space<vmem>>
        tpu.wait_dma2 semaphore(%run_scoped3A : memref<!tpu.dma_semaphore, #tpu.memory_space<semaphore_mem>>) src(%dma_wait3A_587 : memref<16x128xbf16, #tpu.memory_space<vmem>>) dst(%dma_wait3A_584 : memref<16x128xbf16, #tpu.memory_space<vmem_shared>>)
        tpu.yield
      }) : () -> ()
    } else {
    }
    %add3A_35 = arith.constant 48 : i32
    %add3A_36 = arith.addi %arg1, %add3A_35 : i32
    %lt3A_37 = arith.constant 104 : i32
    %lt3A_38 = arith.cmpi slt, %add3A_36, %lt3A_37 : i32
    %convert_element_type3A_39 = arith.extui %lt3A_38 : i1 to i32
    %cond3A_40 = arith.constant 0 : i32
    %cond3A_41 = arith.cmpi ne, %convert_element_type3A_39, %cond3A_40 : i32
    scf.if %cond3A_41 {
      %mul3A_567 = arith.constant 96 : i32
      %mul3A_568 = arith.muli %add3A_36, %mul3A_567 : i32
      "tpu.region"() ({
        %run_scoped3A = tpu.sem_alloc : memref<!tpu.dma_semaphore, #tpu.memory_space<semaphore_mem>>
        %dma_start3A_569 = arith.constant 0 : i32
        %dma_start3A_570 = arith.constant 0 : i32
        %dma_start3A_571 = tpu.memref_slice %arg11[%dma_start3A_569, %dma_start3A_570] : memref<125x128xbf16, #tpu.memory_space<vmem>> -> memref<96x128xbf16, #tpu.memory_space<vmem>>
        %dma_start3A_572 = arith.constant 0 : i32
        %dma_start3A_573 = tpu.memref_slice %arg13[%mul3A_568, %dma_start3A_572] : memref<10000x128xbf16, #tpu.memory_space<vmem_shared>> -> memref<96x128xbf16, #tpu.memory_space<vmem_shared>>
        %dma_start3A_574 = arith.constant 0 : i32
        %dma_start3A_575 = tpu.memref_slice %arg13[%mul3A_568, %dma_start3A_574] : memref<10000x128xbf16, #tpu.memory_space<vmem_shared>> -> memref<96x128xbf16, #tpu.memory_space<vmem_shared>>
        %dma_start3A_576 = arith.constant 0 : i32
        %dma_start3A_577 = arith.constant 0 : i32
        %dma_start3A_578 = tpu.memref_slice %arg11[%dma_start3A_576, %dma_start3A_577] : memref<125x128xbf16, #tpu.memory_space<vmem>> -> memref<96x128xbf16, #tpu.memory_space<vmem>>
        tpu.enqueue_dma source(%dma_start3A_578 : memref<96x128xbf16, #tpu.memory_space<vmem>>) target(%dma_start3A_575 : memref<96x128xbf16, #tpu.memory_space<vmem_shared>>) target_semaphore(%run_scoped3A : memref<!tpu.dma_semaphore, #tpu.memory_space<semaphore_mem>>)
        %dma_wait3A = arith.constant 0 : i32
        %dma_wait3A_579 = arith.constant 0 : i32
        %dma_wait3A_580 = tpu.memref_slice %arg11[%dma_wait3A, %dma_wait3A_579] : memref<125x128xbf16, #tpu.memory_space<vmem>> -> memref<96x128xbf16, #tpu.memory_space<vmem>>
        %dma_wait3A_581 = arith.constant 0 : i32
        %dma_wait3A_582 = tpu.memref_slice %arg13[%mul3A_568, %dma_wait3A_581] : memref<10000x128xbf16, #tpu.memory_space<vmem_shared>> -> memref<96x128xbf16, #tpu.memory_space<vmem_shared>>
        %dma_wait3A_583 = arith.constant 0 : i32
        %dma_wait3A_584 = tpu.memref_slice %arg13[%mul3A_568, %dma_wait3A_583] : memref<10000x128xbf16, #tpu.memory_space<vmem_shared>> -> memref<96x128xbf16, #tpu.memory_space<vmem_shared>>
        %dma_wait3A_585 = arith.constant 0 : i32
        %dma_wait3A_586 = arith.constant 0 : i32
        %dma_wait3A_587 = tpu.memref_slice %arg11[%dma_wait3A_585, %dma_wait3A_586] : memref<125x128xbf16, #tpu.memory_space<vmem>> -> memref<96x128xbf16, #tpu.memory_space<vmem>>
        tpu.wait_dma2 semaphore(%run_scoped3A : memref<!tpu.dma_semaphore, #tpu.memory_space<semaphore_mem>>) src(%dma_wait3A_587 : memref<96x128xbf16, #tpu.memory_space<vmem>>) dst(%dma_wait3A_584 : memref<96x128xbf16, #tpu.memory_space<vmem_shared>>)
        tpu.yield
      }) : () -> ()
    } else {
    }
    %eq3A_42 = arith.constant 104 : i32
    %eq3A_43 = arith.cmpi eq, %add3A_36, %eq3A_42 : i32
    %convert_element_type3A_44 = arith.extui %eq3A_43 : i1 to i32
    %cond3A_45 = arith.constant 0 : i32
    %cond3A_46 = arith.cmpi ne, %convert_element_type3A_44, %cond3A_45 : i32
    scf.if %cond3A_46 {
      %mul3A_567 = arith.constant 96 : i32
      %mul3A_568 = arith.muli %add3A_36, %mul3A_567 : i32
      "tpu.region"() ({
        %run_scoped3A = tpu.sem_alloc : memref<!tpu.dma_semaphore, #tpu.memory_space<semaphore_mem>>
        %dma_start3A_569 = arith.constant 0 : i32
        %dma_start3A_570 = arith.constant 0 : i32
        %dma_start3A_571 = tpu.memref_slice %arg11[%dma_start3A_569, %dma_start3A_570] : memref<125x128xbf16, #tpu.memory_space<vmem>> -> memref<16x128xbf16, #tpu.memory_space<vmem>>
        %dma_start3A_572 = arith.constant 0 : i32
        %dma_start3A_573 = tpu.memref_slice %arg13[%mul3A_568, %dma_start3A_572] : memref<10000x128xbf16, #tpu.memory_space<vmem_shared>> -> memref<16x128xbf16, #tpu.memory_space<vmem_shared>>
        %dma_start3A_574 = arith.constant 0 : i32
        %dma_start3A_575 = tpu.memref_slice %arg13[%mul3A_568, %dma_start3A_574] : memref<10000x128xbf16, #tpu.memory_space<vmem_shared>> -> memref<16x128xbf16, #tpu.memory_space<vmem_shared>>
        %dma_start3A_576 = arith.constant 0 : i32
        %dma_start3A_577 = arith.constant 0 : i32
        %dma_start3A_578 = tpu.memref_slice %arg11[%dma_start3A_576, %dma_start3A_577] : memref<125x128xbf16, #tpu.memory_space<vmem>> -> memref<16x128xbf16, #tpu.memory_space<vmem>>
        tpu.enqueue_dma source(%dma_start3A_578 : memref<16x128xbf16, #tpu.memory_space<vmem>>) target(%dma_start3A_575 : memref<16x128xbf16, #tpu.memory_space<vmem_shared>>) target_semaphore(%run_scoped3A : memref<!tpu.dma_semaphore, #tpu.memory_space<semaphore_mem>>)
        %dma_wait3A = arith.constant 0 : i32
        %dma_wait3A_579 = arith.constant 0 : i32
        %dma_wait3A_580 = tpu.memref_slice %arg11[%dma_wait3A, %dma_wait3A_579] : memref<125x128xbf16, #tpu.memory_space<vmem>> -> memref<16x128xbf16, #tpu.memory_space<vmem>>
        %dma_wait3A_581 = arith.constant 0 : i32
        %dma_wait3A_582 = tpu.memref_slice %arg13[%mul3A_568, %dma_wait3A_581] : memref<10000x128xbf16, #tpu.memory_space<vmem_shared>> -> memref<16x128xbf16, #tpu.memory_space<vmem_shared>>
        %dma_wait3A_583 = arith.constant 0 : i32
        %dma_wait3A_584 = tpu.memref_slice %arg13[%mul3A_568, %dma_wait3A_583] : memref<10000x128xbf16, #tpu.memory_space<vmem_shared>> -> memref<16x128xbf16, #tpu.memory_space<vmem_shared>>
        %dma_wait3A_585 = arith.constant 0 : i32
        %dma_wait3A_586 = arith.constant 0 : i32
        %dma_wait3A_587 = tpu.memref_slice %arg11[%dma_wait3A_585, %dma_wait3A_586] : memref<125x128xbf16, #tpu.memory_space<vmem>> -> memref<16x128xbf16, #tpu.memory_space<vmem>>
        tpu.wait_dma2 semaphore(%run_scoped3A : memref<!tpu.dma_semaphore, #tpu.memory_space<semaphore_mem>>) src(%dma_wait3A_587 : memref<16x128xbf16, #tpu.memory_space<vmem>>) dst(%dma_wait3A_584 : memref<16x128xbf16, #tpu.memory_space<vmem_shared>>)
        tpu.yield
      }) : () -> ()
    } else {
    }
    %add3A_47 = arith.constant 64 : i32
    %add3A_48 = arith.addi %arg1, %add3A_47 : i32
    %lt3A_49 = arith.constant 104 : i32
    %lt3A_50 = arith.cmpi slt, %add3A_48, %lt3A_49 : i32
    %convert_element_type3A_51 = arith.extui %lt3A_50 : i1 to i32
    %cond3A_52 = arith.constant 0 : i32
    %cond3A_53 = arith.cmpi ne, %convert_element_type3A_51, %cond3A_52 : i32
    scf.if %cond3A_53 {
      %mul3A_567 = arith.constant 96 : i32
      %mul3A_568 = arith.muli %add3A_48, %mul3A_567 : i32
      "tpu.region"() ({
        %run_scoped3A = tpu.sem_alloc : memref<!tpu.dma_semaphore, #tpu.memory_space<semaphore_mem>>
        %dma_start3A_569 = arith.constant 0 : i32
        %dma_start3A_570 = arith.constant 0 : i32
        %dma_start3A_571 = tpu.memref_slice %arg11[%dma_start3A_569, %dma_start3A_570] : memref<125x128xbf16, #tpu.memory_space<vmem>> -> memref<96x128xbf16, #tpu.memory_space<vmem>>
        %dma_start3A_572 = arith.constant 0 : i32
        %dma_start3A_573 = tpu.memref_slice %arg13[%mul3A_568, %dma_start3A_572] : memref<10000x128xbf16, #tpu.memory_space<vmem_shared>> -> memref<96x128xbf16, #tpu.memory_space<vmem_shared>>
        %dma_start3A_574 = arith.constant 0 : i32
        %dma_start3A_575 = tpu.memref_slice %arg13[%mul3A_568, %dma_start3A_574] : memref<10000x128xbf16, #tpu.memory_space<vmem_shared>> -> memref<96x128xbf16, #tpu.memory_space<vmem_shared>>
        %dma_start3A_576 = arith.constant 0 : i32
        %dma_start3A_577 = arith.constant 0 : i32
        %dma_start3A_578 = tpu.memref_slice %arg11[%dma_start3A_576, %dma_start3A_577] : memref<125x128xbf16, #tpu.memory_space<vmem>> -> memref<96x128xbf16, #tpu.memory_space<vmem>>
        tpu.enqueue_dma source(%dma_start3A_578 : memref<96x128xbf16, #tpu.memory_space<vmem>>) target(%dma_start3A_575 : memref<96x128xbf16, #tpu.memory_space<vmem_shared>>) target_semaphore(%run_scoped3A : memref<!tpu.dma_semaphore, #tpu.memory_space<semaphore_mem>>)
        %dma_wait3A = arith.constant 0 : i32
        %dma_wait3A_579 = arith.constant 0 : i32
        %dma_wait3A_580 = tpu.memref_slice %arg11[%dma_wait3A, %dma_wait3A_579] : memref<125x128xbf16, #tpu.memory_space<vmem>> -> memref<96x128xbf16, #tpu.memory_space<vmem>>
        %dma_wait3A_581 = arith.constant 0 : i32
        %dma_wait3A_582 = tpu.memref_slice %arg13[%mul3A_568, %dma_wait3A_581] : memref<10000x128xbf16, #tpu.memory_space<vmem_shared>> -> memref<96x128xbf16, #tpu.memory_space<vmem_shared>>
        %dma_wait3A_583 = arith.constant 0 : i32
        %dma_wait3A_584 = tpu.memref_slice %arg13[%mul3A_568, %dma_wait3A_583] : memref<10000x128xbf16, #tpu.memory_space<vmem_shared>> -> memref<96x128xbf16, #tpu.memory_space<vmem_shared>>
        %dma_wait3A_585 = arith.constant 0 : i32
        %dma_wait3A_586 = arith.constant 0 : i32
        %dma_wait3A_587 = tpu.memref_slice %arg11[%dma_wait3A_585, %dma_wait3A_586] : memref<125x128xbf16, #tpu.memory_space<vmem>> -> memref<96x128xbf16, #tpu.memory_space<vmem>>
        tpu.wait_dma2 semaphore(%run_scoped3A : memref<!tpu.dma_semaphore, #tpu.memory_space<semaphore_mem>>) src(%dma_wait3A_587 : memref<96x128xbf16, #tpu.memory_space<vmem>>) dst(%dma_wait3A_584 : memref<96x128xbf16, #tpu.memory_space<vmem_shared>>)
        tpu.yield
      }) : () -> ()
    } else {
    }
    %eq3A_54 = arith.constant 104 : i32
    %eq3A_55 = arith.cmpi eq, %add3A_48, %eq3A_54 : i32
    %convert_element_type3A_56 = arith.extui %eq3A_55 : i1 to i32
    %cond3A_57 = arith.constant 0 : i32
    %cond3A_58 = arith.cmpi ne, %convert_element_type3A_56, %cond3A_57 : i32
    scf.if %cond3A_58 {
      %mul3A_567 = arith.constant 96 : i32
      %mul3A_568 = arith.muli %add3A_48, %mul3A_567 : i32
      "tpu.region"() ({
        %run_scoped3A = tpu.sem_alloc : memref<!tpu.dma_semaphore, #tpu.memory_space<semaphore_mem>>
        %dma_start3A_569 = arith.constant 0 : i32
        %dma_start3A_570 = arith.constant 0 : i32
        %dma_start3A_571 = tpu.memref_slice %arg11[%dma_start3A_569, %dma_start3A_570] : memref<125x128xbf16, #tpu.memory_space<vmem>> -> memref<16x128xbf16, #tpu.memory_space<vmem>>
        %dma_start3A_572 = arith.constant 0 : i32
        %dma_start3A_573 = tpu.memref_slice %arg13[%mul3A_568, %dma_start3A_572] : memref<10000x128xbf16, #tpu.memory_space<vmem_shared>> -> memref<16x128xbf16, #tpu.memory_space<vmem_shared>>
        %dma_start3A_574 = arith.constant 0 : i32
        %dma_start3A_575 = tpu.memref_slice %arg13[%mul3A_568, %dma_start3A_574] : memref<10000x128xbf16, #tpu.memory_space<vmem_shared>> -> memref<16x128xbf16, #tpu.memory_space<vmem_shared>>
        %dma_start3A_576 = arith.constant 0 : i32
        %dma_start3A_577 = arith.constant 0 : i32
        %dma_start3A_578 = tpu.memref_slice %arg11[%dma_start3A_576, %dma_start3A_577] : memref<125x128xbf16, #tpu.memory_space<vmem>> -> memref<16x128xbf16, #tpu.memory_space<vmem>>
        tpu.enqueue_dma source(%dma_start3A_578 : memref<16x128xbf16, #tpu.memory_space<vmem>>) target(%dma_start3A_575 : memref<16x128xbf16, #tpu.memory_space<vmem_shared>>) target_semaphore(%run_scoped3A : memref<!tpu.dma_semaphore, #tpu.memory_space<semaphore_mem>>)
        %dma_wait3A = arith.constant 0 : i32
        %dma_wait3A_579 = arith.constant 0 : i32
        %dma_wait3A_580 = tpu.memref_slice %arg11[%dma_wait3A, %dma_wait3A_579] : memref<125x128xbf16, #tpu.memory_space<vmem>> -> memref<16x128xbf16, #tpu.memory_space<vmem>>
        %dma_wait3A_581 = arith.constant 0 : i32
        %dma_wait3A_582 = tpu.memref_slice %arg13[%mul3A_568, %dma_wait3A_581] : memref<10000x128xbf16, #tpu.memory_space<vmem_shared>> -> memref<16x128xbf16, #tpu.memory_space<vmem_shared>>
        %dma_wait3A_583 = arith.constant 0 : i32
        %dma_wait3A_584 = tpu.memref_slice %arg13[%mul3A_568, %dma_wait3A_583] : memref<10000x128xbf16, #tpu.memory_space<vmem_shared>> -> memref<16x128xbf16, #tpu.memory_space<vmem_shared>>
        %dma_wait3A_585 = arith.constant 0 : i32
        %dma_wait3A_586 = arith.constant 0 : i32
        %dma_wait3A_587 = tpu.memref_slice %arg11[%dma_wait3A_585, %dma_wait3A_586] : memref<125x128xbf16, #tpu.memory_space<vmem>> -> memref<16x128xbf16, #tpu.memory_space<vmem>>
        tpu.wait_dma2 semaphore(%run_scoped3A : memref<!tpu.dma_semaphore, #tpu.memory_space<semaphore_mem>>) src(%dma_wait3A_587 : memref<16x128xbf16, #tpu.memory_space<vmem>>) dst(%dma_wait3A_584 : memref<16x128xbf16, #tpu.memory_space<vmem_shared>>)
        tpu.yield
      }) : () -> ()
    } else {
    }
    %add3A_59 = arith.constant 80 : i32
    %add3A_60 = arith.addi %arg1, %add3A_59 : i32
    %lt3A_61 = arith.constant 104 : i32
    %lt3A_62 = arith.cmpi slt, %add3A_60, %lt3A_61 : i32
    %convert_element_type3A_63 = arith.extui %lt3A_62 : i1 to i32
    %cond3A_64 = arith.constant 0 : i32
    %cond3A_65 = arith.cmpi ne, %convert_element_type3A_63, %cond3A_64 : i32
    scf.if %cond3A_65 {
      %mul3A_567 = arith.constant 96 : i32
      %mul3A_568 = arith.muli %add3A_60, %mul3A_567 : i32
      "tpu.region"() ({
        %run_scoped3A = tpu.sem_alloc : memref<!tpu.dma_semaphore, #tpu.memory_space<semaphore_mem>>
        %dma_start3A_569 = arith.constant 0 : i32
        %dma_start3A_570 = arith.constant 0 : i32
        %dma_start3A_571 = tpu.memref_slice %arg11[%dma_start3A_569, %dma_start3A_570] : memref<125x128xbf16, #tpu.memory_space<vmem>> -> memref<96x128xbf16, #tpu.memory_space<vmem>>
        %dma_start3A_572 = arith.constant 0 : i32
        %dma_start3A_573 = tpu.memref_slice %arg13[%mul3A_568, %dma_start3A_572] : memref<10000x128xbf16, #tpu.memory_space<vmem_shared>> -> memref<96x128xbf16, #tpu.memory_space<vmem_shared>>
        %dma_start3A_574 = arith.constant 0 : i32
        %dma_start3A_575 = tpu.memref_slice %arg13[%mul3A_568, %dma_start3A_574] : memref<10000x128xbf16, #tpu.memory_space<vmem_shared>> -> memref<96x128xbf16, #tpu.memory_space<vmem_shared>>
        %dma_start3A_576 = arith.constant 0 : i32
        %dma_start3A_577 = arith.constant 0 : i32
        %dma_start3A_578 = tpu.memref_slice %arg11[%dma_start3A_576, %dma_start3A_577] : memref<125x128xbf16, #tpu.memory_space<vmem>> -> memref<96x128xbf16, #tpu.memory_space<vmem>>
        tpu.enqueue_dma source(%dma_start3A_578 : memref<96x128xbf16, #tpu.memory_space<vmem>>) target(%dma_start3A_575 : memref<96x128xbf16, #tpu.memory_space<vmem_shared>>) target_semaphore(%run_scoped3A : memref<!tpu.dma_semaphore, #tpu.memory_space<semaphore_mem>>)
        %dma_wait3A = arith.constant 0 : i32
        %dma_wait3A_579 = arith.constant 0 : i32
        %dma_wait3A_580 = tpu.memref_slice %arg11[%dma_wait3A, %dma_wait3A_579] : memref<125x128xbf16, #tpu.memory_space<vmem>> -> memref<96x128xbf16, #tpu.memory_space<vmem>>
        %dma_wait3A_581 = arith.constant 0 : i32
        %dma_wait3A_582 = tpu.memref_slice %arg13[%mul3A_568, %dma_wait3A_581] : memref<10000x128xbf16, #tpu.memory_space<vmem_shared>> -> memref<96x128xbf16, #tpu.memory_space<vmem_shared>>
        %dma_wait3A_583 = arith.constant 0 : i32
        %dma_wait3A_584 = tpu.memref_slice %arg13[%mul3A_568, %dma_wait3A_583] : memref<10000x128xbf16, #tpu.memory_space<vmem_shared>> -> memref<96x128xbf16, #tpu.memory_space<vmem_shared>>
        %dma_wait3A_585 = arith.constant 0 : i32
        %dma_wait3A_586 = arith.constant 0 : i32
        %dma_wait3A_587 = tpu.memref_slice %arg11[%dma_wait3A_585, %dma_wait3A_586] : memref<125x128xbf16, #tpu.memory_space<vmem>> -> memref<96x128xbf16, #tpu.memory_space<vmem>>
        tpu.wait_dma2 semaphore(%run_scoped3A : memref<!tpu.dma_semaphore, #tpu.memory_space<semaphore_mem>>) src(%dma_wait3A_587 : memref<96x128xbf16, #tpu.memory_space<vmem>>) dst(%dma_wait3A_584 : memref<96x128xbf16, #tpu.memory_space<vmem_shared>>)
        tpu.yield
      }) : () -> ()
    } else {
    }
    %eq3A_66 = arith.constant 104 : i32
    %eq3A_67 = arith.cmpi eq, %add3A_60, %eq3A_66 : i32
    %convert_element_type3A_68 = arith.extui %eq3A_67 : i1 to i32
    %cond3A_69 = arith.constant 0 : i32
    %cond3A_70 = arith.cmpi ne, %convert_element_type3A_68, %cond3A_69 : i32
    scf.if %cond3A_70 {
      %mul3A_567 = arith.constant 96 : i32
      %mul3A_568 = arith.muli %add3A_60, %mul3A_567 : i32
      "tpu.region"() ({
        %run_scoped3A = tpu.sem_alloc : memref<!tpu.dma_semaphore, #tpu.memory_space<semaphore_mem>>
        %dma_start3A_569 = arith.constant 0 : i32
        %dma_start3A_570 = arith.constant 0 : i32
        %dma_start3A_571 = tpu.memref_slice %arg11[%dma_start3A_569, %dma_start3A_570] : memref<125x128xbf16, #tpu.memory_space<vmem>> -> memref<16x128xbf16, #tpu.memory_space<vmem>>
        %dma_start3A_572 = arith.constant 0 : i32
        %dma_start3A_573 = tpu.memref_slice %arg13[%mul3A_568, %dma_start3A_572] : memref<10000x128xbf16, #tpu.memory_space<vmem_shared>> -> memref<16x128xbf16, #tpu.memory_space<vmem_shared>>
        %dma_start3A_574 = arith.constant 0 : i32
        %dma_start3A_575 = tpu.memref_slice %arg13[%mul3A_568, %dma_start3A_574] : memref<10000x128xbf16, #tpu.memory_space<vmem_shared>> -> memref<16x128xbf16, #tpu.memory_space<vmem_shared>>
        %dma_start3A_576 = arith.constant 0 : i32
        %dma_start3A_577 = arith.constant 0 : i32
        %dma_start3A_578 = tpu.memref_slice %arg11[%dma_start3A_576, %dma_start3A_577] : memref<125x128xbf16, #tpu.memory_space<vmem>> -> memref<16x128xbf16, #tpu.memory_space<vmem>>
        tpu.enqueue_dma source(%dma_start3A_578 : memref<16x128xbf16, #tpu.memory_space<vmem>>) target(%dma_start3A_575 : memref<16x128xbf16, #tpu.memory_space<vmem_shared>>) target_semaphore(%run_scoped3A : memref<!tpu.dma_semaphore, #tpu.memory_space<semaphore_mem>>)
        %dma_wait3A = arith.constant 0 : i32
        %dma_wait3A_579 = arith.constant 0 : i32
        %dma_wait3A_580 = tpu.memref_slice %arg11[%dma_wait3A, %dma_wait3A_579] : memref<125x128xbf16, #tpu.memory_space<vmem>> -> memref<16x128xbf16, #tpu.memory_space<vmem>>
        %dma_wait3A_581 = arith.constant 0 : i32
        %dma_wait3A_582 = tpu.memref_slice %arg13[%mul3A_568, %dma_wait3A_581] : memref<10000x128xbf16, #tpu.memory_space<vmem_shared>> -> memref<16x128xbf16, #tpu.memory_space<vmem_shared>>
        %dma_wait3A_583 = arith.constant 0 : i32
        %dma_wait3A_584 = tpu.memref_slice %arg13[%mul3A_568, %dma_wait3A_583] : memref<10000x128xbf16, #tpu.memory_space<vmem_shared>> -> memref<16x128xbf16, #tpu.memory_space<vmem_shared>>
        %dma_wait3A_585 = arith.constant 0 : i32
        %dma_wait3A_586 = arith.constant 0 : i32
        %dma_wait3A_587 = tpu.memref_slice %arg11[%dma_wait3A_585, %dma_wait3A_586] : memref<125x128xbf16, #tpu.memory_space<vmem>> -> memref<16x128xbf16, #tpu.memory_space<vmem>>
        tpu.wait_dma2 semaphore(%run_scoped3A : memref<!tpu.dma_semaphore, #tpu.memory_space<semaphore_mem>>) src(%dma_wait3A_587 : memref<16x128xbf16, #tpu.memory_space<vmem>>) dst(%dma_wait3A_584 : memref<16x128xbf16, #tpu.memory_space<vmem_shared>>)
        tpu.yield
      }) : () -> ()
    } else {
    }
    %add3A_71 = arith.constant 96 : i32
    %add3A_72 = arith.addi %arg1, %add3A_71 : i32
    %lt3A_73 = arith.constant 104 : i32
    %lt3A_74 = arith.cmpi slt, %add3A_72, %lt3A_73 : i32
    %convert_element_type3A_75 = arith.extui %lt3A_74 : i1 to i32
    %cond3A_76 = arith.constant 0 : i32
    %cond3A_77 = arith.cmpi ne, %convert_element_type3A_75, %cond3A_76 : i32
    scf.if %cond3A_77 {
      %mul3A_567 = arith.constant 96 : i32
      %mul3A_568 = arith.muli %add3A_72, %mul3A_567 : i32
      "tpu.region"() ({
        %run_scoped3A = tpu.sem_alloc : memref<!tpu.dma_semaphore, #tpu.memory_space<semaphore_mem>>
        %dma_start3A_569 = arith.constant 0 : i32
        %dma_start3A_570 = arith.constant 0 : i32
        %dma_start3A_571 = tpu.memref_slice %arg11[%dma_start3A_569, %dma_start3A_570] : memref<125x128xbf16, #tpu.memory_space<vmem>> -> memref<96x128xbf16, #tpu.memory_space<vmem>>
        %dma_start3A_572 = arith.constant 0 : i32
        %dma_start3A_573 = tpu.memref_slice %arg13[%mul3A_568, %dma_start3A_572] : memref<10000x128xbf16, #tpu.memory_space<vmem_shared>> -> memref<96x128xbf16, #tpu.memory_space<vmem_shared>>
        %dma_start3A_574 = arith.constant 0 : i32
        %dma_start3A_575 = tpu.memref_slice %arg13[%mul3A_568, %dma_start3A_574] : memref<10000x128xbf16, #tpu.memory_space<vmem_shared>> -> memref<96x128xbf16, #tpu.memory_space<vmem_shared>>
        %dma_start3A_576 = arith.constant 0 : i32
        %dma_start3A_577 = arith.constant 0 : i32
        %dma_start3A_578 = tpu.memref_slice %arg11[%dma_start3A_576, %dma_start3A_577] : memref<125x128xbf16, #tpu.memory_space<vmem>> -> memref<96x128xbf16, #tpu.memory_space<vmem>>
        tpu.enqueue_dma source(%dma_start3A_578 : memref<96x128xbf16, #tpu.memory_space<vmem>>) target(%dma_start3A_575 : memref<96x128xbf16, #tpu.memory_space<vmem_shared>>) target_semaphore(%run_scoped3A : memref<!tpu.dma_semaphore, #tpu.memory_space<semaphore_mem>>)
        %dma_wait3A = arith.constant 0 : i32
        %dma_wait3A_579 = arith.constant 0 : i32
        %dma_wait3A_580 = tpu.memref_slice %arg11[%dma_wait3A, %dma_wait3A_579] : memref<125x128xbf16, #tpu.memory_space<vmem>> -> memref<96x128xbf16, #tpu.memory_space<vmem>>
        %dma_wait3A_581 = arith.constant 0 : i32
        %dma_wait3A_582 = tpu.memref_slice %arg13[%mul3A_568, %dma_wait3A_581] : memref<10000x128xbf16, #tpu.memory_space<vmem_shared>> -> memref<96x128xbf16, #tpu.memory_space<vmem_shared>>
        %dma_wait3A_583 = arith.constant 0 : i32
        %dma_wait3A_584 = tpu.memref_slice %arg13[%mul3A_568, %dma_wait3A_583] : memref<10000x128xbf16, #tpu.memory_space<vmem_shared>> -> memref<96x128xbf16, #tpu.memory_space<vmem_shared>>
        %dma_wait3A_585 = arith.constant 0 : i32
        %dma_wait3A_586 = arith.constant 0 : i32
        %dma_wait3A_587 = tpu.memref_slice %arg11[%dma_wait3A_585, %dma_wait3A_586] : memref<125x128xbf16, #tpu.memory_space<vmem>> -> memref<96x128xbf16, #tpu.memory_space<vmem>>
        tpu.wait_dma2 semaphore(%run_scoped3A : memref<!tpu.dma_semaphore, #tpu.memory_space<semaphore_mem>>) src(%dma_wait3A_587 : memref<96x128xbf16, #tpu.memory_space<vmem>>) dst(%dma_wait3A_584 : memref<96x128xbf16, #tpu.memory_space<vmem_shared>>)
        tpu.yield
      }) : () -> ()
    } else {
    }
    %eq3A_78 = arith.constant 104 : i32
    %eq3A_79 = arith.cmpi eq, %add3A_72, %eq3A_78 : i32
    %convert_element_type3A_80 = arith.extui %eq3A_79 : i1 to i32
    %cond3A_81 = arith.constant 0 : i32
    %cond3A_82 = arith.cmpi ne, %convert_element_type3A_80, %cond3A_81 : i32
    scf.if %cond3A_82 {
      %mul3A_567 = arith.constant 96 : i32
      %mul3A_568 = arith.muli %add3A_72, %mul3A_567 : i32
      "tpu.region"() ({
        %run_scoped3A = tpu.sem_alloc : memref<!tpu.dma_semaphore, #tpu.memory_space<semaphore_mem>>
        %dma_start3A_569 = arith.constant 0 : i32
        %dma_start3A_570 = arith.constant 0 : i32
        %dma_start3A_571 = tpu.memref_slice %arg11[%dma_start3A_569, %dma_start3A_570] : memref<125x128xbf16, #tpu.memory_space<vmem>> -> memref<16x128xbf16, #tpu.memory_space<vmem>>
        %dma_start3A_572 = arith.constant 0 : i32
        %dma_start3A_573 = tpu.memref_slice %arg13[%mul3A_568, %dma_start3A_572] : memref<10000x128xbf16, #tpu.memory_space<vmem_shared>> -> memref<16x128xbf16, #tpu.memory_space<vmem_shared>>
        %dma_start3A_574 = arith.constant 0 : i32
        %dma_start3A_575 = tpu.memref_slice %arg13[%mul3A_568, %dma_start3A_574] : memref<10000x128xbf16, #tpu.memory_space<vmem_shared>> -> memref<16x128xbf16, #tpu.memory_space<vmem_shared>>
        %dma_start3A_576 = arith.constant 0 : i32
        %dma_start3A_577 = arith.constant 0 : i32
        %dma_start3A_578 = tpu.memref_slice %arg11[%dma_start3A_576, %dma_start3A_577] : memref<125x128xbf16, #tpu.memory_space<vmem>> -> memref<16x128xbf16, #tpu.memory_space<vmem>>
        tpu.enqueue_dma source(%dma_start3A_578 : memref<16x128xbf16, #tpu.memory_space<vmem>>) target(%dma_start3A_575 : memref<16x128xbf16, #tpu.memory_space<vmem_shared>>) target_semaphore(%run_scoped3A : memref<!tpu.dma_semaphore, #tpu.memory_space<semaphore_mem>>)
        %dma_wait3A = arith.constant 0 : i32
        %dma_wait3A_579 = arith.constant 0 : i32
        %dma_wait3A_580 = tpu.memref_slice %arg11[%dma_wait3A, %dma_wait3A_579] : memref<125x128xbf16, #tpu.memory_space<vmem>> -> memref<16x128xbf16, #tpu.memory_space<vmem>>
        %dma_wait3A_581 = arith.constant 0 : i32
        %dma_wait3A_582 = tpu.memref_slice %arg13[%mul3A_568, %dma_wait3A_581] : memref<10000x128xbf16, #tpu.memory_space<vmem_shared>> -> memref<16x128xbf16, #tpu.memory_space<vmem_shared>>
        %dma_wait3A_583 = arith.constant 0 : i32
        %dma_wait3A_584 = tpu.memref_slice %arg13[%mul3A_568, %dma_wait3A_583] : memref<10000x128xbf16, #tpu.memory_space<vmem_shared>> -> memref<16x128xbf16, #tpu.memory_space<vmem_shared>>
        %dma_wait3A_585 = arith.constant 0 : i32
        %dma_wait3A_586 = arith.constant 0 : i32
        %dma_wait3A_587 = tpu.memref_slice %arg11[%dma_wait3A_585, %dma_wait3A_586] : memref<125x128xbf16, #tpu.memory_space<vmem>> -> memref<16x128xbf16, #tpu.memory_space<vmem>>
        tpu.wait_dma2 semaphore(%run_scoped3A : memref<!tpu.dma_semaphore, #tpu.memory_space<semaphore_mem>>) src(%dma_wait3A_587 : memref<16x128xbf16, #tpu.memory_space<vmem>>) dst(%dma_wait3A_584 : memref<16x128xbf16, #tpu.memory_space<vmem_shared>>)
        tpu.yield
      }) : () -> ()
    } else {
    }
    %barrier3A = arith.constant 0 : index
    tpu.barrier barrier_id(%barrier3A)
    %get3A = arith.constant 0 : index
    %get3A_83 = tpu.vector_load %arg6[%get3A] {strides = array<i32>} : memref<10000xi32, #tpu.memory_space<vmem>>, vector<16xi32>,
    %get3A_84 = vector.shape_cast %get3A_83 : vector<16xi32> to vector<16xi32>
    %shift_right_logical3A = arith.constant 16 : i32
    %shift_right_logical3A_85 = vector.broadcast %shift_right_logical3A : i32 to vector<16xi32>
    %shift_right_logical3A_86 = arith.shrui %get3A_84, %shift_right_logical3A_85 : vector<16xi32>
    %swap3A = arith.constant 0 : i32
    %swap3A_87 = arith.index_cast %swap3A : i32 to index
    %swap3A_88 = arith.constant 0 : index
    %swap3A_89 = tpu.vector_load %arg7[%swap3A_87, %swap3A_88] {strides = array<i32>} : memref<1x125xi32, #tpu.memory_space<vmem>>, vector<1x16xi32>,
    %swap3A_90 = vector.shape_cast %swap3A_89 : vector<1x16xi32> to vector<16xi32>
    %swap3A_91 = vector.shape_cast %shift_right_logical3A_86 : vector<16xi32> to vector<1x16xi32>
    tpu.vector_store %arg7[%swap3A_87, %swap3A_88], %swap3A_91 {strides = array<i32>} : memref<1x125xi32, #tpu.memory_space<vmem>>, vector<1x16xi32>,
    %and3A = arith.constant 65535 : i32
    %and3A_92 = vector.broadcast %and3A : i32 to vector<16xi32>
    %and3A_93 = arith.andi %get3A_84, %and3A_92 : vector<16xi32>
    %swap3A_94 = arith.constant 0 : i32
    %swap3A_95 = arith.index_cast %swap3A_94 : i32 to index
    %swap3A_96 = arith.constant 0 : index
    %swap3A_97 = tpu.vector_load %arg9[%swap3A_95, %swap3A_96] {strides = array<i32>} : memref<1x125xi32, #tpu.memory_space<vmem>>, vector<1x16xi32>,
    %swap3A_98 = vector.shape_cast %swap3A_97 : vector<1x16xi32> to vector<16xi32>
    %swap3A_99 = vector.shape_cast %and3A_93 : vector<16xi32> to vector<1x16xi32>
    tpu.vector_store %arg9[%swap3A_95, %swap3A_96], %swap3A_99 {strides = array<i32>} : memref<1x125xi32, #tpu.memory_space<vmem>>, vector<1x16xi32>,
    %get3A_100 = arith.constant 16 : index
    %get3A_101 = tpu.vector_load %arg6[%get3A_100] {strides = array<i32>} : memref<10000xi32, #tpu.memory_space<vmem>>, vector<16xi32>,
    %get3A_102 = vector.shape_cast %get3A_101 : vector<16xi32> to vector<16xi32>
    %shift_right_logical3A_103 = arith.constant 16 : i32
    %shift_right_logical3A_104 = vector.broadcast %shift_right_logical3A_103 : i32 to vector<16xi32>
    %shift_right_logical3A_105 = arith.shrui %get3A_102, %shift_right_logical3A_104 : vector<16xi32>
    %swap3A_106 = arith.constant 0 : i32
    %swap3A_107 = arith.index_cast %swap3A_106 : i32 to index
    %swap3A_108 = arith.constant 16 : index
    %swap3A_109 = tpu.vector_load %arg7[%swap3A_107, %swap3A_108] {strides = array<i32>} : memref<1x125xi32, #tpu.memory_space<vmem>>, vector<1x16xi32>,
    %swap3A_110 = vector.shape_cast %swap3A_109 : vector<1x16xi32> to vector<16xi32>
    %swap3A_111 = vector.shape_cast %shift_right_logical3A_105 : vector<16xi32> to vector<1x16xi32>
    tpu.vector_store %arg7[%swap3A_107, %swap3A_108], %swap3A_111 {strides = array<i32>} : memref<1x125xi32, #tpu.memory_space<vmem>>, vector<1x16xi32>,
    %and3A_112 = arith.constant 65535 : i32
    %and3A_113 = vector.broadcast %and3A_112 : i32 to vector<16xi32>
    %and3A_114 = arith.andi %get3A_102, %and3A_113 : vector<16xi32>
    %swap3A_115 = arith.constant 0 : i32
    %swap3A_116 = arith.index_cast %swap3A_115 : i32 to index
    %swap3A_117 = arith.constant 16 : index
    %swap3A_118 = tpu.vector_load %arg9[%swap3A_116, %swap3A_117] {strides = array<i32>} : memref<1x125xi32, #tpu.memory_space<vmem>>, vector<1x16xi32>,
    %swap3A_119 = vector.shape_cast %swap3A_118 : vector<1x16xi32> to vector<16xi32>
    %swap3A_120 = vector.shape_cast %and3A_114 : vector<16xi32> to vector<1x16xi32>
    tpu.vector_store %arg9[%swap3A_116, %swap3A_117], %swap3A_120 {strides = array<i32>} : memref<1x125xi32, #tpu.memory_space<vmem>>, vector<1x16xi32>,
    %get3A_121 = arith.constant 32 : index
    %get3A_122 = tpu.vector_load %arg6[%get3A_121] {strides = array<i32>} : memref<10000xi32, #tpu.memory_space<vmem>>, vector<16xi32>,
    %get3A_123 = vector.shape_cast %get3A_122 : vector<16xi32> to vector<16xi32>
    %shift_right_logical3A_124 = arith.constant 16 : i32
    %shift_right_logical3A_125 = vector.broadcast %shift_right_logical3A_124 : i32 to vector<16xi32>
    %shift_right_logical3A_126 = arith.shrui %get3A_123, %shift_right_logical3A_125 : vector<16xi32>
    %swap3A_127 = arith.constant 0 : i32
    %swap3A_128 = arith.index_cast %swap3A_127 : i32 to index
    %swap3A_129 = arith.constant 32 : index
    %swap3A_130 = tpu.vector_load %arg7[%swap3A_128, %swap3A_129] {strides = array<i32>} : memref<1x125xi32, #tpu.memory_space<vmem>>, vector<1x16xi32>,
    %swap3A_131 = vector.shape_cast %swap3A_130 : vector<1x16xi32> to vector<16xi32>
    %swap3A_132 = vector.shape_cast %shift_right_logical3A_126 : vector<16xi32> to vector<1x16xi32>
    tpu.vector_store %arg7[%swap3A_128, %swap3A_129], %swap3A_132 {strides = array<i32>} : memref<1x125xi32, #tpu.memory_space<vmem>>, vector<1x16xi32>,
    %and3A_133 = arith.constant 65535 : i32
    %and3A_134 = vector.broadcast %and3A_133 : i32 to vector<16xi32>
    %and3A_135 = arith.andi %get3A_123, %and3A_134 : vector<16xi32>
    %swap3A_136 = arith.constant 0 : i32
    %swap3A_137 = arith.index_cast %swap3A_136 : i32 to index
    %swap3A_138 = arith.constant 32 : index
    %swap3A_139 = tpu.vector_load %arg9[%swap3A_137, %swap3A_138] {strides = array<i32>} : memref<1x125xi32, #tpu.memory_space<vmem>>, vector<1x16xi32>,
    %swap3A_140 = vector.shape_cast %swap3A_139 : vector<1x16xi32> to vector<16xi32>
    %swap3A_141 = vector.shape_cast %and3A_135 : vector<16xi32> to vector<1x16xi32>
    tpu.vector_store %arg9[%swap3A_137, %swap3A_138], %swap3A_141 {strides = array<i32>} : memref<1x125xi32, #tpu.memory_space<vmem>>, vector<1x16xi32>,
    %get3A_142 = arith.constant 48 : index
    %get3A_143 = tpu.vector_load %arg6[%get3A_142] {strides = array<i32>} : memref<10000xi32, #tpu.memory_space<vmem>>, vector<16xi32>,
    %get3A_144 = vector.shape_cast %get3A_143 : vector<16xi32> to vector<16xi32>
    %shift_right_logical3A_145 = arith.constant 16 : i32
    %shift_right_logical3A_146 = vector.broadcast %shift_right_logical3A_145 : i32 to vector<16xi32>
    %shift_right_logical3A_147 = arith.shrui %get3A_144, %shift_right_logical3A_146 : vector<16xi32>
    %swap3A_148 = arith.constant 0 : i32
    %swap3A_149 = arith.index_cast %swap3A_148 : i32 to index
    %swap3A_150 = arith.constant 48 : index
    %swap3A_151 = tpu.vector_load %arg7[%swap3A_149, %swap3A_150] {strides = array<i32>} : memref<1x125xi32, #tpu.memory_space<vmem>>, vector<1x16xi32>,
    %swap3A_152 = vector.shape_cast %swap3A_151 : vector<1x16xi32> to vector<16xi32>
    %swap3A_153 = vector.shape_cast %shift_right_logical3A_147 : vector<16xi32> to vector<1x16xi32>
    tpu.vector_store %arg7[%swap3A_149, %swap3A_150], %swap3A_153 {strides = array<i32>} : memref<1x125xi32, #tpu.memory_space<vmem>>, vector<1x16xi32>,
    %and3A_154 = arith.constant 65535 : i32
    %and3A_155 = vector.broadcast %and3A_154 : i32 to vector<16xi32>
    %and3A_156 = arith.andi %get3A_144, %and3A_155 : vector<16xi32>
    %swap3A_157 = arith.constant 0 : i32
    %swap3A_158 = arith.index_cast %swap3A_157 : i32 to index
    %swap3A_159 = arith.constant 48 : index
    %swap3A_160 = tpu.vector_load %arg9[%swap3A_158, %swap3A_159] {strides = array<i32>} : memref<1x125xi32, #tpu.memory_space<vmem>>, vector<1x16xi32>,
    %swap3A_161 = vector.shape_cast %swap3A_160 : vector<1x16xi32> to vector<16xi32>
    %swap3A_162 = vector.shape_cast %and3A_156 : vector<16xi32> to vector<1x16xi32>
    tpu.vector_store %arg9[%swap3A_158, %swap3A_159], %swap3A_162 {strides = array<i32>} : memref<1x125xi32, #tpu.memory_space<vmem>>, vector<1x16xi32>,
    %get3A_163 = arith.constant 64 : index
    %get3A_164 = tpu.vector_load %arg6[%get3A_163] {strides = array<i32>} : memref<10000xi32, #tpu.memory_space<vmem>>, vector<16xi32>,
    %get3A_165 = vector.shape_cast %get3A_164 : vector<16xi32> to vector<16xi32>
    %shift_right_logical3A_166 = arith.constant 16 : i32
    %shift_right_logical3A_167 = vector.broadcast %shift_right_logical3A_166 : i32 to vector<16xi32>
    %shift_right_logical3A_168 = arith.shrui %get3A_165, %shift_right_logical3A_167 : vector<16xi32>
    %swap3A_169 = arith.constant 0 : i32
    %swap3A_170 = arith.index_cast %swap3A_169 : i32 to index
    %swap3A_171 = arith.constant 64 : index
    %swap3A_172 = tpu.vector_load %arg7[%swap3A_170, %swap3A_171] {strides = array<i32>} : memref<1x125xi32, #tpu.memory_space<vmem>>, vector<1x16xi32>,
    %swap3A_173 = vector.shape_cast %swap3A_172 : vector<1x16xi32> to vector<16xi32>
    %swap3A_174 = vector.shape_cast %shift_right_logical3A_168 : vector<16xi32> to vector<1x16xi32>
    tpu.vector_store %arg7[%swap3A_170, %swap3A_171], %swap3A_174 {strides = array<i32>} : memref<1x125xi32, #tpu.memory_space<vmem>>, vector<1x16xi32>,
    %and3A_175 = arith.constant 65535 : i32
    %and3A_176 = vector.broadcast %and3A_175 : i32 to vector<16xi32>
    %and3A_177 = arith.andi %get3A_165, %and3A_176 : vector<16xi32>
    %swap3A_178 = arith.constant 0 : i32
    %swap3A_179 = arith.index_cast %swap3A_178 : i32 to index
    %swap3A_180 = arith.constant 64 : index
    %swap3A_181 = tpu.vector_load %arg9[%swap3A_179, %swap3A_180] {strides = array<i32>} : memref<1x125xi32, #tpu.memory_space<vmem>>, vector<1x16xi32>,
    %swap3A_182 = vector.shape_cast %swap3A_181 : vector<1x16xi32> to vector<16xi32>
    %swap3A_183 = vector.shape_cast %and3A_177 : vector<16xi32> to vector<1x16xi32>
    tpu.vector_store %arg9[%swap3A_179, %swap3A_180], %swap3A_183 {strides = array<i32>} : memref<1x125xi32, #tpu.memory_space<vmem>>, vector<1x16xi32>,
    %get3A_184 = arith.constant 80 : index
    %get3A_185 = tpu.vector_load %arg6[%get3A_184] {strides = array<i32>} : memref<10000xi32, #tpu.memory_space<vmem>>, vector<16xi32>,
    %get3A_186 = vector.shape_cast %get3A_185 : vector<16xi32> to vector<16xi32>
    %shift_right_logical3A_187 = arith.constant 16 : i32
    %shift_right_logical3A_188 = vector.broadcast %shift_right_logical3A_187 : i32 to vector<16xi32>
    %shift_right_logical3A_189 = arith.shrui %get3A_186, %shift_right_logical3A_188 : vector<16xi32>
    %swap3A_190 = arith.constant 0 : i32
    %swap3A_191 = arith.index_cast %swap3A_190 : i32 to index
    %swap3A_192 = arith.constant 80 : index
    %swap3A_193 = tpu.vector_load %arg7[%swap3A_191, %swap3A_192] {strides = array<i32>} : memref<1x125xi32, #tpu.memory_space<vmem>>, vector<1x16xi32>,
    %swap3A_194 = vector.shape_cast %swap3A_193 : vector<1x16xi32> to vector<16xi32>
    %swap3A_195 = vector.shape_cast %shift_right_logical3A_189 : vector<16xi32> to vector<1x16xi32>
    tpu.vector_store %arg7[%swap3A_191, %swap3A_192], %swap3A_195 {strides = array<i32>} : memref<1x125xi32, #tpu.memory_space<vmem>>, vector<1x16xi32>,
    %and3A_196 = arith.constant 65535 : i32
    %and3A_197 = vector.broadcast %and3A_196 : i32 to vector<16xi32>
    %and3A_198 = arith.andi %get3A_186, %and3A_197 : vector<16xi32>
    %swap3A_199 = arith.constant 0 : i32
    %swap3A_200 = arith.index_cast %swap3A_199 : i32 to index
    %swap3A_201 = arith.constant 80 : index
    %swap3A_202 = tpu.vector_load %arg9[%swap3A_200, %swap3A_201] {strides = array<i32>} : memref<1x125xi32, #tpu.memory_space<vmem>>, vector<1x16xi32>,
    %swap3A_203 = vector.shape_cast %swap3A_202 : vector<1x16xi32> to vector<16xi32>
    %swap3A_204 = vector.shape_cast %and3A_198 : vector<16xi32> to vector<1x16xi32>
    tpu.vector_store %arg9[%swap3A_200, %swap3A_201], %swap3A_204 {strides = array<i32>} : memref<1x125xi32, #tpu.memory_space<vmem>>, vector<1x16xi32>,
    %get3A_205 = arith.constant 96 : index
    %get3A_206 = tpu.vector_load %arg6[%get3A_205] {strides = array<i32>} : memref<10000xi32, #tpu.memory_space<vmem>>, vector<16xi32>,
    %get3A_207 = vector.shape_cast %get3A_206 : vector<16xi32> to vector<16xi32>
    %shift_right_logical3A_208 = arith.constant 16 : i32
    %shift_right_logical3A_209 = vector.broadcast %shift_right_logical3A_208 : i32 to vector<16xi32>
    %shift_right_logical3A_210 = arith.shrui %get3A_207, %shift_right_logical3A_209 : vector<16xi32>
    %swap3A_211 = arith.constant 0 : i32
    %swap3A_212 = arith.index_cast %swap3A_211 : i32 to index
    %swap3A_213 = arith.constant 96 : index
    %swap3A_214 = tpu.vector_load %arg7[%swap3A_212, %swap3A_213] {strides = array<i32>} : memref<1x125xi32, #tpu.memory_space<vmem>>, vector<1x16xi32>,
    %swap3A_215 = vector.shape_cast %swap3A_214 : vector<1x16xi32> to vector<16xi32>
    %swap3A_216 = vector.shape_cast %shift_right_logical3A_210 : vector<16xi32> to vector<1x16xi32>
    tpu.vector_store %arg7[%swap3A_212, %swap3A_213], %swap3A_216 {strides = array<i32>} : memref<1x125xi32, #tpu.memory_space<vmem>>, vector<1x16xi32>,
    %and3A_217 = arith.constant 65535 : i32
    %and3A_218 = vector.broadcast %and3A_217 : i32 to vector<16xi32>
    %and3A_219 = arith.andi %get3A_207, %and3A_218 : vector<16xi32>
    %swap3A_220 = arith.constant 0 : i32
    %swap3A_221 = arith.index_cast %swap3A_220 : i32 to index
    %swap3A_222 = arith.constant 96 : index
    %swap3A_223 = tpu.vector_load %arg9[%swap3A_221, %swap3A_222] {strides = array<i32>} : memref<1x125xi32, #tpu.memory_space<vmem>>, vector<1x16xi32>,
    %swap3A_224 = vector.shape_cast %swap3A_223 : vector<1x16xi32> to vector<16xi32>
    %swap3A_225 = vector.shape_cast %and3A_219 : vector<16xi32> to vector<1x16xi32>
    tpu.vector_store %arg9[%swap3A_221, %swap3A_222], %swap3A_225 {strides = array<i32>} : memref<1x125xi32, #tpu.memory_space<vmem>>, vector<1x16xi32>,
    %get3A_226 = arith.constant 109 : index
    %get3A_227 = tpu.vector_load %arg6[%get3A_226] {strides = array<i32>} : memref<10000xi32, #tpu.memory_space<vmem>>, vector<16xi32>,
    %get3A_228 = vector.shape_cast %get3A_227 : vector<16xi32> to vector<16xi32>
    %shift_right_logical3A_229 = arith.constant 16 : i32
    %shift_right_logical3A_230 = vector.broadcast %shift_right_logical3A_229 : i32 to vector<16xi32>
    %shift_right_logical3A_231 = arith.shrui %get3A_228, %shift_right_logical3A_230 : vector<16xi32>
    %swap3A_232 = arith.constant 0 : i32
    %swap3A_233 = arith.index_cast %swap3A_232 : i32 to index
    %swap3A_234 = arith.constant 109 : index
    %swap3A_235 = tpu.vector_load %arg7[%swap3A_233, %swap3A_234] {strides = array<i32>} : memref<1x125xi32, #tpu.memory_space<vmem>>, vector<1x16xi32>,
    %swap3A_236 = vector.shape_cast %swap3A_235 : vector<1x16xi32> to vector<16xi32>
    %swap3A_237 = vector.shape_cast %shift_right_logical3A_231 : vector<16xi32> to vector<1x16xi32>
    tpu.vector_store %arg7[%swap3A_233, %swap3A_234], %swap3A_237 {strides = array<i32>} : memref<1x125xi32, #tpu.memory_space<vmem>>, vector<1x16xi32>,
    %and3A_238 = arith.constant 65535 : i32
    %and3A_239 = vector.broadcast %and3A_238 : i32 to vector<16xi32>
    %and3A_240 = arith.andi %get3A_228, %and3A_239 : vector<16xi32>
    %swap3A_241 = arith.constant 0 : i32
    %swap3A_242 = arith.index_cast %swap3A_241 : i32 to index
    %swap3A_243 = arith.constant 109 : index
    %swap3A_244 = tpu.vector_load %arg9[%swap3A_242, %swap3A_243] {strides = array<i32>} : memref<1x125xi32, #tpu.memory_space<vmem>>, vector<1x16xi32>,
    %swap3A_245 = vector.shape_cast %swap3A_244 : vector<1x16xi32> to vector<16xi32>
    %swap3A_246 = vector.shape_cast %and3A_240 : vector<16xi32> to vector<1x16xi32>
    tpu.vector_store %arg9[%swap3A_242, %swap3A_243], %swap3A_246 {strides = array<i32>} : memref<1x125xi32, #tpu.memory_space<vmem>>, vector<1x16xi32>,
    %dma_start3A = arith.constant 0 : i32
    %dma_start3A_247 = arith.constant 0 : i32
    %dma_start3A_248 = tpu.memref_slice %arg7[%dma_start3A, %dma_start3A_247] : memref<1x125xi32, #tpu.memory_space<vmem>> -> memref<1x125xi32, #tpu.memory_space<vmem>>
    %dma_start3A_249 = tpu.memref_squeeze %dma_start3A_248 : memref<1x125xi32, #tpu.memory_space<vmem>> -> memref<125xi32, #tpu.memory_space<vmem>>
    %dma_start3A_250 = arith.constant 0 : i32
    %dma_start3A_251 = arith.constant 0 : i32
    %dma_start3A_252 = tpu.memref_slice %arg2[%dma_start3A_250, %dma_start3A_251] : memref<10000x128xbf16, #tpu.memory_space<hbm>> -> memref<10000x128xbf16, #tpu.memory_space<hbm>>
    tpu.enqueue_indirect_dma source(%dma_start3A_252 : memref<10000x128xbf16, #tpu.memory_space<hbm>>) target(%arg11 : memref<125x128xbf16, #tpu.memory_space<vmem>>) offsets(%dma_start3A_249 : memref<125xi32, #tpu.memory_space<vmem>>) semaphore(%arg14 : memref<!tpu.dma_semaphore, #tpu.memory_space<semaphore_mem>>)
    %get3A_253 = arith.constant 125 : index
    %get3A_254 = tpu.vector_load %arg6[%get3A_253] {strides = array<i32>} : memref<10000xi32, #tpu.memory_space<vmem>>, vector<16xi32>,
    %get3A_255 = vector.shape_cast %get3A_254 : vector<16xi32> to vector<16xi32>
    %shift_right_logical3A_256 = arith.constant 16 : i32
    %shift_right_logical3A_257 = vector.broadcast %shift_right_logical3A_256 : i32 to vector<16xi32>
    %shift_right_logical3A_258 = arith.shrui %get3A_255, %shift_right_logical3A_257 : vector<16xi32>
    %swap3A_259 = arith.constant 0 : i32
    %swap3A_260 = arith.index_cast %swap3A_259 : i32 to index
    %swap3A_261 = arith.constant 0 : index
    %swap3A_262 = tpu.vector_load %arg8[%swap3A_260, %swap3A_261] {strides = array<i32>} : memref<1x125xi32, #tpu.memory_space<vmem>>, vector<1x16xi32>,
    %swap3A_263 = vector.shape_cast %swap3A_262 : vector<1x16xi32> to vector<16xi32>
    %swap3A_264 = vector.shape_cast %shift_right_logical3A_258 : vector<16xi32> to vector<1x16xi32>
    tpu.vector_store %arg8[%swap3A_260, %swap3A_261], %swap3A_264 {strides = array<i32>} : memref<1x125xi32, #tpu.memory_space<vmem>>, vector<1x16xi32>,
    %and3A_265 = arith.constant 65535 : i32
    %and3A_266 = vector.broadcast %and3A_265 : i32 to vector<16xi32>
    %and3A_267 = arith.andi %get3A_255, %and3A_266 : vector<16xi32>
    %swap3A_268 = arith.constant 0 : i32
    %swap3A_269 = arith.index_cast %swap3A_268 : i32 to index
    %swap3A_270 = arith.constant 0 : index
    %swap3A_271 = tpu.vector_load %arg10[%swap3A_269, %swap3A_270] {strides = array<i32>} : memref<1x125xi32, #tpu.memory_space<vmem>>, vector<1x16xi32>,
    %swap3A_272 = vector.shape_cast %swap3A_271 : vector<1x16xi32> to vector<16xi32>
    %swap3A_273 = vector.shape_cast %and3A_267 : vector<16xi32> to vector<1x16xi32>
    tpu.vector_store %arg10[%swap3A_269, %swap3A_270], %swap3A_273 {strides = array<i32>} : memref<1x125xi32, #tpu.memory_space<vmem>>, vector<1x16xi32>,
    %get3A_274 = arith.constant 141 : index
    %get3A_275 = tpu.vector_load %arg6[%get3A_274] {strides = array<i32>} : memref<10000xi32, #tpu.memory_space<vmem>>, vector<16xi32>,
    %get3A_276 = vector.shape_cast %get3A_275 : vector<16xi32> to vector<16xi32>
    %shift_right_logical3A_277 = arith.constant 16 : i32
    %shift_right_logical3A_278 = vector.broadcast %shift_right_logical3A_277 : i32 to vector<16xi32>
    %shift_right_logical3A_279 = arith.shrui %get3A_276, %shift_right_logical3A_278 : vector<16xi32>
    %swap3A_280 = arith.constant 0 : i32
    %swap3A_281 = arith.index_cast %swap3A_280 : i32 to index
    %swap3A_282 = arith.constant 16 : index
    %swap3A_283 = tpu.vector_load %arg8[%swap3A_281, %swap3A_282] {strides = array<i32>} : memref<1x125xi32, #tpu.memory_space<vmem>>, vector<1x16xi32>,
    %swap3A_284 = vector.shape_cast %swap3A_283 : vector<1x16xi32> to vector<16xi32>
    %swap3A_285 = vector.shape_cast %shift_right_logical3A_279 : vector<16xi32> to vector<1x16xi32>
    tpu.vector_store %arg8[%swap3A_281, %swap3A_282], %swap3A_285 {strides = array<i32>} : memref<1x125xi32, #tpu.memory_space<vmem>>, vector<1x16xi32>,
    %and3A_286 = arith.constant 65535 : i32
    %and3A_287 = vector.broadcast %and3A_286 : i32 to vector<16xi32>
    %and3A_288 = arith.andi %get3A_276, %and3A_287 : vector<16xi32>
    %swap3A_289 = arith.constant 0 : i32
    %swap3A_290 = arith.index_cast %swap3A_289 : i32 to index
    %swap3A_291 = arith.constant 16 : index
    %swap3A_292 = tpu.vector_load %arg10[%swap3A_290, %swap3A_291] {strides = array<i32>} : memref<1x125xi32, #tpu.memory_space<vmem>>, vector<1x16xi32>,
    %swap3A_293 = vector.shape_cast %swap3A_292 : vector<1x16xi32> to vector<16xi32>
    %swap3A_294 = vector.shape_cast %and3A_288 : vector<16xi32> to vector<1x16xi32>
    tpu.vector_store %arg10[%swap3A_290, %swap3A_291], %swap3A_294 {strides = array<i32>} : memref<1x125xi32, #tpu.memory_space<vmem>>, vector<1x16xi32>,
    %get3A_295 = arith.constant 157 : index
    %get3A_296 = tpu.vector_load %arg6[%get3A_295] {strides = array<i32>} : memref<10000xi32, #tpu.memory_space<vmem>>, vector<16xi32>,
    %get3A_297 = vector.shape_cast %get3A_296 : vector<16xi32> to vector<16xi32>
    %shift_right_logical3A_298 = arith.constant 16 : i32
    %shift_right_logical3A_299 = vector.broadcast %shift_right_logical3A_298 : i32 to vector<16xi32>
    %shift_right_logical3A_300 = arith.shrui %get3A_297, %shift_right_logical3A_299 : vector<16xi32>
    %swap3A_301 = arith.constant 0 : i32
    %swap3A_302 = arith.index_cast %swap3A_301 : i32 to index
    %swap3A_303 = arith.constant 32 : index
    %swap3A_304 = tpu.vector_load %arg8[%swap3A_302, %swap3A_303] {strides = array<i32>} : memref<1x125xi32, #tpu.memory_space<vmem>>, vector<1x16xi32>,
    %swap3A_305 = vector.shape_cast %swap3A_304 : vector<1x16xi32> to vector<16xi32>
    %swap3A_306 = vector.shape_cast %shift_right_logical3A_300 : vector<16xi32> to vector<1x16xi32>
    tpu.vector_store %arg8[%swap3A_302, %swap3A_303], %swap3A_306 {strides = array<i32>} : memref<1x125xi32, #tpu.memory_space<vmem>>, vector<1x16xi32>,
    %and3A_307 = arith.constant 65535 : i32
    %and3A_308 = vector.broadcast %and3A_307 : i32 to vector<16xi32>
    %and3A_309 = arith.andi %get3A_297, %and3A_308 : vector<16xi32>
    %swap3A_310 = arith.constant 0 : i32
    %swap3A_311 = arith.index_cast %swap3A_310 : i32 to index
    %swap3A_312 = arith.constant 32 : index
    %swap3A_313 = tpu.vector_load %arg10[%swap3A_311, %swap3A_312] {strides = array<i32>} : memref<1x125xi32, #tpu.memory_space<vmem>>, vector<1x16xi32>,
    %swap3A_314 = vector.shape_cast %swap3A_313 : vector<1x16xi32> to vector<16xi32>
    %swap3A_315 = vector.shape_cast %and3A_309 : vector<16xi32> to vector<1x16xi32>
    tpu.vector_store %arg10[%swap3A_311, %swap3A_312], %swap3A_315 {strides = array<i32>} : memref<1x125xi32, #tpu.memory_space<vmem>>, vector<1x16xi32>,
    %get3A_316 = arith.constant 173 : index
    %get3A_317 = tpu.vector_load %arg6[%get3A_316] {strides = array<i32>} : memref<10000xi32, #tpu.memory_space<vmem>>, vector<16xi32>,
    %get3A_318 = vector.shape_cast %get3A_317 : vector<16xi32> to vector<16xi32>
    %shift_right_logical3A_319 = arith.constant 16 : i32
    %shift_right_logical3A_320 = vector.broadcast %shift_right_logical3A_319 : i32 to vector<16xi32>
    %shift_right_logical3A_321 = arith.shrui %get3A_318, %shift_right_logical3A_320 : vector<16xi32>
    %swap3A_322 = arith.constant 0 : i32
    %swap3A_323 = arith.index_cast %swap3A_322 : i32 to index
    %swap3A_324 = arith.constant 48 : index
    %swap3A_325 = tpu.vector_load %arg8[%swap3A_323, %swap3A_324] {strides = array<i32>} : memref<1x125xi32, #tpu.memory_space<vmem>>, vector<1x16xi32>,
    %swap3A_326 = vector.shape_cast %swap3A_325 : vector<1x16xi32> to vector<16xi32>
    %swap3A_327 = vector.shape_cast %shift_right_logical3A_321 : vector<16xi32> to vector<1x16xi32>
    tpu.vector_store %arg8[%swap3A_323, %swap3A_324], %swap3A_327 {strides = array<i32>} : memref<1x125xi32, #tpu.memory_space<vmem>>, vector<1x16xi32>,
    %and3A_328 = arith.constant 65535 : i32
    %and3A_329 = vector.broadcast %and3A_328 : i32 to vector<16xi32>
    %and3A_330 = arith.andi %get3A_318, %and3A_329 : vector<16xi32>
    %swap3A_331 = arith.constant 0 : i32
    %swap3A_332 = arith.index_cast %swap3A_331 : i32 to index
    %swap3A_333 = arith.constant 48 : index
    %swap3A_334 = tpu.vector_load %arg10[%swap3A_332, %swap3A_333] {strides = array<i32>} : memref<1x125xi32, #tpu.memory_space<vmem>>, vector<1x16xi32>,
    %swap3A_335 = vector.shape_cast %swap3A_334 : vector<1x16xi32> to vector<16xi32>
    %swap3A_336 = vector.shape_cast %and3A_330 : vector<16xi32> to vector<1x16xi32>
    tpu.vector_store %arg10[%swap3A_332, %swap3A_333], %swap3A_336 {strides = array<i32>} : memref<1x125xi32, #tpu.memory_space<vmem>>, vector<1x16xi32>,
    %get3A_337 = arith.constant 189 : index
    %get3A_338 = tpu.vector_load %arg6[%get3A_337] {strides = array<i32>} : memref<10000xi32, #tpu.memory_space<vmem>>, vector<16xi32>,
    %get3A_339 = vector.shape_cast %get3A_338 : vector<16xi32> to vector<16xi32>
    %shift_right_logical3A_340 = arith.constant 16 : i32
    %shift_right_logical3A_341 = vector.broadcast %shift_right_logical3A_340 : i32 to vector<16xi32>
    %shift_right_logical3A_342 = arith.shrui %get3A_339, %shift_right_logical3A_341 : vector<16xi32>
    %swap3A_343 = arith.constant 0 : i32
    %swap3A_344 = arith.index_cast %swap3A_343 : i32 to index
    %swap3A_345 = arith.constant 64 : index
    %swap3A_346 = tpu.vector_load %arg8[%swap3A_344, %swap3A_345] {strides = array<i32>} : memref<1x125xi32, #tpu.memory_space<vmem>>, vector<1x16xi32>,
    %swap3A_347 = vector.shape_cast %swap3A_346 : vector<1x16xi32> to vector<16xi32>
    %swap3A_348 = vector.shape_cast %shift_right_logical3A_342 : vector<16xi32> to vector<1x16xi32>
    tpu.vector_store %arg8[%swap3A_344, %swap3A_345], %swap3A_348 {strides = array<i32>} : memref<1x125xi32, #tpu.memory_space<vmem>>, vector<1x16xi32>,
    %and3A_349 = arith.constant 65535 : i32
    %and3A_350 = vector.broadcast %and3A_349 : i32 to vector<16xi32>
    %and3A_351 = arith.andi %get3A_339, %and3A_350 : vector<16xi32>
    %swap3A_352 = arith.constant 0 : i32
    %swap3A_353 = arith.index_cast %swap3A_352 : i32 to index
    %swap3A_354 = arith.constant 64 : index
    %swap3A_355 = tpu.vector_load %arg10[%swap3A_353, %swap3A_354] {strides = array<i32>} : memref<1x125xi32, #tpu.memory_space<vmem>>, vector<1x16xi32>,
    %swap3A_356 = vector.shape_cast %swap3A_355 : vector<1x16xi32> to vector<16xi32>
    %swap3A_357 = vector.shape_cast %and3A_351 : vector<16xi32> to vector<1x16xi32>
    tpu.vector_store %arg10[%swap3A_353, %swap3A_354], %swap3A_357 {strides = array<i32>} : memref<1x125xi32, #tpu.memory_space<vmem>>, vector<1x16xi32>,
    %get3A_358 = arith.constant 205 : index
    %get3A_359 = tpu.vector_load %arg6[%get3A_358] {strides = array<i32>} : memref<10000xi32, #tpu.memory_space<vmem>>, vector<16xi32>,
    %get3A_360 = vector.shape_cast %get3A_359 : vector<16xi32> to vector<16xi32>
    %shift_right_logical3A_361 = arith.constant 16 : i32
    %shift_right_logical3A_362 = vector.broadcast %shift_right_logical3A_361 : i32 to vector<16xi32>
    %shift_right_logical3A_363 = arith.shrui %get3A_360, %shift_right_logical3A_362 : vector<16xi32>
    %swap3A_364 = arith.constant 0 : i32
    %swap3A_365 = arith.index_cast %swap3A_364 : i32 to index
    %swap3A_366 = arith.constant 80 : index
    %swap3A_367 = tpu.vector_load %arg8[%swap3A_365, %swap3A_366] {strides = array<i32>} : memref<1x125xi32, #tpu.memory_space<vmem>>, vector<1x16xi32>,
    %swap3A_368 = vector.shape_cast %swap3A_367 : vector<1x16xi32> to vector<16xi32>
    %swap3A_369 = vector.shape_cast %shift_right_logical3A_363 : vector<16xi32> to vector<1x16xi32>
    tpu.vector_store %arg8[%swap3A_365, %swap3A_366], %swap3A_369 {strides = array<i32>} : memref<1x125xi32, #tpu.memory_space<vmem>>, vector<1x16xi32>,
    %and3A_370 = arith.constant 65535 : i32
    %and3A_371 = vector.broadcast %and3A_370 : i32 to vector<16xi32>
    %and3A_372 = arith.andi %get3A_360, %and3A_371 : vector<16xi32>
    %swap3A_373 = arith.constant 0 : i32
    %swap3A_374 = arith.index_cast %swap3A_373 : i32 to index
    %swap3A_375 = arith.constant 80 : index
    %swap3A_376 = tpu.vector_load %arg10[%swap3A_374, %swap3A_375] {strides = array<i32>} : memref<1x125xi32, #tpu.memory_space<vmem>>, vector<1x16xi32>,
    %swap3A_377 = vector.shape_cast %swap3A_376 : vector<1x16xi32> to vector<16xi32>
    %swap3A_378 = vector.shape_cast %and3A_372 : vector<16xi32> to vector<1x16xi32>
    tpu.vector_store %arg10[%swap3A_374, %swap3A_375], %swap3A_378 {strides = array<i32>} : memref<1x125xi32, #tpu.memory_space<vmem>>, vector<1x16xi32>,
    %get3A_379 = arith.constant 221 : index
    %get3A_380 = tpu.vector_load %arg6[%get3A_379] {strides = array<i32>} : memref<10000xi32, #tpu.memory_space<vmem>>, vector<16xi32>,
    %get3A_381 = vector.shape_cast %get3A_380 : vector<16xi32> to vector<16xi32>
    %shift_right_logical3A_382 = arith.constant 16 : i32
    %shift_right_logical3A_383 = vector.broadcast %shift_right_logical3A_382 : i32 to vector<16xi32>
    %shift_right_logical3A_384 = arith.shrui %get3A_381, %shift_right_logical3A_383 : vector<16xi32>
    %swap3A_385 = arith.constant 0 : i32
    %swap3A_386 = arith.index_cast %swap3A_385 : i32 to index
    %swap3A_387 = arith.constant 96 : index
    %swap3A_388 = tpu.vector_load %arg8[%swap3A_386, %swap3A_387] {strides = array<i32>} : memref<1x125xi32, #tpu.memory_space<vmem>>, vector<1x16xi32>,
    %swap3A_389 = vector.shape_cast %swap3A_388 : vector<1x16xi32> to vector<16xi32>
    %swap3A_390 = vector.shape_cast %shift_right_logical3A_384 : vector<16xi32> to vector<1x16xi32>
    tpu.vector_store %arg8[%swap3A_386, %swap3A_387], %swap3A_390 {strides = array<i32>} : memref<1x125xi32, #tpu.memory_space<vmem>>, vector<1x16xi32>,
    %and3A_391 = arith.constant 65535 : i32
    %and3A_392 = vector.broadcast %and3A_391 : i32 to vector<16xi32>
    %and3A_393 = arith.andi %get3A_381, %and3A_392 : vector<16xi32>
    %swap3A_394 = arith.constant 0 : i32
    %swap3A_395 = arith.index_cast %swap3A_394 : i32 to index
    %swap3A_396 = arith.constant 96 : index
    %swap3A_397 = tpu.vector_load %arg10[%swap3A_395, %swap3A_396] {strides = array<i32>} : memref<1x125xi32, #tpu.memory_space<vmem>>, vector<1x16xi32>,
    %swap3A_398 = vector.shape_cast %swap3A_397 : vector<1x16xi32> to vector<16xi32>
    %swap3A_399 = vector.shape_cast %and3A_393 : vector<16xi32> to vector<1x16xi32>
    tpu.vector_store %arg10[%swap3A_395, %swap3A_396], %swap3A_399 {strides = array<i32>} : memref<1x125xi32, #tpu.memory_space<vmem>>, vector<1x16xi32>,
    %get3A_400 = arith.constant 234 : index
    %get3A_401 = tpu.vector_load %arg6[%get3A_400] {strides = array<i32>} : memref<10000xi32, #tpu.memory_space<vmem>>, vector<16xi32>,
    %get3A_402 = vector.shape_cast %get3A_401 : vector<16xi32> to vector<16xi32>
    %shift_right_logical3A_403 = arith.constant 16 : i32
    %shift_right_logical3A_404 = vector.broadcast %shift_right_logical3A_403 : i32 to vector<16xi32>
    %shift_right_logical3A_405 = arith.shrui %get3A_402, %shift_right_logical3A_404 : vector<16xi32>
    %swap3A_406 = arith.constant 0 : i32
    %swap3A_407 = arith.index_cast %swap3A_406 : i32 to index
    %swap3A_408 = arith.constant 109 : index
    %swap3A_409 = tpu.vector_load %arg8[%swap3A_407, %swap3A_408] {strides = array<i32>} : memref<1x125xi32, #tpu.memory_space<vmem>>, vector<1x16xi32>,
    %swap3A_410 = vector.shape_cast %swap3A_409 : vector<1x16xi32> to vector<16xi32>
    %swap3A_411 = vector.shape_cast %shift_right_logical3A_405 : vector<16xi32> to vector<1x16xi32>
    tpu.vector_store %arg8[%swap3A_407, %swap3A_408], %swap3A_411 {strides = array<i32>} : memref<1x125xi32, #tpu.memory_space<vmem>>, vector<1x16xi32>,
    %and3A_412 = arith.constant 65535 : i32
    %and3A_413 = vector.broadcast %and3A_412 : i32 to vector<16xi32>
    %and3A_414 = arith.andi %get3A_402, %and3A_413 : vector<16xi32>
    %swap3A_415 = arith.constant 0 : i32
    %swap3A_416 = arith.index_cast %swap3A_415 : i32 to index
    %swap3A_417 = arith.constant 109 : index
    %swap3A_418 = tpu.vector_load %arg10[%swap3A_416, %swap3A_417] {strides = array<i32>} : memref<1x125xi32, #tpu.memory_space<vmem>>, vector<1x16xi32>,
    %swap3A_419 = vector.shape_cast %swap3A_418 : vector<1x16xi32> to vector<16xi32>
    %swap3A_420 = vector.shape_cast %and3A_414 : vector<16xi32> to vector<1x16xi32>
    tpu.vector_store %arg10[%swap3A_416, %swap3A_417], %swap3A_420 {strides = array<i32>} : memref<1x125xi32, #tpu.memory_space<vmem>>, vector<1x16xi32>,
    %dma_start3A_421 = arith.constant 0 : i32
    %dma_start3A_422 = arith.constant 0 : i32
    %dma_start3A_423 = tpu.memref_slice %arg8[%dma_start3A_421, %dma_start3A_422] : memref<1x125xi32, #tpu.memory_space<vmem>> -> memref<1x125xi32, #tpu.memory_space<vmem>>
    %dma_start3A_424 = tpu.memref_squeeze %dma_start3A_423 : memref<1x125xi32, #tpu.memory_space<vmem>> -> memref<125xi32, #tpu.memory_space<vmem>>
    %dma_start3A_425 = arith.constant 0 : i32
    %dma_start3A_426 = arith.constant 0 : i32
    %dma_start3A_427 = tpu.memref_slice %arg2[%dma_start3A_425, %dma_start3A_426] : memref<10000x128xbf16, #tpu.memory_space<hbm>> -> memref<10000x128xbf16, #tpu.memory_space<hbm>>
    tpu.enqueue_indirect_dma source(%dma_start3A_427 : memref<10000x128xbf16, #tpu.memory_space<hbm>>) target(%arg12 : memref<125x128xbf16, #tpu.memory_space<vmem>>) offsets(%dma_start3A_424 : memref<125xi32, #tpu.memory_space<vmem>>) semaphore(%arg15 : memref<!tpu.dma_semaphore, #tpu.memory_space<semaphore_mem>>)
    %scan3A = arith.constant 0 : i32
    %scan3A_428 = arith.constant 0 : i32
    %scan3A_429 = arith.constant 40 : i32
    %scan3A_430 = arith.addi %scan3A_428, %scan3A_429 : i32
    %scan3A_431 = arith.constant 1 : i32
    scf.for %scan3A_567 = %scan3A_428 to %scan3A_430 step %scan3A_431  : i32 {
      %mul3A_568 = arith.constant 2 : i32
      %mul3A_569 = arith.muli %mul3A_568, %scan3A_567 : i32
      %add3A_570 = arith.constant 0 : i32
      %add3A_571 = arith.addi %mul3A_569, %add3A_570 : i32
      %dma_wait3A = arith.constant 0 : i32
      %dma_wait3A_572 = arith.constant 0 : i32
      %dma_wait3A_573 = tpu.memref_slice %arg7[%dma_wait3A, %dma_wait3A_572] : memref<1x125xi32, #tpu.memory_space<vmem>> -> memref<1x125xi32, #tpu.memory_space<vmem>>
      %dma_wait3A_574 = tpu.memref_squeeze %dma_wait3A_573 : memref<1x125xi32, #tpu.memory_space<vmem>> -> memref<125xi32, #tpu.memory_space<vmem>>
      %dma_wait3A_575 = arith.constant 0 : i32
      %dma_wait3A_576 = arith.constant 0 : i32
      %dma_wait3A_577 = tpu.memref_slice %arg2[%dma_wait3A_575, %dma_wait3A_576] : memref<10000x128xbf16, #tpu.memory_space<hbm>> -> memref<10000x128xbf16, #tpu.memory_space<hbm>>
      tpu.wait_indirect_dma semaphore(%arg14 : memref<!tpu.dma_semaphore, #tpu.memory_space<semaphore_mem>>) src(%dma_wait3A_577 : memref<10000x128xbf16, #tpu.memory_space<hbm>>) dst(%arg11 : memref<125x128xbf16, #tpu.memory_space<vmem>>)
      %dma_start3A_578 = arith.constant 0 : i32
      %dma_start3A_579 = arith.constant 0 : i32
      %dma_start3A_580 = tpu.memref_slice %arg9[%dma_start3A_578, %dma_start3A_579] : memref<1x125xi32, #tpu.memory_space<vmem>> -> memref<1x125xi32, #tpu.memory_space<vmem>>
      %dma_start3A_581 = tpu.memref_squeeze %dma_start3A_580 : memref<1x125xi32, #tpu.memory_space<vmem>> -> memref<125xi32, #tpu.memory_space<vmem>>
      %dma_start3A_582 = arith.constant 0 : i32
      %dma_start3A_583 = arith.constant 0 : i32
      %dma_start3A_584 = tpu.memref_slice %arg13[%dma_start3A_582, %dma_start3A_583] : memref<10000x128xbf16, #tpu.memory_space<vmem_shared>> -> memref<10000x128xbf16, #tpu.memory_space<vmem_shared>>
      tpu.enqueue_indirect_dma source(%arg11 : memref<125x128xbf16, #tpu.memory_space<vmem>>) target(%dma_start3A_584 : memref<10000x128xbf16, #tpu.memory_space<vmem_shared>>) offsets(%dma_start3A_581 : memref<125xi32, #tpu.memory_space<vmem>>) semaphore(%arg16 : memref<!tpu.dma_semaphore, #tpu.memory_space<semaphore_mem>>) {add = true}
      %dma_wait3A_585 = arith.constant 0 : i32
      %dma_wait3A_586 = arith.constant 0 : i32
      %dma_wait3A_587 = tpu.memref_slice %arg9[%dma_wait3A_585, %dma_wait3A_586] : memref<1x125xi32, #tpu.memory_space<vmem>> -> memref<1x125xi32, #tpu.memory_space<vmem>>
      %dma_wait3A_588 = tpu.memref_squeeze %dma_wait3A_587 : memref<1x125xi32, #tpu.memory_space<vmem>> -> memref<125xi32, #tpu.memory_space<vmem>>
      %dma_wait3A_589 = arith.constant 0 : i32
      %dma_wait3A_590 = arith.constant 0 : i32
      %dma_wait3A_591 = tpu.memref_slice %arg13[%dma_wait3A_589, %dma_wait3A_590] : memref<10000x128xbf16, #tpu.memory_space<vmem_shared>> -> memref<10000x128xbf16, #tpu.memory_space<vmem_shared>>
      tpu.wait_indirect_dma semaphore(%arg16 : memref<!tpu.dma_semaphore, #tpu.memory_space<semaphore_mem>>) src(%arg11 : memref<125x128xbf16, #tpu.memory_space<vmem>>) dst(%dma_wait3A_591 : memref<10000x128xbf16, #tpu.memory_space<vmem_shared>>)
      %add3A_592 = arith.constant 2 : i32
      %add3A_593 = arith.addi %add3A_571, %add3A_592 : i32
      %lt3A_594 = arith.constant 80 : i32
      %lt3A_595 = arith.cmpi slt, %add3A_593, %lt3A_594 : i32
      %convert_element_type3A_596 = arith.extui %lt3A_595 : i1 to i32
      %cond3A_597 = arith.constant 0 : i32
      %cond3A_598 = arith.cmpi ne, %convert_element_type3A_596, %cond3A_597 : i32
      scf.if %cond3A_598 {
        %add3A_629 = arith.constant 2 : i32
        %add3A_630 = arith.addi %add3A_571, %add3A_629 : i32
        %mul3A_631 = arith.constant 125 : i32
        %mul3A_632 = arith.muli %add3A_630, %mul3A_631 : i32
        %add3A_633 = arith.constant 0 : i32
        %add3A_634 = arith.addi %mul3A_632, %add3A_633 : i32
        %get3A_635 = arith.index_cast %add3A_634 : i32 to index
        %get3A_636 = tpu.vector_load %arg6[%get3A_635] {strides = array<i32>} : memref<10000xi32, #tpu.memory_space<vmem>>, vector<16xi32>,
        %get3A_637 = vector.shape_cast %get3A_636 : vector<16xi32> to vector<16xi32>
        %shift_right_logical3A_638 = arith.constant 16 : i32
        %shift_right_logical3A_639 = vector.broadcast %shift_right_logical3A_638 : i32 to vector<16xi32>
        %shift_right_logical3A_640 = arith.shrui %get3A_637, %shift_right_logical3A_639 : vector<16xi32>
        %swap3A_641 = arith.constant 0 : i32
        %swap3A_642 = arith.index_cast %swap3A_641 : i32 to index
        %swap3A_643 = arith.constant 0 : index
        %swap3A_644 = tpu.vector_load %arg7[%swap3A_642, %swap3A_643] {strides = array<i32>} : memref<1x125xi32, #tpu.memory_space<vmem>>, vector<1x16xi32>,
        %swap3A_645 = vector.shape_cast %swap3A_644 : vector<1x16xi32> to vector<16xi32>
        %swap3A_646 = vector.shape_cast %shift_right_logical3A_640 : vector<16xi32> to vector<1x16xi32>
        tpu.vector_store %arg7[%swap3A_642, %swap3A_643], %swap3A_646 {strides = array<i32>} : memref<1x125xi32, #tpu.memory_space<vmem>>, vector<1x16xi32>,
        %and3A_647 = arith.constant 65535 : i32
        %and3A_648 = vector.broadcast %and3A_647 : i32 to vector<16xi32>
        %and3A_649 = arith.andi %get3A_637, %and3A_648 : vector<16xi32>
        %swap3A_650 = arith.constant 0 : i32
        %swap3A_651 = arith.index_cast %swap3A_650 : i32 to index
        %swap3A_652 = arith.constant 0 : index
        %swap3A_653 = tpu.vector_load %arg9[%swap3A_651, %swap3A_652] {strides = array<i32>} : memref<1x125xi32, #tpu.memory_space<vmem>>, vector<1x16xi32>,
        %swap3A_654 = vector.shape_cast %swap3A_653 : vector<1x16xi32> to vector<16xi32>
        %swap3A_655 = vector.shape_cast %and3A_649 : vector<16xi32> to vector<1x16xi32>
        tpu.vector_store %arg9[%swap3A_651, %swap3A_652], %swap3A_655 {strides = array<i32>} : memref<1x125xi32, #tpu.memory_space<vmem>>, vector<1x16xi32>,
        %mul3A_656 = arith.constant 125 : i32
        %mul3A_657 = arith.muli %add3A_630, %mul3A_656 : i32
        %add3A_658 = arith.constant 16 : i32
        %add3A_659 = arith.addi %mul3A_657, %add3A_658 : i32
        %get3A_660 = arith.index_cast %add3A_659 : i32 to index
        %get3A_661 = tpu.vector_load %arg6[%get3A_660] {strides = array<i32>} : memref<10000xi32, #tpu.memory_space<vmem>>, vector<16xi32>,
        %get3A_662 = vector.shape_cast %get3A_661 : vector<16xi32> to vector<16xi32>
        %shift_right_logical3A_663 = arith.constant 16 : i32
        %shift_right_logical3A_664 = vector.broadcast %shift_right_logical3A_663 : i32 to vector<16xi32>
        %shift_right_logical3A_665 = arith.shrui %get3A_662, %shift_right_logical3A_664 : vector<16xi32>
        %swap3A_666 = arith.constant 0 : i32
        %swap3A_667 = arith.index_cast %swap3A_666 : i32 to index
        %swap3A_668 = arith.constant 16 : index
        %swap3A_669 = tpu.vector_load %arg7[%swap3A_667, %swap3A_668] {strides = array<i32>} : memref<1x125xi32, #tpu.memory_space<vmem>>, vector<1x16xi32>,
        %swap3A_670 = vector.shape_cast %swap3A_669 : vector<1x16xi32> to vector<16xi32>
        %swap3A_671 = vector.shape_cast %shift_right_logical3A_665 : vector<16xi32> to vector<1x16xi32>
        tpu.vector_store %arg7[%swap3A_667, %swap3A_668], %swap3A_671 {strides = array<i32>} : memref<1x125xi32, #tpu.memory_space<vmem>>, vector<1x16xi32>,
        %and3A_672 = arith.constant 65535 : i32
        %and3A_673 = vector.broadcast %and3A_672 : i32 to vector<16xi32>
        %and3A_674 = arith.andi %get3A_662, %and3A_673 : vector<16xi32>
        %swap3A_675 = arith.constant 0 : i32
        %swap3A_676 = arith.index_cast %swap3A_675 : i32 to index
        %swap3A_677 = arith.constant 16 : index
        %swap3A_678 = tpu.vector_load %arg9[%swap3A_676, %swap3A_677] {strides = array<i32>} : memref<1x125xi32, #tpu.memory_space<vmem>>, vector<1x16xi32>,
        %swap3A_679 = vector.shape_cast %swap3A_678 : vector<1x16xi32> to vector<16xi32>
        %swap3A_680 = vector.shape_cast %and3A_674 : vector<16xi32> to vector<1x16xi32>
        tpu.vector_store %arg9[%swap3A_676, %swap3A_677], %swap3A_680 {strides = array<i32>} : memref<1x125xi32, #tpu.memory_space<vmem>>, vector<1x16xi32>,
        %mul3A_681 = arith.constant 125 : i32
        %mul3A_682 = arith.muli %add3A_630, %mul3A_681 : i32
        %add3A_683 = arith.constant 32 : i32
        %add3A_684 = arith.addi %mul3A_682, %add3A_683 : i32
        %get3A_685 = arith.index_cast %add3A_684 : i32 to index
        %get3A_686 = tpu.vector_load %arg6[%get3A_685] {strides = array<i32>} : memref<10000xi32, #tpu.memory_space<vmem>>, vector<16xi32>,
        %get3A_687 = vector.shape_cast %get3A_686 : vector<16xi32> to vector<16xi32>
        %shift_right_logical3A_688 = arith.constant 16 : i32
        %shift_right_logical3A_689 = vector.broadcast %shift_right_logical3A_688 : i32 to vector<16xi32>
        %shift_right_logical3A_690 = arith.shrui %get3A_687, %shift_right_logical3A_689 : vector<16xi32>
        %swap3A_691 = arith.constant 0 : i32
        %swap3A_692 = arith.index_cast %swap3A_691 : i32 to index
        %swap3A_693 = arith.constant 32 : index
        %swap3A_694 = tpu.vector_load %arg7[%swap3A_692, %swap3A_693] {strides = array<i32>} : memref<1x125xi32, #tpu.memory_space<vmem>>, vector<1x16xi32>,
        %swap3A_695 = vector.shape_cast %swap3A_694 : vector<1x16xi32> to vector<16xi32>
        %swap3A_696 = vector.shape_cast %shift_right_logical3A_690 : vector<16xi32> to vector<1x16xi32>
        tpu.vector_store %arg7[%swap3A_692, %swap3A_693], %swap3A_696 {strides = array<i32>} : memref<1x125xi32, #tpu.memory_space<vmem>>, vector<1x16xi32>,
        %and3A_697 = arith.constant 65535 : i32
        %and3A_698 = vector.broadcast %and3A_697 : i32 to vector<16xi32>
        %and3A_699 = arith.andi %get3A_687, %and3A_698 : vector<16xi32>
        %swap3A_700 = arith.constant 0 : i32
        %swap3A_701 = arith.index_cast %swap3A_700 : i32 to index
        %swap3A_702 = arith.constant 32 : index
        %swap3A_703 = tpu.vector_load %arg9[%swap3A_701, %swap3A_702] {strides = array<i32>} : memref<1x125xi32, #tpu.memory_space<vmem>>, vector<1x16xi32>,
        %swap3A_704 = vector.shape_cast %swap3A_703 : vector<1x16xi32> to vector<16xi32>
        %swap3A_705 = vector.shape_cast %and3A_699 : vector<16xi32> to vector<1x16xi32>
        tpu.vector_store %arg9[%swap3A_701, %swap3A_702], %swap3A_705 {strides = array<i32>} : memref<1x125xi32, #tpu.memory_space<vmem>>, vector<1x16xi32>,
        %mul3A_706 = arith.constant 125 : i32
        %mul3A_707 = arith.muli %add3A_630, %mul3A_706 : i32
        %add3A_708 = arith.constant 48 : i32
        %add3A_709 = arith.addi %mul3A_707, %add3A_708 : i32
        %get3A_710 = arith.index_cast %add3A_709 : i32 to index
        %get3A_711 = tpu.vector_load %arg6[%get3A_710] {strides = array<i32>} : memref<10000xi32, #tpu.memory_space<vmem>>, vector<16xi32>,
        %get3A_712 = vector.shape_cast %get3A_711 : vector<16xi32> to vector<16xi32>
        %shift_right_logical3A_713 = arith.constant 16 : i32
        %shift_right_logical3A_714 = vector.broadcast %shift_right_logical3A_713 : i32 to vector<16xi32>
        %shift_right_logical3A_715 = arith.shrui %get3A_712, %shift_right_logical3A_714 : vector<16xi32>
        %swap3A_716 = arith.constant 0 : i32
        %swap3A_717 = arith.index_cast %swap3A_716 : i32 to index
        %swap3A_718 = arith.constant 48 : index
        %swap3A_719 = tpu.vector_load %arg7[%swap3A_717, %swap3A_718] {strides = array<i32>} : memref<1x125xi32, #tpu.memory_space<vmem>>, vector<1x16xi32>,
        %swap3A_720 = vector.shape_cast %swap3A_719 : vector<1x16xi32> to vector<16xi32>
        %swap3A_721 = vector.shape_cast %shift_right_logical3A_715 : vector<16xi32> to vector<1x16xi32>
        tpu.vector_store %arg7[%swap3A_717, %swap3A_718], %swap3A_721 {strides = array<i32>} : memref<1x125xi32, #tpu.memory_space<vmem>>, vector<1x16xi32>,
        %and3A_722 = arith.constant 65535 : i32
        %and3A_723 = vector.broadcast %and3A_722 : i32 to vector<16xi32>
        %and3A_724 = arith.andi %get3A_712, %and3A_723 : vector<16xi32>
        %swap3A_725 = arith.constant 0 : i32
        %swap3A_726 = arith.index_cast %swap3A_725 : i32 to index
        %swap3A_727 = arith.constant 48 : index
        %swap3A_728 = tpu.vector_load %arg9[%swap3A_726, %swap3A_727] {strides = array<i32>} : memref<1x125xi32, #tpu.memory_space<vmem>>, vector<1x16xi32>,
        %swap3A_729 = vector.shape_cast %swap3A_728 : vector<1x16xi32> to vector<16xi32>
        %swap3A_730 = vector.shape_cast %and3A_724 : vector<16xi32> to vector<1x16xi32>
        tpu.vector_store %arg9[%swap3A_726, %swap3A_727], %swap3A_730 {strides = array<i32>} : memref<1x125xi32, #tpu.memory_space<vmem>>, vector<1x16xi32>,
        %mul3A_731 = arith.constant 125 : i32
        %mul3A_732 = arith.muli %add3A_630, %mul3A_731 : i32
        %add3A_733 = arith.constant 64 : i32
        %add3A_734 = arith.addi %mul3A_732, %add3A_733 : i32
        %get3A_735 = arith.index_cast %add3A_734 : i32 to index
        %get3A_736 = tpu.vector_load %arg6[%get3A_735] {strides = array<i32>} : memref<10000xi32, #tpu.memory_space<vmem>>, vector<16xi32>,
        %get3A_737 = vector.shape_cast %get3A_736 : vector<16xi32> to vector<16xi32>
        %shift_right_logical3A_738 = arith.constant 16 : i32
        %shift_right_logical3A_739 = vector.broadcast %shift_right_logical3A_738 : i32 to vector<16xi32>
        %shift_right_logical3A_740 = arith.shrui %get3A_737, %shift_right_logical3A_739 : vector<16xi32>
        %swap3A_741 = arith.constant 0 : i32
        %swap3A_742 = arith.index_cast %swap3A_741 : i32 to index
        %swap3A_743 = arith.constant 64 : index
        %swap3A_744 = tpu.vector_load %arg7[%swap3A_742, %swap3A_743] {strides = array<i32>} : memref<1x125xi32, #tpu.memory_space<vmem>>, vector<1x16xi32>,
        %swap3A_745 = vector.shape_cast %swap3A_744 : vector<1x16xi32> to vector<16xi32>
        %swap3A_746 = vector.shape_cast %shift_right_logical3A_740 : vector<16xi32> to vector<1x16xi32>
        tpu.vector_store %arg7[%swap3A_742, %swap3A_743], %swap3A_746 {strides = array<i32>} : memref<1x125xi32, #tpu.memory_space<vmem>>, vector<1x16xi32>,
        %and3A_747 = arith.constant 65535 : i32
        %and3A_748 = vector.broadcast %and3A_747 : i32 to vector<16xi32>
        %and3A_749 = arith.andi %get3A_737, %and3A_748 : vector<16xi32>
        %swap3A_750 = arith.constant 0 : i32
        %swap3A_751 = arith.index_cast %swap3A_750 : i32 to index
        %swap3A_752 = arith.constant 64 : index
        %swap3A_753 = tpu.vector_load %arg9[%swap3A_751, %swap3A_752] {strides = array<i32>} : memref<1x125xi32, #tpu.memory_space<vmem>>, vector<1x16xi32>,
        %swap3A_754 = vector.shape_cast %swap3A_753 : vector<1x16xi32> to vector<16xi32>
        %swap3A_755 = vector.shape_cast %and3A_749 : vector<16xi32> to vector<1x16xi32>
        tpu.vector_store %arg9[%swap3A_751, %swap3A_752], %swap3A_755 {strides = array<i32>} : memref<1x125xi32, #tpu.memory_space<vmem>>, vector<1x16xi32>,
        %mul3A_756 = arith.constant 125 : i32
        %mul3A_757 = arith.muli %add3A_630, %mul3A_756 : i32
        %add3A_758 = arith.constant 80 : i32
        %add3A_759 = arith.addi %mul3A_757, %add3A_758 : i32
        %get3A_760 = arith.index_cast %add3A_759 : i32 to index
        %get3A_761 = tpu.vector_load %arg6[%get3A_760] {strides = array<i32>} : memref<10000xi32, #tpu.memory_space<vmem>>, vector<16xi32>,
        %get3A_762 = vector.shape_cast %get3A_761 : vector<16xi32> to vector<16xi32>
        %shift_right_logical3A_763 = arith.constant 16 : i32
        %shift_right_logical3A_764 = vector.broadcast %shift_right_logical3A_763 : i32 to vector<16xi32>
        %shift_right_logical3A_765 = arith.shrui %get3A_762, %shift_right_logical3A_764 : vector<16xi32>
        %swap3A_766 = arith.constant 0 : i32
        %swap3A_767 = arith.index_cast %swap3A_766 : i32 to index
        %swap3A_768 = arith.constant 80 : index
        %swap3A_769 = tpu.vector_load %arg7[%swap3A_767, %swap3A_768] {strides = array<i32>} : memref<1x125xi32, #tpu.memory_space<vmem>>, vector<1x16xi32>,
        %swap3A_770 = vector.shape_cast %swap3A_769 : vector<1x16xi32> to vector<16xi32>
        %swap3A_771 = vector.shape_cast %shift_right_logical3A_765 : vector<16xi32> to vector<1x16xi32>
        tpu.vector_store %arg7[%swap3A_767, %swap3A_768], %swap3A_771 {strides = array<i32>} : memref<1x125xi32, #tpu.memory_space<vmem>>, vector<1x16xi32>,
        %and3A_772 = arith.constant 65535 : i32
        %and3A_773 = vector.broadcast %and3A_772 : i32 to vector<16xi32>
        %and3A_774 = arith.andi %get3A_762, %and3A_773 : vector<16xi32>
        %swap3A_775 = arith.constant 0 : i32
        %swap3A_776 = arith.index_cast %swap3A_775 : i32 to index
        %swap3A_777 = arith.constant 80 : index
        %swap3A_778 = tpu.vector_load %arg9[%swap3A_776, %swap3A_777] {strides = array<i32>} : memref<1x125xi32, #tpu.memory_space<vmem>>, vector<1x16xi32>,
        %swap3A_779 = vector.shape_cast %swap3A_778 : vector<1x16xi32> to vector<16xi32>
        %swap3A_780 = vector.shape_cast %and3A_774 : vector<16xi32> to vector<1x16xi32>
        tpu.vector_store %arg9[%swap3A_776, %swap3A_777], %swap3A_780 {strides = array<i32>} : memref<1x125xi32, #tpu.memory_space<vmem>>, vector<1x16xi32>,
        %mul3A_781 = arith.constant 125 : i32
        %mul3A_782 = arith.muli %add3A_630, %mul3A_781 : i32
        %add3A_783 = arith.constant 96 : i32
        %add3A_784 = arith.addi %mul3A_782, %add3A_783 : i32
        %get3A_785 = arith.index_cast %add3A_784 : i32 to index
        %get3A_786 = tpu.vector_load %arg6[%get3A_785] {strides = array<i32>} : memref<10000xi32, #tpu.memory_space<vmem>>, vector<16xi32>,
        %get3A_787 = vector.shape_cast %get3A_786 : vector<16xi32> to vector<16xi32>
        %shift_right_logical3A_788 = arith.constant 16 : i32
        %shift_right_logical3A_789 = vector.broadcast %shift_right_logical3A_788 : i32 to vector<16xi32>
        %shift_right_logical3A_790 = arith.shrui %get3A_787, %shift_right_logical3A_789 : vector<16xi32>
        %swap3A_791 = arith.constant 0 : i32
        %swap3A_792 = arith.index_cast %swap3A_791 : i32 to index
        %swap3A_793 = arith.constant 96 : index
        %swap3A_794 = tpu.vector_load %arg7[%swap3A_792, %swap3A_793] {strides = array<i32>} : memref<1x125xi32, #tpu.memory_space<vmem>>, vector<1x16xi32>,
        %swap3A_795 = vector.shape_cast %swap3A_794 : vector<1x16xi32> to vector<16xi32>
        %swap3A_796 = vector.shape_cast %shift_right_logical3A_790 : vector<16xi32> to vector<1x16xi32>
        tpu.vector_store %arg7[%swap3A_792, %swap3A_793], %swap3A_796 {strides = array<i32>} : memref<1x125xi32, #tpu.memory_space<vmem>>, vector<1x16xi32>,
        %and3A_797 = arith.constant 65535 : i32
        %and3A_798 = vector.broadcast %and3A_797 : i32 to vector<16xi32>
        %and3A_799 = arith.andi %get3A_787, %and3A_798 : vector<16xi32>
        %swap3A_800 = arith.constant 0 : i32
        %swap3A_801 = arith.index_cast %swap3A_800 : i32 to index
        %swap3A_802 = arith.constant 96 : index
        %swap3A_803 = tpu.vector_load %arg9[%swap3A_801, %swap3A_802] {strides = array<i32>} : memref<1x125xi32, #tpu.memory_space<vmem>>, vector<1x16xi32>,
        %swap3A_804 = vector.shape_cast %swap3A_803 : vector<1x16xi32> to vector<16xi32>
        %swap3A_805 = vector.shape_cast %and3A_799 : vector<16xi32> to vector<1x16xi32>
        tpu.vector_store %arg9[%swap3A_801, %swap3A_802], %swap3A_805 {strides = array<i32>} : memref<1x125xi32, #tpu.memory_space<vmem>>, vector<1x16xi32>,
        %mul3A_806 = arith.constant 125 : i32
        %mul3A_807 = arith.muli %add3A_630, %mul3A_806 : i32
        %add3A_808 = arith.constant 109 : i32
        %add3A_809 = arith.addi %mul3A_807, %add3A_808 : i32
        %get3A_810 = arith.index_cast %add3A_809 : i32 to index
        %get3A_811 = tpu.vector_load %arg6[%get3A_810] {strides = array<i32>} : memref<10000xi32, #tpu.memory_space<vmem>>, vector<16xi32>,
        %get3A_812 = vector.shape_cast %get3A_811 : vector<16xi32> to vector<16xi32>
        %shift_right_logical3A_813 = arith.constant 16 : i32
        %shift_right_logical3A_814 = vector.broadcast %shift_right_logical3A_813 : i32 to vector<16xi32>
        %shift_right_logical3A_815 = arith.shrui %get3A_812, %shift_right_logical3A_814 : vector<16xi32>
        %swap3A_816 = arith.constant 0 : i32
        %swap3A_817 = arith.index_cast %swap3A_816 : i32 to index
        %swap3A_818 = arith.constant 109 : index
        %swap3A_819 = tpu.vector_load %arg7[%swap3A_817, %swap3A_818] {strides = array<i32>} : memref<1x125xi32, #tpu.memory_space<vmem>>, vector<1x16xi32>,
        %swap3A_820 = vector.shape_cast %swap3A_819 : vector<1x16xi32> to vector<16xi32>
        %swap3A_821 = vector.shape_cast %shift_right_logical3A_815 : vector<16xi32> to vector<1x16xi32>
        tpu.vector_store %arg7[%swap3A_817, %swap3A_818], %swap3A_821 {strides = array<i32>} : memref<1x125xi32, #tpu.memory_space<vmem>>, vector<1x16xi32>,
        %and3A_822 = arith.constant 65535 : i32
        %and3A_823 = vector.broadcast %and3A_822 : i32 to vector<16xi32>
        %and3A_824 = arith.andi %get3A_812, %and3A_823 : vector<16xi32>
        %swap3A_825 = arith.constant 0 : i32
        %swap3A_826 = arith.index_cast %swap3A_825 : i32 to index
        %swap3A_827 = arith.constant 109 : index
        %swap3A_828 = tpu.vector_load %arg9[%swap3A_826, %swap3A_827] {strides = array<i32>} : memref<1x125xi32, #tpu.memory_space<vmem>>, vector<1x16xi32>,
        %swap3A_829 = vector.shape_cast %swap3A_828 : vector<1x16xi32> to vector<16xi32>
        %swap3A_830 = vector.shape_cast %and3A_824 : vector<16xi32> to vector<1x16xi32>
        tpu.vector_store %arg9[%swap3A_826, %swap3A_827], %swap3A_830 {strides = array<i32>} : memref<1x125xi32, #tpu.memory_space<vmem>>, vector<1x16xi32>,
        %dma_start3A_831 = arith.constant 0 : i32
        %dma_start3A_832 = arith.constant 0 : i32
        %dma_start3A_833 = tpu.memref_slice %arg7[%dma_start3A_831, %dma_start3A_832] : memref<1x125xi32, #tpu.memory_space<vmem>> -> memref<1x125xi32, #tpu.memory_space<vmem>>
        %dma_start3A_834 = tpu.memref_squeeze %dma_start3A_833 : memref<1x125xi32, #tpu.memory_space<vmem>> -> memref<125xi32, #tpu.memory_space<vmem>>
        %dma_start3A_835 = arith.constant 0 : i32
        %dma_start3A_836 = arith.constant 0 : i32
        %dma_start3A_837 = tpu.memref_slice %arg2[%dma_start3A_835, %dma_start3A_836] : memref<10000x128xbf16, #tpu.memory_space<hbm>> -> memref<10000x128xbf16, #tpu.memory_space<hbm>>
        tpu.enqueue_indirect_dma source(%dma_start3A_837 : memref<10000x128xbf16, #tpu.memory_space<hbm>>) target(%arg11 : memref<125x128xbf16, #tpu.memory_space<vmem>>) offsets(%dma_start3A_834 : memref<125xi32, #tpu.memory_space<vmem>>) semaphore(%arg14 : memref<!tpu.dma_semaphore, #tpu.memory_space<semaphore_mem>>)
      } else {
      }
      %add3A_599 = arith.constant 1 : i32
      %add3A_600 = arith.addi %mul3A_569, %add3A_599 : i32
      %dma_wait3A_601 = arith.constant 0 : i32
      %dma_wait3A_602 = arith.constant 0 : i32
      %dma_wait3A_603 = tpu.memref_slice %arg8[%dma_wait3A_601, %dma_wait3A_602] : memref<1x125xi32, #tpu.memory_space<vmem>> -> memref<1x125xi32, #tpu.memory_space<vmem>>
      %dma_wait3A_604 = tpu.memref_squeeze %dma_wait3A_603 : memref<1x125xi32, #tpu.memory_space<vmem>> -> memref<125xi32, #tpu.memory_space<vmem>>
      %dma_wait3A_605 = arith.constant 0 : i32
      %dma_wait3A_606 = arith.constant 0 : i32
      %dma_wait3A_607 = tpu.memref_slice %arg2[%dma_wait3A_605, %dma_wait3A_606] : memref<10000x128xbf16, #tpu.memory_space<hbm>> -> memref<10000x128xbf16, #tpu.memory_space<hbm>>
      tpu.wait_indirect_dma semaphore(%arg15 : memref<!tpu.dma_semaphore, #tpu.memory_space<semaphore_mem>>) src(%dma_wait3A_607 : memref<10000x128xbf16, #tpu.memory_space<hbm>>) dst(%arg12 : memref<125x128xbf16, #tpu.memory_space<vmem>>)
      %dma_start3A_608 = arith.constant 0 : i32
      %dma_start3A_609 = arith.constant 0 : i32
      %dma_start3A_610 = tpu.memref_slice %arg10[%dma_start3A_608, %dma_start3A_609] : memref<1x125xi32, #tpu.memory_space<vmem>> -> memref<1x125xi32, #tpu.memory_space<vmem>>
      %dma_start3A_611 = tpu.memref_squeeze %dma_start3A_610 : memref<1x125xi32, #tpu.memory_space<vmem>> -> memref<125xi32, #tpu.memory_space<vmem>>
      %dma_start3A_612 = arith.constant 0 : i32
      %dma_start3A_613 = arith.constant 0 : i32
      %dma_start3A_614 = tpu.memref_slice %arg13[%dma_start3A_612, %dma_start3A_613] : memref<10000x128xbf16, #tpu.memory_space<vmem_shared>> -> memref<10000x128xbf16, #tpu.memory_space<vmem_shared>>
      tpu.enqueue_indirect_dma source(%arg12 : memref<125x128xbf16, #tpu.memory_space<vmem>>) target(%dma_start3A_614 : memref<10000x128xbf16, #tpu.memory_space<vmem_shared>>) offsets(%dma_start3A_611 : memref<125xi32, #tpu.memory_space<vmem>>) semaphore(%arg16 : memref<!tpu.dma_semaphore, #tpu.memory_space<semaphore_mem>>) {add = true}
      %dma_wait3A_615 = arith.constant 0 : i32
      %dma_wait3A_616 = arith.constant 0 : i32
      %dma_wait3A_617 = tpu.memref_slice %arg10[%dma_wait3A_615, %dma_wait3A_616] : memref<1x125xi32, #tpu.memory_space<vmem>> -> memref<1x125xi32, #tpu.memory_space<vmem>>
      %dma_wait3A_618 = tpu.memref_squeeze %dma_wait3A_617 : memref<1x125xi32, #tpu.memory_space<vmem>> -> memref<125xi32, #tpu.memory_space<vmem>>
      %dma_wait3A_619 = arith.constant 0 : i32
      %dma_wait3A_620 = arith.constant 0 : i32
      %dma_wait3A_621 = tpu.memref_slice %arg13[%dma_wait3A_619, %dma_wait3A_620] : memref<10000x128xbf16, #tpu.memory_space<vmem_shared>> -> memref<10000x128xbf16, #tpu.memory_space<vmem_shared>>
      tpu.wait_indirect_dma semaphore(%arg16 : memref<!tpu.dma_semaphore, #tpu.memory_space<semaphore_mem>>) src(%arg12 : memref<125x128xbf16, #tpu.memory_space<vmem>>) dst(%dma_wait3A_621 : memref<10000x128xbf16, #tpu.memory_space<vmem_shared>>)
      %add3A_622 = arith.constant 2 : i32
      %add3A_623 = arith.addi %add3A_600, %add3A_622 : i32
      %lt3A_624 = arith.constant 80 : i32
      %lt3A_625 = arith.cmpi slt, %add3A_623, %lt3A_624 : i32
      %convert_element_type3A_626 = arith.extui %lt3A_625 : i1 to i32
      %cond3A_627 = arith.constant 0 : i32
      %cond3A_628 = arith.cmpi ne, %convert_element_type3A_626, %cond3A_627 : i32
      scf.if %cond3A_628 {
        %add3A_629 = arith.constant 2 : i32
        %add3A_630 = arith.addi %add3A_600, %add3A_629 : i32
        %mul3A_631 = arith.constant 125 : i32
        %mul3A_632 = arith.muli %add3A_630, %mul3A_631 : i32
        %add3A_633 = arith.constant 0 : i32
        %add3A_634 = arith.addi %mul3A_632, %add3A_633 : i32
        %get3A_635 = arith.index_cast %add3A_634 : i32 to index
        %get3A_636 = tpu.vector_load %arg6[%get3A_635] {strides = array<i32>} : memref<10000xi32, #tpu.memory_space<vmem>>, vector<16xi32>,
        %get3A_637 = vector.shape_cast %get3A_636 : vector<16xi32> to vector<16xi32>
        %shift_right_logical3A_638 = arith.constant 16 : i32
        %shift_right_logical3A_639 = vector.broadcast %shift_right_logical3A_638 : i32 to vector<16xi32>
        %shift_right_logical3A_640 = arith.shrui %get3A_637, %shift_right_logical3A_639 : vector<16xi32>
        %swap3A_641 = arith.constant 0 : i32
        %swap3A_642 = arith.index_cast %swap3A_641 : i32 to index
        %swap3A_643 = arith.constant 0 : index
        %swap3A_644 = tpu.vector_load %arg8[%swap3A_642, %swap3A_643] {strides = array<i32>} : memref<1x125xi32, #tpu.memory_space<vmem>>, vector<1x16xi32>,
        %swap3A_645 = vector.shape_cast %swap3A_644 : vector<1x16xi32> to vector<16xi32>
        %swap3A_646 = vector.shape_cast %shift_right_logical3A_640 : vector<16xi32> to vector<1x16xi32>
        tpu.vector_store %arg8[%swap3A_642, %swap3A_643], %swap3A_646 {strides = array<i32>} : memref<1x125xi32, #tpu.memory_space<vmem>>, vector<1x16xi32>,
        %and3A_647 = arith.constant 65535 : i32
        %and3A_648 = vector.broadcast %and3A_647 : i32 to vector<16xi32>
        %and3A_649 = arith.andi %get3A_637, %and3A_648 : vector<16xi32>
        %swap3A_650 = arith.constant 0 : i32
        %swap3A_651 = arith.index_cast %swap3A_650 : i32 to index
        %swap3A_652 = arith.constant 0 : index
        %swap3A_653 = tpu.vector_load %arg10[%swap3A_651, %swap3A_652] {strides = array<i32>} : memref<1x125xi32, #tpu.memory_space<vmem>>, vector<1x16xi32>,
        %swap3A_654 = vector.shape_cast %swap3A_653 : vector<1x16xi32> to vector<16xi32>
        %swap3A_655 = vector.shape_cast %and3A_649 : vector<16xi32> to vector<1x16xi32>
        tpu.vector_store %arg10[%swap3A_651, %swap3A_652], %swap3A_655 {strides = array<i32>} : memref<1x125xi32, #tpu.memory_space<vmem>>, vector<1x16xi32>,
        %mul3A_656 = arith.constant 125 : i32
        %mul3A_657 = arith.muli %add3A_630, %mul3A_656 : i32
        %add3A_658 = arith.constant 16 : i32
        %add3A_659 = arith.addi %mul3A_657, %add3A_658 : i32
        %get3A_660 = arith.index_cast %add3A_659 : i32 to index
        %get3A_661 = tpu.vector_load %arg6[%get3A_660] {strides = array<i32>} : memref<10000xi32, #tpu.memory_space<vmem>>, vector<16xi32>,
        %get3A_662 = vector.shape_cast %get3A_661 : vector<16xi32> to vector<16xi32>
        %shift_right_logical3A_663 = arith.constant 16 : i32
        %shift_right_logical3A_664 = vector.broadcast %shift_right_logical3A_663 : i32 to vector<16xi32>
        %shift_right_logical3A_665 = arith.shrui %get3A_662, %shift_right_logical3A_664 : vector<16xi32>
        %swap3A_666 = arith.constant 0 : i32
        %swap3A_667 = arith.index_cast %swap3A_666 : i32 to index
        %swap3A_668 = arith.constant 16 : index
        %swap3A_669 = tpu.vector_load %arg8[%swap3A_667, %swap3A_668] {strides = array<i32>} : memref<1x125xi32, #tpu.memory_space<vmem>>, vector<1x16xi32>,
        %swap3A_670 = vector.shape_cast %swap3A_669 : vector<1x16xi32> to vector<16xi32>
        %swap3A_671 = vector.shape_cast %shift_right_logical3A_665 : vector<16xi32> to vector<1x16xi32>
        tpu.vector_store %arg8[%swap3A_667, %swap3A_668], %swap3A_671 {strides = array<i32>} : memref<1x125xi32, #tpu.memory_space<vmem>>, vector<1x16xi32>,
        %and3A_672 = arith.constant 65535 : i32
        %and3A_673 = vector.broadcast %and3A_672 : i32 to vector<16xi32>
        %and3A_674 = arith.andi %get3A_662, %and3A_673 : vector<16xi32>
        %swap3A_675 = arith.constant 0 : i32
        %swap3A_676 = arith.index_cast %swap3A_675 : i32 to index
        %swap3A_677 = arith.constant 16 : index
        %swap3A_678 = tpu.vector_load %arg10[%swap3A_676, %swap3A_677] {strides = array<i32>} : memref<1x125xi32, #tpu.memory_space<vmem>>, vector<1x16xi32>,
        %swap3A_679 = vector.shape_cast %swap3A_678 : vector<1x16xi32> to vector<16xi32>
        %swap3A_680 = vector.shape_cast %and3A_674 : vector<16xi32> to vector<1x16xi32>
        tpu.vector_store %arg10[%swap3A_676, %swap3A_677], %swap3A_680 {strides = array<i32>} : memref<1x125xi32, #tpu.memory_space<vmem>>, vector<1x16xi32>,
        %mul3A_681 = arith.constant 125 : i32
        %mul3A_682 = arith.muli %add3A_630, %mul3A_681 : i32
        %add3A_683 = arith.constant 32 : i32
        %add3A_684 = arith.addi %mul3A_682, %add3A_683 : i32
        %get3A_685 = arith.index_cast %add3A_684 : i32 to index
        %get3A_686 = tpu.vector_load %arg6[%get3A_685] {strides = array<i32>} : memref<10000xi32, #tpu.memory_space<vmem>>, vector<16xi32>,
        %get3A_687 = vector.shape_cast %get3A_686 : vector<16xi32> to vector<16xi32>
        %shift_right_logical3A_688 = arith.constant 16 : i32
        %shift_right_logical3A_689 = vector.broadcast %shift_right_logical3A_688 : i32 to vector<16xi32>
        %shift_right_logical3A_690 = arith.shrui %get3A_687, %shift_right_logical3A_689 : vector<16xi32>
        %swap3A_691 = arith.constant 0 : i32
        %swap3A_692 = arith.index_cast %swap3A_691 : i32 to index
        %swap3A_693 = arith.constant 32 : index
        %swap3A_694 = tpu.vector_load %arg8[%swap3A_692, %swap3A_693] {strides = array<i32>} : memref<1x125xi32, #tpu.memory_space<vmem>>, vector<1x16xi32>,
        %swap3A_695 = vector.shape_cast %swap3A_694 : vector<1x16xi32> to vector<16xi32>
        %swap3A_696 = vector.shape_cast %shift_right_logical3A_690 : vector<16xi32> to vector<1x16xi32>
        tpu.vector_store %arg8[%swap3A_692, %swap3A_693], %swap3A_696 {strides = array<i32>} : memref<1x125xi32, #tpu.memory_space<vmem>>, vector<1x16xi32>,
        %and3A_697 = arith.constant 65535 : i32
        %and3A_698 = vector.broadcast %and3A_697 : i32 to vector<16xi32>
        %and3A_699 = arith.andi %get3A_687, %and3A_698 : vector<16xi32>
        %swap3A_700 = arith.constant 0 : i32
        %swap3A_701 = arith.index_cast %swap3A_700 : i32 to index
        %swap3A_702 = arith.constant 32 : index
        %swap3A_703 = tpu.vector_load %arg10[%swap3A_701, %swap3A_702] {strides = array<i32>} : memref<1x125xi32, #tpu.memory_space<vmem>>, vector<1x16xi32>,
        %swap3A_704 = vector.shape_cast %swap3A_703 : vector<1x16xi32> to vector<16xi32>
        %swap3A_705 = vector.shape_cast %and3A_699 : vector<16xi32> to vector<1x16xi32>
        tpu.vector_store %arg10[%swap3A_701, %swap3A_702], %swap3A_705 {strides = array<i32>} : memref<1x125xi32, #tpu.memory_space<vmem>>, vector<1x16xi32>,
        %mul3A_706 = arith.constant 125 : i32
        %mul3A_707 = arith.muli %add3A_630, %mul3A_706 : i32
        %add3A_708 = arith.constant 48 : i32
        %add3A_709 = arith.addi %mul3A_707, %add3A_708 : i32
        %get3A_710 = arith.index_cast %add3A_709 : i32 to index
        %get3A_711 = tpu.vector_load %arg6[%get3A_710] {strides = array<i32>} : memref<10000xi32, #tpu.memory_space<vmem>>, vector<16xi32>,
        %get3A_712 = vector.shape_cast %get3A_711 : vector<16xi32> to vector<16xi32>
        %shift_right_logical3A_713 = arith.constant 16 : i32
        %shift_right_logical3A_714 = vector.broadcast %shift_right_logical3A_713 : i32 to vector<16xi32>
        %shift_right_logical3A_715 = arith.shrui %get3A_712, %shift_right_logical3A_714 : vector<16xi32>
        %swap3A_716 = arith.constant 0 : i32
        %swap3A_717 = arith.index_cast %swap3A_716 : i32 to index
        %swap3A_718 = arith.constant 48 : index
        %swap3A_719 = tpu.vector_load %arg8[%swap3A_717, %swap3A_718] {strides = array<i32>} : memref<1x125xi32, #tpu.memory_space<vmem>>, vector<1x16xi32>,
        %swap3A_720 = vector.shape_cast %swap3A_719 : vector<1x16xi32> to vector<16xi32>
        %swap3A_721 = vector.shape_cast %shift_right_logical3A_715 : vector<16xi32> to vector<1x16xi32>
        tpu.vector_store %arg8[%swap3A_717, %swap3A_718], %swap3A_721 {strides = array<i32>} : memref<1x125xi32, #tpu.memory_space<vmem>>, vector<1x16xi32>,
        %and3A_722 = arith.constant 65535 : i32
        %and3A_723 = vector.broadcast %and3A_722 : i32 to vector<16xi32>
        %and3A_724 = arith.andi %get3A_712, %and3A_723 : vector<16xi32>
        %swap3A_725 = arith.constant 0 : i32
        %swap3A_726 = arith.index_cast %swap3A_725 : i32 to index
        %swap3A_727 = arith.constant 48 : index
        %swap3A_728 = tpu.vector_load %arg10[%swap3A_726, %swap3A_727] {strides = array<i32>} : memref<1x125xi32, #tpu.memory_space<vmem>>, vector<1x16xi32>,
        %swap3A_729 = vector.shape_cast %swap3A_728 : vector<1x16xi32> to vector<16xi32>
        %swap3A_730 = vector.shape_cast %and3A_724 : vector<16xi32> to vector<1x16xi32>
        tpu.vector_store %arg10[%swap3A_726, %swap3A_727], %swap3A_730 {strides = array<i32>} : memref<1x125xi32, #tpu.memory_space<vmem>>, vector<1x16xi32>,
        %mul3A_731 = arith.constant 125 : i32
        %mul3A_732 = arith.muli %add3A_630, %mul3A_731 : i32
        %add3A_733 = arith.constant 64 : i32
        %add3A_734 = arith.addi %mul3A_732, %add3A_733 : i32
        %get3A_735 = arith.index_cast %add3A_734 : i32 to index
        %get3A_736 = tpu.vector_load %arg6[%get3A_735] {strides = array<i32>} : memref<10000xi32, #tpu.memory_space<vmem>>, vector<16xi32>,
        %get3A_737 = vector.shape_cast %get3A_736 : vector<16xi32> to vector<16xi32>
        %shift_right_logical3A_738 = arith.constant 16 : i32
        %shift_right_logical3A_739 = vector.broadcast %shift_right_logical3A_738 : i32 to vector<16xi32>
        %shift_right_logical3A_740 = arith.shrui %get3A_737, %shift_right_logical3A_739 : vector<16xi32>
        %swap3A_741 = arith.constant 0 : i32
        %swap3A_742 = arith.index_cast %swap3A_741 : i32 to index
        %swap3A_743 = arith.constant 64 : index
        %swap3A_744 = tpu.vector_load %arg8[%swap3A_742, %swap3A_743] {strides = array<i32>} : memref<1x125xi32, #tpu.memory_space<vmem>>, vector<1x16xi32>,
        %swap3A_745 = vector.shape_cast %swap3A_744 : vector<1x16xi32> to vector<16xi32>
        %swap3A_746 = vector.shape_cast %shift_right_logical3A_740 : vector<16xi32> to vector<1x16xi32>
        tpu.vector_store %arg8[%swap3A_742, %swap3A_743], %swap3A_746 {strides = array<i32>} : memref<1x125xi32, #tpu.memory_space<vmem>>, vector<1x16xi32>,
        %and3A_747 = arith.constant 65535 : i32
        %and3A_748 = vector.broadcast %and3A_747 : i32 to vector<16xi32>
        %and3A_749 = arith.andi %get3A_737, %and3A_748 : vector<16xi32>
        %swap3A_750 = arith.constant 0 : i32
        %swap3A_751 = arith.index_cast %swap3A_750 : i32 to index
        %swap3A_752 = arith.constant 64 : index
        %swap3A_753 = tpu.vector_load %arg10[%swap3A_751, %swap3A_752] {strides = array<i32>} : memref<1x125xi32, #tpu.memory_space<vmem>>, vector<1x16xi32>,
        %swap3A_754 = vector.shape_cast %swap3A_753 : vector<1x16xi32> to vector<16xi32>
        %swap3A_755 = vector.shape_cast %and3A_749 : vector<16xi32> to vector<1x16xi32>
        tpu.vector_store %arg10[%swap3A_751, %swap3A_752], %swap3A_755 {strides = array<i32>} : memref<1x125xi32, #tpu.memory_space<vmem>>, vector<1x16xi32>,
        %mul3A_756 = arith.constant 125 : i32
        %mul3A_757 = arith.muli %add3A_630, %mul3A_756 : i32
        %add3A_758 = arith.constant 80 : i32
        %add3A_759 = arith.addi %mul3A_757, %add3A_758 : i32
        %get3A_760 = arith.index_cast %add3A_759 : i32 to index
        %get3A_761 = tpu.vector_load %arg6[%get3A_760] {strides = array<i32>} : memref<10000xi32, #tpu.memory_space<vmem>>, vector<16xi32>,
        %get3A_762 = vector.shape_cast %get3A_761 : vector<16xi32> to vector<16xi32>
        %shift_right_logical3A_763 = arith.constant 16 : i32
        %shift_right_logical3A_764 = vector.broadcast %shift_right_logical3A_763 : i32 to vector<16xi32>
        %shift_right_logical3A_765 = arith.shrui %get3A_762, %shift_right_logical3A_764 : vector<16xi32>
        %swap3A_766 = arith.constant 0 : i32
        %swap3A_767 = arith.index_cast %swap3A_766 : i32 to index
        %swap3A_768 = arith.constant 80 : index
        %swap3A_769 = tpu.vector_load %arg8[%swap3A_767, %swap3A_768] {strides = array<i32>} : memref<1x125xi32, #tpu.memory_space<vmem>>, vector<1x16xi32>,
        %swap3A_770 = vector.shape_cast %swap3A_769 : vector<1x16xi32> to vector<16xi32>
        %swap3A_771 = vector.shape_cast %shift_right_logical3A_765 : vector<16xi32> to vector<1x16xi32>
        tpu.vector_store %arg8[%swap3A_767, %swap3A_768], %swap3A_771 {strides = array<i32>} : memref<1x125xi32, #tpu.memory_space<vmem>>, vector<1x16xi32>,
        %and3A_772 = arith.constant 65535 : i32
        %and3A_773 = vector.broadcast %and3A_772 : i32 to vector<16xi32>
        %and3A_774 = arith.andi %get3A_762, %and3A_773 : vector<16xi32>
        %swap3A_775 = arith.constant 0 : i32
        %swap3A_776 = arith.index_cast %swap3A_775 : i32 to index
        %swap3A_777 = arith.constant 80 : index
        %swap3A_778 = tpu.vector_load %arg10[%swap3A_776, %swap3A_777] {strides = array<i32>} : memref<1x125xi32, #tpu.memory_space<vmem>>, vector<1x16xi32>,
        %swap3A_779 = vector.shape_cast %swap3A_778 : vector<1x16xi32> to vector<16xi32>
        %swap3A_780 = vector.shape_cast %and3A_774 : vector<16xi32> to vector<1x16xi32>
        tpu.vector_store %arg10[%swap3A_776, %swap3A_777], %swap3A_780 {strides = array<i32>} : memref<1x125xi32, #tpu.memory_space<vmem>>, vector<1x16xi32>,
        %mul3A_781 = arith.constant 125 : i32
        %mul3A_782 = arith.muli %add3A_630, %mul3A_781 : i32
        %add3A_783 = arith.constant 96 : i32
        %add3A_784 = arith.addi %mul3A_782, %add3A_783 : i32
        %get3A_785 = arith.index_cast %add3A_784 : i32 to index
        %get3A_786 = tpu.vector_load %arg6[%get3A_785] {strides = array<i32>} : memref<10000xi32, #tpu.memory_space<vmem>>, vector<16xi32>,
        %get3A_787 = vector.shape_cast %get3A_786 : vector<16xi32> to vector<16xi32>
        %shift_right_logical3A_788 = arith.constant 16 : i32
        %shift_right_logical3A_789 = vector.broadcast %shift_right_logical3A_788 : i32 to vector<16xi32>
        %shift_right_logical3A_790 = arith.shrui %get3A_787, %shift_right_logical3A_789 : vector<16xi32>
        %swap3A_791 = arith.constant 0 : i32
        %swap3A_792 = arith.index_cast %swap3A_791 : i32 to index
        %swap3A_793 = arith.constant 96 : index
        %swap3A_794 = tpu.vector_load %arg8[%swap3A_792, %swap3A_793] {strides = array<i32>} : memref<1x125xi32, #tpu.memory_space<vmem>>, vector<1x16xi32>,
        %swap3A_795 = vector.shape_cast %swap3A_794 : vector<1x16xi32> to vector<16xi32>
        %swap3A_796 = vector.shape_cast %shift_right_logical3A_790 : vector<16xi32> to vector<1x16xi32>
        tpu.vector_store %arg8[%swap3A_792, %swap3A_793], %swap3A_796 {strides = array<i32>} : memref<1x125xi32, #tpu.memory_space<vmem>>, vector<1x16xi32>,
        %and3A_797 = arith.constant 65535 : i32
        %and3A_798 = vector.broadcast %and3A_797 : i32 to vector<16xi32>
        %and3A_799 = arith.andi %get3A_787, %and3A_798 : vector<16xi32>
        %swap3A_800 = arith.constant 0 : i32
        %swap3A_801 = arith.index_cast %swap3A_800 : i32 to index
        %swap3A_802 = arith.constant 96 : index
        %swap3A_803 = tpu.vector_load %arg10[%swap3A_801, %swap3A_802] {strides = array<i32>} : memref<1x125xi32, #tpu.memory_space<vmem>>, vector<1x16xi32>,
        %swap3A_804 = vector.shape_cast %swap3A_803 : vector<1x16xi32> to vector<16xi32>
        %swap3A_805 = vector.shape_cast %and3A_799 : vector<16xi32> to vector<1x16xi32>
        tpu.vector_store %arg10[%swap3A_801, %swap3A_802], %swap3A_805 {strides = array<i32>} : memref<1x125xi32, #tpu.memory_space<vmem>>, vector<1x16xi32>,
        %mul3A_806 = arith.constant 125 : i32
        %mul3A_807 = arith.muli %add3A_630, %mul3A_806 : i32
        %add3A_808 = arith.constant 109 : i32
        %add3A_809 = arith.addi %mul3A_807, %add3A_808 : i32
        %get3A_810 = arith.index_cast %add3A_809 : i32 to index
        %get3A_811 = tpu.vector_load %arg6[%get3A_810] {strides = array<i32>} : memref<10000xi32, #tpu.memory_space<vmem>>, vector<16xi32>,
        %get3A_812 = vector.shape_cast %get3A_811 : vector<16xi32> to vector<16xi32>
        %shift_right_logical3A_813 = arith.constant 16 : i32
        %shift_right_logical3A_814 = vector.broadcast %shift_right_logical3A_813 : i32 to vector<16xi32>
        %shift_right_logical3A_815 = arith.shrui %get3A_812, %shift_right_logical3A_814 : vector<16xi32>
        %swap3A_816 = arith.constant 0 : i32
        %swap3A_817 = arith.index_cast %swap3A_816 : i32 to index
        %swap3A_818 = arith.constant 109 : index
        %swap3A_819 = tpu.vector_load %arg8[%swap3A_817, %swap3A_818] {strides = array<i32>} : memref<1x125xi32, #tpu.memory_space<vmem>>, vector<1x16xi32>,
        %swap3A_820 = vector.shape_cast %swap3A_819 : vector<1x16xi32> to vector<16xi32>
        %swap3A_821 = vector.shape_cast %shift_right_logical3A_815 : vector<16xi32> to vector<1x16xi32>
        tpu.vector_store %arg8[%swap3A_817, %swap3A_818], %swap3A_821 {strides = array<i32>} : memref<1x125xi32, #tpu.memory_space<vmem>>, vector<1x16xi32>,
        %and3A_822 = arith.constant 65535 : i32
        %and3A_823 = vector.broadcast %and3A_822 : i32 to vector<16xi32>
        %and3A_824 = arith.andi %get3A_812, %and3A_823 : vector<16xi32>
        %swap3A_825 = arith.constant 0 : i32
        %swap3A_826 = arith.index_cast %swap3A_825 : i32 to index
        %swap3A_827 = arith.constant 109 : index
        %swap3A_828 = tpu.vector_load %arg10[%swap3A_826, %swap3A_827] {strides = array<i32>} : memref<1x125xi32, #tpu.memory_space<vmem>>, vector<1x16xi32>,
        %swap3A_829 = vector.shape_cast %swap3A_828 : vector<1x16xi32> to vector<16xi32>
        %swap3A_830 = vector.shape_cast %and3A_824 : vector<16xi32> to vector<1x16xi32>
        tpu.vector_store %arg10[%swap3A_826, %swap3A_827], %swap3A_830 {strides = array<i32>} : memref<1x125xi32, #tpu.memory_space<vmem>>, vector<1x16xi32>,
        %dma_start3A_831 = arith.constant 0 : i32
        %dma_start3A_832 = arith.constant 0 : i32
        %dma_start3A_833 = tpu.memref_slice %arg8[%dma_start3A_831, %dma_start3A_832] : memref<1x125xi32, #tpu.memory_space<vmem>> -> memref<1x125xi32, #tpu.memory_space<vmem>>
        %dma_start3A_834 = tpu.memref_squeeze %dma_start3A_833 : memref<1x125xi32, #tpu.memory_space<vmem>> -> memref<125xi32, #tpu.memory_space<vmem>>
        %dma_start3A_835 = arith.constant 0 : i32
        %dma_start3A_836 = arith.constant 0 : i32
        %dma_start3A_837 = tpu.memref_slice %arg2[%dma_start3A_835, %dma_start3A_836] : memref<10000x128xbf16, #tpu.memory_space<hbm>> -> memref<10000x128xbf16, #tpu.memory_space<hbm>>
        tpu.enqueue_indirect_dma source(%dma_start3A_837 : memref<10000x128xbf16, #tpu.memory_space<hbm>>) target(%arg12 : memref<125x128xbf16, #tpu.memory_space<vmem>>) offsets(%dma_start3A_834 : memref<125xi32, #tpu.memory_space<vmem>>) semaphore(%arg15 : memref<!tpu.dma_semaphore, #tpu.memory_space<semaphore_mem>>)
      } else {
      }
    }
    %scan3A_432 = arith.constant 40 : i32
    %barrier3A_433 = arith.constant 0 : index
    tpu.barrier barrier_id(%barrier3A_433)
    %add3A_434 = arith.constant 0 : i32
    %add3A_435 = arith.addi %arg1, %add3A_434 : i32
    %mul3A_436 = arith.constant 96 : i32
    %mul3A_437 = arith.muli %add3A_435, %mul3A_436 : i32
    %multiple_of3A_438 = tpu.assume_multiple %mul3A_437, 16 : i32
    %mul3A_439 = arith.constant 10000 : i32
    %mul3A_440 = arith.muli %arg0, %mul3A_439 : i32
    %add3A_441 = arith.addi %mul3A_440, %multiple_of3A_438 : i32
    %multiple_of3A_442 = tpu.assume_multiple %add3A_441, 16 : i32
    %lt3A_443 = arith.constant 104 : i32
    %lt3A_444 = arith.cmpi slt, %add3A_435, %lt3A_443 : i32
    %convert_element_type3A_445 = arith.extui %lt3A_444 : i1 to i32
    %cond3A_446 = arith.constant 0 : i32
    %cond3A_447 = arith.cmpi ne, %convert_element_type3A_445, %cond3A_446 : i32
    scf.if %cond3A_447 {
      "tpu.region"() ({
        %run_scoped3A = tpu.sem_alloc : memref<!tpu.dma_semaphore, #tpu.memory_space<semaphore_mem>>
        %dma_start3A_567 = arith.constant 0 : i32
        %dma_start3A_568 = arith.constant 0 : i32
        %dma_start3A_569 = tpu.memref_slice %arg11[%dma_start3A_567, %dma_start3A_568] : memref<125x128xbf16, #tpu.memory_space<vmem>> -> memref<96x128xbf16, #tpu.memory_space<vmem>>
        %dma_start3A_570 = arith.constant 0 : i32
        %dma_start3A_571 = tpu.memref_slice %arg13[%multiple_of3A_438, %dma_start3A_570] : memref<10000x128xbf16, #tpu.memory_space<vmem_shared>> -> memref<96x128xbf16, #tpu.memory_space<vmem_shared>>
        %dma_start3A_572 = arith.constant 0 : i32
        %dma_start3A_573 = arith.constant 0 : i32
        %dma_start3A_574 = tpu.memref_slice %arg11[%dma_start3A_572, %dma_start3A_573] : memref<125x128xbf16, #tpu.memory_space<vmem>> -> memref<96x128xbf16, #tpu.memory_space<vmem>>
        %dma_start3A_575 = arith.constant 0 : i32
        %dma_start3A_576 = tpu.memref_slice %arg13[%multiple_of3A_438, %dma_start3A_575] : memref<10000x128xbf16, #tpu.memory_space<vmem_shared>> -> memref<96x128xbf16, #tpu.memory_space<vmem_shared>>
        tpu.enqueue_dma source(%dma_start3A_576 : memref<96x128xbf16, #tpu.memory_space<vmem_shared>>) target(%dma_start3A_574 : memref<96x128xbf16, #tpu.memory_space<vmem>>) target_semaphore(%run_scoped3A : memref<!tpu.dma_semaphore, #tpu.memory_space<semaphore_mem>>)
        %dma_wait3A = arith.constant 0 : i32
        %dma_wait3A_577 = arith.constant 0 : i32
        %dma_wait3A_578 = tpu.memref_slice %arg11[%dma_wait3A, %dma_wait3A_577] : memref<125x128xbf16, #tpu.memory_space<vmem>> -> memref<96x128xbf16, #tpu.memory_space<vmem>>
        %dma_wait3A_579 = arith.constant 0 : i32
        %dma_wait3A_580 = tpu.memref_slice %arg13[%multiple_of3A_438, %dma_wait3A_579] : memref<10000x128xbf16, #tpu.memory_space<vmem_shared>> -> memref<96x128xbf16, #tpu.memory_space<vmem_shared>>
        %dma_wait3A_581 = arith.constant 0 : i32
        %dma_wait3A_582 = arith.constant 0 : i32
        %dma_wait3A_583 = tpu.memref_slice %arg11[%dma_wait3A_581, %dma_wait3A_582] : memref<125x128xbf16, #tpu.memory_space<vmem>> -> memref<96x128xbf16, #tpu.memory_space<vmem>>
        %dma_wait3A_584 = arith.constant 0 : i32
        %dma_wait3A_585 = tpu.memref_slice %arg13[%multiple_of3A_438, %dma_wait3A_584] : memref<10000x128xbf16, #tpu.memory_space<vmem_shared>> -> memref<96x128xbf16, #tpu.memory_space<vmem_shared>>
        tpu.wait_dma2 semaphore(%run_scoped3A : memref<!tpu.dma_semaphore, #tpu.memory_space<semaphore_mem>>) src(%dma_wait3A_585 : memref<96x128xbf16, #tpu.memory_space<vmem_shared>>) dst(%dma_wait3A_583 : memref<96x128xbf16, #tpu.memory_space<vmem>>)
        tpu.yield
      }) : () -> ()
      "tpu.region"() ({
        %run_scoped3A = tpu.sem_alloc : memref<!tpu.dma_semaphore, #tpu.memory_space<semaphore_mem>>
        %dma_start3A_567 = arith.constant 0 : i32
        %dma_start3A_568 = arith.constant 0 : i32
        %dma_start3A_569 = tpu.memref_slice %arg11[%dma_start3A_567, %dma_start3A_568] : memref<125x128xbf16, #tpu.memory_space<vmem>> -> memref<96x128xbf16, #tpu.memory_space<vmem>>
        %dma_start3A_570 = arith.constant 0 : i32
        %dma_start3A_571 = tpu.memref_slice %arg5[%multiple_of3A_442, %dma_start3A_570] : memref<20000x128xbf16, #tpu.memory_space<hbm>> -> memref<96x128xbf16, #tpu.memory_space<hbm>>
        %dma_start3A_572 = arith.constant 0 : i32
        %dma_start3A_573 = tpu.memref_slice %arg5[%multiple_of3A_442, %dma_start3A_572] : memref<20000x128xbf16, #tpu.memory_space<hbm>> -> memref<96x128xbf16, #tpu.memory_space<hbm>>
        %dma_start3A_574 = arith.constant 0 : i32
        %dma_start3A_575 = arith.constant 0 : i32
        %dma_start3A_576 = tpu.memref_slice %arg11[%dma_start3A_574, %dma_start3A_575] : memref<125x128xbf16, #tpu.memory_space<vmem>> -> memref<96x128xbf16, #tpu.memory_space<vmem>>
        tpu.enqueue_dma source(%dma_start3A_576 : memref<96x128xbf16, #tpu.memory_space<vmem>>) target(%dma_start3A_573 : memref<96x128xbf16, #tpu.memory_space<hbm>>) target_semaphore(%run_scoped3A : memref<!tpu.dma_semaphore, #tpu.memory_space<semaphore_mem>>)
        %dma_wait3A = arith.constant 0 : i32
        %dma_wait3A_577 = arith.constant 0 : i32
        %dma_wait3A_578 = tpu.memref_slice %arg11[%dma_wait3A, %dma_wait3A_577] : memref<125x128xbf16, #tpu.memory_space<vmem>> -> memref<96x128xbf16, #tpu.memory_space<vmem>>
        %dma_wait3A_579 = arith.constant 0 : i32
        %dma_wait3A_580 = tpu.memref_slice %arg5[%multiple_of3A_442, %dma_wait3A_579] : memref<20000x128xbf16, #tpu.memory_space<hbm>> -> memref<96x128xbf16, #tpu.memory_space<hbm>>
        %dma_wait3A_581 = arith.constant 0 : i32
        %dma_wait3A_582 = tpu.memref_slice %arg5[%multiple_of3A_442, %dma_wait3A_581] : memref<20000x128xbf16, #tpu.memory_space<hbm>> -> memref<96x128xbf16, #tpu.memory_space<hbm>>
        %dma_wait3A_583 = arith.constant 0 : i32
        %dma_wait3A_584 = arith.constant 0 : i32
        %dma_wait3A_585 = tpu.memref_slice %arg11[%dma_wait3A_583, %dma_wait3A_584] : memref<125x128xbf16, #tpu.memory_space<vmem>> -> memref<96x128xbf16, #tpu.memory_space<vmem>>
        tpu.wait_dma2 semaphore(%run_scoped3A : memref<!tpu.dma_semaphore, #tpu.memory_space<semaphore_mem>>) src(%dma_wait3A_585 : memref<96x128xbf16, #tpu.memory_space<vmem>>) dst(%dma_wait3A_582 : memref<96x128xbf16, #tpu.memory_space<hbm>>)
        tpu.yield
      }) : () -> ()
    } else {
    }
    %eq3A_448 = arith.constant 104 : i32
    %eq3A_449 = arith.cmpi eq, %add3A_435, %eq3A_448 : i32
    %convert_element_type3A_450 = arith.extui %eq3A_449 : i1 to i32
    %cond3A_451 = arith.constant 0 : i32
    %cond3A_452 = arith.cmpi ne, %convert_element_type3A_450, %cond3A_451 : i32
    scf.if %cond3A_452 {
      "tpu.region"() ({
        %run_scoped3A = tpu.sem_alloc : memref<!tpu.dma_semaphore, #tpu.memory_space<semaphore_mem>>
        %dma_start3A_567 = arith.constant 0 : i32
        %dma_start3A_568 = arith.constant 0 : i32
        %dma_start3A_569 = tpu.memref_slice %arg11[%dma_start3A_567, %dma_start3A_568] : memref<125x128xbf16, #tpu.memory_space<vmem>> -> memref<16x128xbf16, #tpu.memory_space<vmem>>
        %dma_start3A_570 = arith.constant 0 : i32
        %dma_start3A_571 = tpu.memref_slice %arg13[%multiple_of3A_438, %dma_start3A_570] : memref<10000x128xbf16, #tpu.memory_space<vmem_shared>> -> memref<16x128xbf16, #tpu.memory_space<vmem_shared>>
        %dma_start3A_572 = arith.constant 0 : i32
        %dma_start3A_573 = arith.constant 0 : i32
        %dma_start3A_574 = tpu.memref_slice %arg11[%dma_start3A_572, %dma_start3A_573] : memref<125x128xbf16, #tpu.memory_space<vmem>> -> memref<16x128xbf16, #tpu.memory_space<vmem>>
        %dma_start3A_575 = arith.constant 0 : i32
        %dma_start3A_576 = tpu.memref_slice %arg13[%multiple_of3A_438, %dma_start3A_575] : memref<10000x128xbf16, #tpu.memory_space<vmem_shared>> -> memref<16x128xbf16, #tpu.memory_space<vmem_shared>>
        tpu.enqueue_dma source(%dma_start3A_576 : memref<16x128xbf16, #tpu.memory_space<vmem_shared>>) target(%dma_start3A_574 : memref<16x128xbf16, #tpu.memory_space<vmem>>) target_semaphore(%run_scoped3A : memref<!tpu.dma_semaphore, #tpu.memory_space<semaphore_mem>>)
        %dma_wait3A = arith.constant 0 : i32
        %dma_wait3A_577 = arith.constant 0 : i32
        %dma_wait3A_578 = tpu.memref_slice %arg11[%dma_wait3A, %dma_wait3A_577] : memref<125x128xbf16, #tpu.memory_space<vmem>> -> memref<16x128xbf16, #tpu.memory_space<vmem>>
        %dma_wait3A_579 = arith.constant 0 : i32
        %dma_wait3A_580 = tpu.memref_slice %arg13[%multiple_of3A_438, %dma_wait3A_579] : memref<10000x128xbf16, #tpu.memory_space<vmem_shared>> -> memref<16x128xbf16, #tpu.memory_space<vmem_shared>>
        %dma_wait3A_581 = arith.constant 0 : i32
        %dma_wait3A_582 = arith.constant 0 : i32
        %dma_wait3A_583 = tpu.memref_slice %arg11[%dma_wait3A_581, %dma_wait3A_582] : memref<125x128xbf16, #tpu.memory_space<vmem>> -> memref<16x128xbf16, #tpu.memory_space<vmem>>
        %dma_wait3A_584 = arith.constant 0 : i32
        %dma_wait3A_585 = tpu.memref_slice %arg13[%multiple_of3A_438, %dma_wait3A_584] : memref<10000x128xbf16, #tpu.memory_space<vmem_shared>> -> memref<16x128xbf16, #tpu.memory_space<vmem_shared>>
        tpu.wait_dma2 semaphore(%run_scoped3A : memref<!tpu.dma_semaphore, #tpu.memory_space<semaphore_mem>>) src(%dma_wait3A_585 : memref<16x128xbf16, #tpu.memory_space<vmem_shared>>) dst(%dma_wait3A_583 : memref<16x128xbf16, #tpu.memory_space<vmem>>)
        tpu.yield
      }) : () -> ()
      "tpu.region"() ({
        %run_scoped3A = tpu.sem_alloc : memref<!tpu.dma_semaphore, #tpu.memory_space<semaphore_mem>>
        %dma_start3A_567 = arith.constant 0 : i32
        %dma_start3A_568 = arith.constant 0 : i32
        %dma_start3A_569 = tpu.memref_slice %arg11[%dma_start3A_567, %dma_start3A_568] : memref<125x128xbf16, #tpu.memory_space<vmem>> -> memref<16x128xbf16, #tpu.memory_space<vmem>>
        %dma_start3A_570 = arith.constant 0 : i32
        %dma_start3A_571 = tpu.memref_slice %arg5[%multiple_of3A_442, %dma_start3A_570] : memref<20000x128xbf16, #tpu.memory_space<hbm>> -> memref<16x128xbf16, #tpu.memory_space<hbm>>
        %dma_start3A_572 = arith.constant 0 : i32
        %dma_start3A_573 = tpu.memref_slice %arg5[%multiple_of3A_442, %dma_start3A_572] : memref<20000x128xbf16, #tpu.memory_space<hbm>> -> memref<16x128xbf16, #tpu.memory_space<hbm>>
        %dma_start3A_574 = arith.constant 0 : i32
        %dma_start3A_575 = arith.constant 0 : i32
        %dma_start3A_576 = tpu.memref_slice %arg11[%dma_start3A_574, %dma_start3A_575] : memref<125x128xbf16, #tpu.memory_space<vmem>> -> memref<16x128xbf16, #tpu.memory_space<vmem>>
        tpu.enqueue_dma source(%dma_start3A_576 : memref<16x128xbf16, #tpu.memory_space<vmem>>) target(%dma_start3A_573 : memref<16x128xbf16, #tpu.memory_space<hbm>>) target_semaphore(%run_scoped3A : memref<!tpu.dma_semaphore, #tpu.memory_space<semaphore_mem>>)
        %dma_wait3A = arith.constant 0 : i32
        %dma_wait3A_577 = arith.constant 0 : i32
        %dma_wait3A_578 = tpu.memref_slice %arg11[%dma_wait3A, %dma_wait3A_577] : memref<125x128xbf16, #tpu.memory_space<vmem>> -> memref<16x128xbf16, #tpu.memory_space<vmem>>
        %dma_wait3A_579 = arith.constant 0 : i32
        %dma_wait3A_580 = tpu.memref_slice %arg5[%multiple_of3A_442, %dma_wait3A_579] : memref<20000x128xbf16, #tpu.memory_space<hbm>> -> memref<16x128xbf16, #tpu.memory_space<hbm>>
        %dma_wait3A_581 = arith.constant 0 : i32
        %dma_wait3A_582 = tpu.memref_slice %arg5[%multiple_of3A_442, %dma_wait3A_581] : memref<20000x128xbf16, #tpu.memory_space<hbm>> -> memref<16x128xbf16, #tpu.memory_space<hbm>>
        %dma_wait3A_583 = arith.constant 0 : i32
        %dma_wait3A_584 = arith.constant 0 : i32
        %dma_wait3A_585 = tpu.memref_slice %arg11[%dma_wait3A_583, %dma_wait3A_584] : memref<125x128xbf16, #tpu.memory_space<vmem>> -> memref<16x128xbf16, #tpu.memory_space<vmem>>
        tpu.wait_dma2 semaphore(%run_scoped3A : memref<!tpu.dma_semaphore, #tpu.memory_space<semaphore_mem>>) src(%dma_wait3A_585 : memref<16x128xbf16, #tpu.memory_space<vmem>>) dst(%dma_wait3A_582 : memref<16x128xbf16, #tpu.memory_space<hbm>>)
        tpu.yield
      }) : () -> ()
    } else {
    }
    %add3A_453 = arith.constant 16 : i32
    %add3A_454 = arith.addi %arg1, %add3A_453 : i32
    %mul3A_455 = arith.constant 96 : i32
    %mul3A_456 = arith.muli %add3A_454, %mul3A_455 : i32
    %multiple_of3A_457 = tpu.assume_multiple %mul3A_456, 16 : i32
    %mul3A_458 = arith.constant 10000 : i32
    %mul3A_459 = arith.muli %arg0, %mul3A_458 : i32
    %add3A_460 = arith.addi %mul3A_459, %multiple_of3A_457 : i32
    %multiple_of3A_461 = tpu.assume_multiple %add3A_460, 16 : i32
    %lt3A_462 = arith.constant 104 : i32
    %lt3A_463 = arith.cmpi slt, %add3A_454, %lt3A_462 : i32
    %convert_element_type3A_464 = arith.extui %lt3A_463 : i1 to i32
    %cond3A_465 = arith.constant 0 : i32
    %cond3A_466 = arith.cmpi ne, %convert_element_type3A_464, %cond3A_465 : i32
    scf.if %cond3A_466 {
      "tpu.region"() ({
        %run_scoped3A = tpu.sem_alloc : memref<!tpu.dma_semaphore, #tpu.memory_space<semaphore_mem>>
        %dma_start3A_567 = arith.constant 0 : i32
        %dma_start3A_568 = arith.constant 0 : i32
        %dma_start3A_569 = tpu.memref_slice %arg11[%dma_start3A_567, %dma_start3A_568] : memref<125x128xbf16, #tpu.memory_space<vmem>> -> memref<96x128xbf16, #tpu.memory_space<vmem>>
        %dma_start3A_570 = arith.constant 0 : i32
        %dma_start3A_571 = tpu.memref_slice %arg13[%multiple_of3A_457, %dma_start3A_570] : memref<10000x128xbf16, #tpu.memory_space<vmem_shared>> -> memref<96x128xbf16, #tpu.memory_space<vmem_shared>>
        %dma_start3A_572 = arith.constant 0 : i32
        %dma_start3A_573 = arith.constant 0 : i32
        %dma_start3A_574 = tpu.memref_slice %arg11[%dma_start3A_572, %dma_start3A_573] : memref<125x128xbf16, #tpu.memory_space<vmem>> -> memref<96x128xbf16, #tpu.memory_space<vmem>>
        %dma_start3A_575 = arith.constant 0 : i32
        %dma_start3A_576 = tpu.memref_slice %arg13[%multiple_of3A_457, %dma_start3A_575] : memref<10000x128xbf16, #tpu.memory_space<vmem_shared>> -> memref<96x128xbf16, #tpu.memory_space<vmem_shared>>
        tpu.enqueue_dma source(%dma_start3A_576 : memref<96x128xbf16, #tpu.memory_space<vmem_shared>>) target(%dma_start3A_574 : memref<96x128xbf16, #tpu.memory_space<vmem>>) target_semaphore(%run_scoped3A : memref<!tpu.dma_semaphore, #tpu.memory_space<semaphore_mem>>)
        %dma_wait3A = arith.constant 0 : i32
        %dma_wait3A_577 = arith.constant 0 : i32
        %dma_wait3A_578 = tpu.memref_slice %arg11[%dma_wait3A, %dma_wait3A_577] : memref<125x128xbf16, #tpu.memory_space<vmem>> -> memref<96x128xbf16, #tpu.memory_space<vmem>>
        %dma_wait3A_579 = arith.constant 0 : i32
        %dma_wait3A_580 = tpu.memref_slice %arg13[%multiple_of3A_457, %dma_wait3A_579] : memref<10000x128xbf16, #tpu.memory_space<vmem_shared>> -> memref<96x128xbf16, #tpu.memory_space<vmem_shared>>
        %dma_wait3A_581 = arith.constant 0 : i32
        %dma_wait3A_582 = arith.constant 0 : i32
        %dma_wait3A_583 = tpu.memref_slice %arg11[%dma_wait3A_581, %dma_wait3A_582] : memref<125x128xbf16, #tpu.memory_space<vmem>> -> memref<96x128xbf16, #tpu.memory_space<vmem>>
        %dma_wait3A_584 = arith.constant 0 : i32
        %dma_wait3A_585 = tpu.memref_slice %arg13[%multiple_of3A_457, %dma_wait3A_584] : memref<10000x128xbf16, #tpu.memory_space<vmem_shared>> -> memref<96x128xbf16, #tpu.memory_space<vmem_shared>>
        tpu.wait_dma2 semaphore(%run_scoped3A : memref<!tpu.dma_semaphore, #tpu.memory_space<semaphore_mem>>) src(%dma_wait3A_585 : memref<96x128xbf16, #tpu.memory_space<vmem_shared>>) dst(%dma_wait3A_583 : memref<96x128xbf16, #tpu.memory_space<vmem>>)
        tpu.yield
      }) : () -> ()
      "tpu.region"() ({
        %run_scoped3A = tpu.sem_alloc : memref<!tpu.dma_semaphore, #tpu.memory_space<semaphore_mem>>
        %dma_start3A_567 = arith.constant 0 : i32
        %dma_start3A_568 = arith.constant 0 : i32
        %dma_start3A_569 = tpu.memref_slice %arg11[%dma_start3A_567, %dma_start3A_568] : memref<125x128xbf16, #tpu.memory_space<vmem>> -> memref<96x128xbf16, #tpu.memory_space<vmem>>
        %dma_start3A_570 = arith.constant 0 : i32
        %dma_start3A_571 = tpu.memref_slice %arg5[%multiple_of3A_461, %dma_start3A_570] : memref<20000x128xbf16, #tpu.memory_space<hbm>> -> memref<96x128xbf16, #tpu.memory_space<hbm>>
        %dma_start3A_572 = arith.constant 0 : i32
        %dma_start3A_573 = tpu.memref_slice %arg5[%multiple_of3A_461, %dma_start3A_572] : memref<20000x128xbf16, #tpu.memory_space<hbm>> -> memref<96x128xbf16, #tpu.memory_space<hbm>>
        %dma_start3A_574 = arith.constant 0 : i32
        %dma_start3A_575 = arith.constant 0 : i32
        %dma_start3A_576 = tpu.memref_slice %arg11[%dma_start3A_574, %dma_start3A_575] : memref<125x128xbf16, #tpu.memory_space<vmem>> -> memref<96x128xbf16, #tpu.memory_space<vmem>>
        tpu.enqueue_dma source(%dma_start3A_576 : memref<96x128xbf16, #tpu.memory_space<vmem>>) target(%dma_start3A_573 : memref<96x128xbf16, #tpu.memory_space<hbm>>) target_semaphore(%run_scoped3A : memref<!tpu.dma_semaphore, #tpu.memory_space<semaphore_mem>>)
        %dma_wait3A = arith.constant 0 : i32
        %dma_wait3A_577 = arith.constant 0 : i32
        %dma_wait3A_578 = tpu.memref_slice %arg11[%dma_wait3A, %dma_wait3A_577] : memref<125x128xbf16, #tpu.memory_space<vmem>> -> memref<96x128xbf16, #tpu.memory_space<vmem>>
        %dma_wait3A_579 = arith.constant 0 : i32
        %dma_wait3A_580 = tpu.memref_slice %arg5[%multiple_of3A_461, %dma_wait3A_579] : memref<20000x128xbf16, #tpu.memory_space<hbm>> -> memref<96x128xbf16, #tpu.memory_space<hbm>>
        %dma_wait3A_581 = arith.constant 0 : i32
        %dma_wait3A_582 = tpu.memref_slice %arg5[%multiple_of3A_461, %dma_wait3A_581] : memref<20000x128xbf16, #tpu.memory_space<hbm>> -> memref<96x128xbf16, #tpu.memory_space<hbm>>
        %dma_wait3A_583 = arith.constant 0 : i32
        %dma_wait3A_584 = arith.constant 0 : i32
        %dma_wait3A_585 = tpu.memref_slice %arg11[%dma_wait3A_583, %dma_wait3A_584] : memref<125x128xbf16, #tpu.memory_space<vmem>> -> memref<96x128xbf16, #tpu.memory_space<vmem>>
        tpu.wait_dma2 semaphore(%run_scoped3A : memref<!tpu.dma_semaphore, #tpu.memory_space<semaphore_mem>>) src(%dma_wait3A_585 : memref<96x128xbf16, #tpu.memory_space<vmem>>) dst(%dma_wait3A_582 : memref<96x128xbf16, #tpu.memory_space<hbm>>)
        tpu.yield
      }) : () -> ()
    } else {
    }
    %eq3A_467 = arith.constant 104 : i32
    %eq3A_468 = arith.cmpi eq, %add3A_454, %eq3A_467 : i32
    %convert_element_type3A_469 = arith.extui %eq3A_468 : i1 to i32
    %cond3A_470 = arith.constant 0 : i32
    %cond3A_471 = arith.cmpi ne, %convert_element_type3A_469, %cond3A_470 : i32
    scf.if %cond3A_471 {
      "tpu.region"() ({
        %run_scoped3A = tpu.sem_alloc : memref<!tpu.dma_semaphore, #tpu.memory_space<semaphore_mem>>
        %dma_start3A_567 = arith.constant 0 : i32
        %dma_start3A_568 = arith.constant 0 : i32
        %dma_start3A_569 = tpu.memref_slice %arg11[%dma_start3A_567, %dma_start3A_568] : memref<125x128xbf16, #tpu.memory_space<vmem>> -> memref<16x128xbf16, #tpu.memory_space<vmem>>
        %dma_start3A_570 = arith.constant 0 : i32
        %dma_start3A_571 = tpu.memref_slice %arg13[%multiple_of3A_457, %dma_start3A_570] : memref<10000x128xbf16, #tpu.memory_space<vmem_shared>> -> memref<16x128xbf16, #tpu.memory_space<vmem_shared>>
        %dma_start3A_572 = arith.constant 0 : i32
        %dma_start3A_573 = arith.constant 0 : i32
        %dma_start3A_574 = tpu.memref_slice %arg11[%dma_start3A_572, %dma_start3A_573] : memref<125x128xbf16, #tpu.memory_space<vmem>> -> memref<16x128xbf16, #tpu.memory_space<vmem>>
        %dma_start3A_575 = arith.constant 0 : i32
        %dma_start3A_576 = tpu.memref_slice %arg13[%multiple_of3A_457, %dma_start3A_575] : memref<10000x128xbf16, #tpu.memory_space<vmem_shared>> -> memref<16x128xbf16, #tpu.memory_space<vmem_shared>>
        tpu.enqueue_dma source(%dma_start3A_576 : memref<16x128xbf16, #tpu.memory_space<vmem_shared>>) target(%dma_start3A_574 : memref<16x128xbf16, #tpu.memory_space<vmem>>) target_semaphore(%run_scoped3A : memref<!tpu.dma_semaphore, #tpu.memory_space<semaphore_mem>>)
        %dma_wait3A = arith.constant 0 : i32
        %dma_wait3A_577 = arith.constant 0 : i32
        %dma_wait3A_578 = tpu.memref_slice %arg11[%dma_wait3A, %dma_wait3A_577] : memref<125x128xbf16, #tpu.memory_space<vmem>> -> memref<16x128xbf16, #tpu.memory_space<vmem>>
        %dma_wait3A_579 = arith.constant 0 : i32
        %dma_wait3A_580 = tpu.memref_slice %arg13[%multiple_of3A_457, %dma_wait3A_579] : memref<10000x128xbf16, #tpu.memory_space<vmem_shared>> -> memref<16x128xbf16, #tpu.memory_space<vmem_shared>>
        %dma_wait3A_581 = arith.constant 0 : i32
        %dma_wait3A_582 = arith.constant 0 : i32
        %dma_wait3A_583 = tpu.memref_slice %arg11[%dma_wait3A_581, %dma_wait3A_582] : memref<125x128xbf16, #tpu.memory_space<vmem>> -> memref<16x128xbf16, #tpu.memory_space<vmem>>
        %dma_wait3A_584 = arith.constant 0 : i32
        %dma_wait3A_585 = tpu.memref_slice %arg13[%multiple_of3A_457, %dma_wait3A_584] : memref<10000x128xbf16, #tpu.memory_space<vmem_shared>> -> memref<16x128xbf16, #tpu.memory_space<vmem_shared>>
        tpu.wait_dma2 semaphore(%run_scoped3A : memref<!tpu.dma_semaphore, #tpu.memory_space<semaphore_mem>>) src(%dma_wait3A_585 : memref<16x128xbf16, #tpu.memory_space<vmem_shared>>) dst(%dma_wait3A_583 : memref<16x128xbf16, #tpu.memory_space<vmem>>)
        tpu.yield
      }) : () -> ()
      "tpu.region"() ({
        %run_scoped3A = tpu.sem_alloc : memref<!tpu.dma_semaphore, #tpu.memory_space<semaphore_mem>>
        %dma_start3A_567 = arith.constant 0 : i32
        %dma_start3A_568 = arith.constant 0 : i32
        %dma_start3A_569 = tpu.memref_slice %arg11[%dma_start3A_567, %dma_start3A_568] : memref<125x128xbf16, #tpu.memory_space<vmem>> -> memref<16x128xbf16, #tpu.memory_space<vmem>>
        %dma_start3A_570 = arith.constant 0 : i32
        %dma_start3A_571 = tpu.memref_slice %arg5[%multiple_of3A_461, %dma_start3A_570] : memref<20000x128xbf16, #tpu.memory_space<hbm>> -> memref<16x128xbf16, #tpu.memory_space<hbm>>
        %dma_start3A_572 = arith.constant 0 : i32
        %dma_start3A_573 = tpu.memref_slice %arg5[%multiple_of3A_461, %dma_start3A_572] : memref<20000x128xbf16, #tpu.memory_space<hbm>> -> memref<16x128xbf16, #tpu.memory_space<hbm>>
        %dma_start3A_574 = arith.constant 0 : i32
        %dma_start3A_575 = arith.constant 0 : i32
        %dma_start3A_576 = tpu.memref_slice %arg11[%dma_start3A_574, %dma_start3A_575] : memref<125x128xbf16, #tpu.memory_space<vmem>> -> memref<16x128xbf16, #tpu.memory_space<vmem>>
        tpu.enqueue_dma source(%dma_start3A_576 : memref<16x128xbf16, #tpu.memory_space<vmem>>) target(%dma_start3A_573 : memref<16x128xbf16, #tpu.memory_space<hbm>>) target_semaphore(%run_scoped3A : memref<!tpu.dma_semaphore, #tpu.memory_space<semaphore_mem>>)
        %dma_wait3A = arith.constant 0 : i32
        %dma_wait3A_577 = arith.constant 0 : i32
        %dma_wait3A_578 = tpu.memref_slice %arg11[%dma_wait3A, %dma_wait3A_577] : memref<125x128xbf16, #tpu.memory_space<vmem>> -> memref<16x128xbf16, #tpu.memory_space<vmem>>
        %dma_wait3A_579 = arith.constant 0 : i32
        %dma_wait3A_580 = tpu.memref_slice %arg5[%multiple_of3A_461, %dma_wait3A_579] : memref<20000x128xbf16, #tpu.memory_space<hbm>> -> memref<16x128xbf16, #tpu.memory_space<hbm>>
        %dma_wait3A_581 = arith.constant 0 : i32
        %dma_wait3A_582 = tpu.memref_slice %arg5[%multiple_of3A_461, %dma_wait3A_581] : memref<20000x128xbf16, #tpu.memory_space<hbm>> -> memref<16x128xbf16, #tpu.memory_space<hbm>>
        %dma_wait3A_583 = arith.constant 0 : i32
        %dma_wait3A_584 = arith.constant 0 : i32
        %dma_wait3A_585 = tpu.memref_slice %arg11[%dma_wait3A_583, %dma_wait3A_584] : memref<125x128xbf16, #tpu.memory_space<vmem>> -> memref<16x128xbf16, #tpu.memory_space<vmem>>
        tpu.wait_dma2 semaphore(%run_scoped3A : memref<!tpu.dma_semaphore, #tpu.memory_space<semaphore_mem>>) src(%dma_wait3A_585 : memref<16x128xbf16, #tpu.memory_space<vmem>>) dst(%dma_wait3A_582 : memref<16x128xbf16, #tpu.memory_space<hbm>>)
        tpu.yield
      }) : () -> ()
    } else {
    }
    %add3A_472 = arith.constant 32 : i32
    %add3A_473 = arith.addi %arg1, %add3A_472 : i32
    %mul3A_474 = arith.constant 96 : i32
    %mul3A_475 = arith.muli %add3A_473, %mul3A_474 : i32
    %multiple_of3A_476 = tpu.assume_multiple %mul3A_475, 16 : i32
    %mul3A_477 = arith.constant 10000 : i32
    %mul3A_478 = arith.muli %arg0, %mul3A_477 : i32
    %add3A_479 = arith.addi %mul3A_478, %multiple_of3A_476 : i32
    %multiple_of3A_480 = tpu.assume_multiple %add3A_479, 16 : i32
    %lt3A_481 = arith.constant 104 : i32
    %lt3A_482 = arith.cmpi slt, %add3A_473, %lt3A_481 : i32
    %convert_element_type3A_483 = arith.extui %lt3A_482 : i1 to i32
    %cond3A_484 = arith.constant 0 : i32
    %cond3A_485 = arith.cmpi ne, %convert_element_type3A_483, %cond3A_484 : i32
    scf.if %cond3A_485 {
      "tpu.region"() ({
        %run_scoped3A = tpu.sem_alloc : memref<!tpu.dma_semaphore, #tpu.memory_space<semaphore_mem>>
        %dma_start3A_567 = arith.constant 0 : i32
        %dma_start3A_568 = arith.constant 0 : i32
        %dma_start3A_569 = tpu.memref_slice %arg11[%dma_start3A_567, %dma_start3A_568] : memref<125x128xbf16, #tpu.memory_space<vmem>> -> memref<96x128xbf16, #tpu.memory_space<vmem>>
        %dma_start3A_570 = arith.constant 0 : i32
        %dma_start3A_571 = tpu.memref_slice %arg13[%multiple_of3A_476, %dma_start3A_570] : memref<10000x128xbf16, #tpu.memory_space<vmem_shared>> -> memref<96x128xbf16, #tpu.memory_space<vmem_shared>>
        %dma_start3A_572 = arith.constant 0 : i32
        %dma_start3A_573 = arith.constant 0 : i32
        %dma_start3A_574 = tpu.memref_slice %arg11[%dma_start3A_572, %dma_start3A_573] : memref<125x128xbf16, #tpu.memory_space<vmem>> -> memref<96x128xbf16, #tpu.memory_space<vmem>>
        %dma_start3A_575 = arith.constant 0 : i32
        %dma_start3A_576 = tpu.memref_slice %arg13[%multiple_of3A_476, %dma_start3A_575] : memref<10000x128xbf16, #tpu.memory_space<vmem_shared>> -> memref<96x128xbf16, #tpu.memory_space<vmem_shared>>
        tpu.enqueue_dma source(%dma_start3A_576 : memref<96x128xbf16, #tpu.memory_space<vmem_shared>>) target(%dma_start3A_574 : memref<96x128xbf16, #tpu.memory_space<vmem>>) target_semaphore(%run_scoped3A : memref<!tpu.dma_semaphore, #tpu.memory_space<semaphore_mem>>)
        %dma_wait3A = arith.constant 0 : i32
        %dma_wait3A_577 = arith.constant 0 : i32
        %dma_wait3A_578 = tpu.memref_slice %arg11[%dma_wait3A, %dma_wait3A_577] : memref<125x128xbf16, #tpu.memory_space<vmem>> -> memref<96x128xbf16, #tpu.memory_space<vmem>>
        %dma_wait3A_579 = arith.constant 0 : i32
        %dma_wait3A_580 = tpu.memref_slice %arg13[%multiple_of3A_476, %dma_wait3A_579] : memref<10000x128xbf16, #tpu.memory_space<vmem_shared>> -> memref<96x128xbf16, #tpu.memory_space<vmem_shared>>
        %dma_wait3A_581 = arith.constant 0 : i32
        %dma_wait3A_582 = arith.constant 0 : i32
        %dma_wait3A_583 = tpu.memref_slice %arg11[%dma_wait3A_581, %dma_wait3A_582] : memref<125x128xbf16, #tpu.memory_space<vmem>> -> memref<96x128xbf16, #tpu.memory_space<vmem>>
        %dma_wait3A_584 = arith.constant 0 : i32
        %dma_wait3A_585 = tpu.memref_slice %arg13[%multiple_of3A_476, %dma_wait3A_584] : memref<10000x128xbf16, #tpu.memory_space<vmem_shared>> -> memref<96x128xbf16, #tpu.memory_space<vmem_shared>>
        tpu.wait_dma2 semaphore(%run_scoped3A : memref<!tpu.dma_semaphore, #tpu.memory_space<semaphore_mem>>) src(%dma_wait3A_585 : memref<96x128xbf16, #tpu.memory_space<vmem_shared>>) dst(%dma_wait3A_583 : memref<96x128xbf16, #tpu.memory_space<vmem>>)
        tpu.yield
      }) : () -> ()
      "tpu.region"() ({
        %run_scoped3A = tpu.sem_alloc : memref<!tpu.dma_semaphore, #tpu.memory_space<semaphore_mem>>
        %dma_start3A_567 = arith.constant 0 : i32
        %dma_start3A_568 = arith.constant 0 : i32
        %dma_start3A_569 = tpu.memref_slice %arg11[%dma_start3A_567, %dma_start3A_568] : memref<125x128xbf16, #tpu.memory_space<vmem>> -> memref<96x128xbf16, #tpu.memory_space<vmem>>
        %dma_start3A_570 = arith.constant 0 : i32
        %dma_start3A_571 = tpu.memref_slice %arg5[%multiple_of3A_480, %dma_start3A_570] : memref<20000x128xbf16, #tpu.memory_space<hbm>> -> memref<96x128xbf16, #tpu.memory_space<hbm>>
        %dma_start3A_572 = arith.constant 0 : i32
        %dma_start3A_573 = tpu.memref_slice %arg5[%multiple_of3A_480, %dma_start3A_572] : memref<20000x128xbf16, #tpu.memory_space<hbm>> -> memref<96x128xbf16, #tpu.memory_space<hbm>>
        %dma_start3A_574 = arith.constant 0 : i32
        %dma_start3A_575 = arith.constant 0 : i32
        %dma_start3A_576 = tpu.memref_slice %arg11[%dma_start3A_574, %dma_start3A_575] : memref<125x128xbf16, #tpu.memory_space<vmem>> -> memref<96x128xbf16, #tpu.memory_space<vmem>>
        tpu.enqueue_dma source(%dma_start3A_576 : memref<96x128xbf16, #tpu.memory_space<vmem>>) target(%dma_start3A_573 : memref<96x128xbf16, #tpu.memory_space<hbm>>) target_semaphore(%run_scoped3A : memref<!tpu.dma_semaphore, #tpu.memory_space<semaphore_mem>>)
        %dma_wait3A = arith.constant 0 : i32
        %dma_wait3A_577 = arith.constant 0 : i32
        %dma_wait3A_578 = tpu.memref_slice %arg11[%dma_wait3A, %dma_wait3A_577] : memref<125x128xbf16, #tpu.memory_space<vmem>> -> memref<96x128xbf16, #tpu.memory_space<vmem>>
        %dma_wait3A_579 = arith.constant 0 : i32
        %dma_wait3A_580 = tpu.memref_slice %arg5[%multiple_of3A_480, %dma_wait3A_579] : memref<20000x128xbf16, #tpu.memory_space<hbm>> -> memref<96x128xbf16, #tpu.memory_space<hbm>>
        %dma_wait3A_581 = arith.constant 0 : i32
        %dma_wait3A_582 = tpu.memref_slice %arg5[%multiple_of3A_480, %dma_wait3A_581] : memref<20000x128xbf16, #tpu.memory_space<hbm>> -> memref<96x128xbf16, #tpu.memory_space<hbm>>
        %dma_wait3A_583 = arith.constant 0 : i32
        %dma_wait3A_584 = arith.constant 0 : i32
        %dma_wait3A_585 = tpu.memref_slice %arg11[%dma_wait3A_583, %dma_wait3A_584] : memref<125x128xbf16, #tpu.memory_space<vmem>> -> memref<96x128xbf16, #tpu.memory_space<vmem>>
        tpu.wait_dma2 semaphore(%run_scoped3A : memref<!tpu.dma_semaphore, #tpu.memory_space<semaphore_mem>>) src(%dma_wait3A_585 : memref<96x128xbf16, #tpu.memory_space<vmem>>) dst(%dma_wait3A_582 : memref<96x128xbf16, #tpu.memory_space<hbm>>)
        tpu.yield
      }) : () -> ()
    } else {
    }
    %eq3A_486 = arith.constant 104 : i32
    %eq3A_487 = arith.cmpi eq, %add3A_473, %eq3A_486 : i32
    %convert_element_type3A_488 = arith.extui %eq3A_487 : i1 to i32
    %cond3A_489 = arith.constant 0 : i32
    %cond3A_490 = arith.cmpi ne, %convert_element_type3A_488, %cond3A_489 : i32
    scf.if %cond3A_490 {
      "tpu.region"() ({
        %run_scoped3A = tpu.sem_alloc : memref<!tpu.dma_semaphore, #tpu.memory_space<semaphore_mem>>
        %dma_start3A_567 = arith.constant 0 : i32
        %dma_start3A_568 = arith.constant 0 : i32
        %dma_start3A_569 = tpu.memref_slice %arg11[%dma_start3A_567, %dma_start3A_568] : memref<125x128xbf16, #tpu.memory_space<vmem>> -> memref<16x128xbf16, #tpu.memory_space<vmem>>
        %dma_start3A_570 = arith.constant 0 : i32
        %dma_start3A_571 = tpu.memref_slice %arg13[%multiple_of3A_476, %dma_start3A_570] : memref<10000x128xbf16, #tpu.memory_space<vmem_shared>> -> memref<16x128xbf16, #tpu.memory_space<vmem_shared>>
        %dma_start3A_572 = arith.constant 0 : i32
        %dma_start3A_573 = arith.constant 0 : i32
        %dma_start3A_574 = tpu.memref_slice %arg11[%dma_start3A_572, %dma_start3A_573] : memref<125x128xbf16, #tpu.memory_space<vmem>> -> memref<16x128xbf16, #tpu.memory_space<vmem>>
        %dma_start3A_575 = arith.constant 0 : i32
        %dma_start3A_576 = tpu.memref_slice %arg13[%multiple_of3A_476, %dma_start3A_575] : memref<10000x128xbf16, #tpu.memory_space<vmem_shared>> -> memref<16x128xbf16, #tpu.memory_space<vmem_shared>>
        tpu.enqueue_dma source(%dma_start3A_576 : memref<16x128xbf16, #tpu.memory_space<vmem_shared>>) target(%dma_start3A_574 : memref<16x128xbf16, #tpu.memory_space<vmem>>) target_semaphore(%run_scoped3A : memref<!tpu.dma_semaphore, #tpu.memory_space<semaphore_mem>>)
        %dma_wait3A = arith.constant 0 : i32
        %dma_wait3A_577 = arith.constant 0 : i32
        %dma_wait3A_578 = tpu.memref_slice %arg11[%dma_wait3A, %dma_wait3A_577] : memref<125x128xbf16, #tpu.memory_space<vmem>> -> memref<16x128xbf16, #tpu.memory_space<vmem>>
        %dma_wait3A_579 = arith.constant 0 : i32
        %dma_wait3A_580 = tpu.memref_slice %arg13[%multiple_of3A_476, %dma_wait3A_579] : memref<10000x128xbf16, #tpu.memory_space<vmem_shared>> -> memref<16x128xbf16, #tpu.memory_space<vmem_shared>>
        %dma_wait3A_581 = arith.constant 0 : i32
        %dma_wait3A_582 = arith.constant 0 : i32
        %dma_wait3A_583 = tpu.memref_slice %arg11[%dma_wait3A_581, %dma_wait3A_582] : memref<125x128xbf16, #tpu.memory_space<vmem>> -> memref<16x128xbf16, #tpu.memory_space<vmem>>
        %dma_wait3A_584 = arith.constant 0 : i32
        %dma_wait3A_585 = tpu.memref_slice %arg13[%multiple_of3A_476, %dma_wait3A_584] : memref<10000x128xbf16, #tpu.memory_space<vmem_shared>> -> memref<16x128xbf16, #tpu.memory_space<vmem_shared>>
        tpu.wait_dma2 semaphore(%run_scoped3A : memref<!tpu.dma_semaphore, #tpu.memory_space<semaphore_mem>>) src(%dma_wait3A_585 : memref<16x128xbf16, #tpu.memory_space<vmem_shared>>) dst(%dma_wait3A_583 : memref<16x128xbf16, #tpu.memory_space<vmem>>)
        tpu.yield
      }) : () -> ()
      "tpu.region"() ({
        %run_scoped3A = tpu.sem_alloc : memref<!tpu.dma_semaphore, #tpu.memory_space<semaphore_mem>>
        %dma_start3A_567 = arith.constant 0 : i32
        %dma_start3A_568 = arith.constant 0 : i32
        %dma_start3A_569 = tpu.memref_slice %arg11[%dma_start3A_567, %dma_start3A_568] : memref<125x128xbf16, #tpu.memory_space<vmem>> -> memref<16x128xbf16, #tpu.memory_space<vmem>>
        %dma_start3A_570 = arith.constant 0 : i32
        %dma_start3A_571 = tpu.memref_slice %arg5[%multiple_of3A_480, %dma_start3A_570] : memref<20000x128xbf16, #tpu.memory_space<hbm>> -> memref<16x128xbf16, #tpu.memory_space<hbm>>
        %dma_start3A_572 = arith.constant 0 : i32
        %dma_start3A_573 = tpu.memref_slice %arg5[%multiple_of3A_480, %dma_start3A_572] : memref<20000x128xbf16, #tpu.memory_space<hbm>> -> memref<16x128xbf16, #tpu.memory_space<hbm>>
        %dma_start3A_574 = arith.constant 0 : i32
        %dma_start3A_575 = arith.constant 0 : i32
        %dma_start3A_576 = tpu.memref_slice %arg11[%dma_start3A_574, %dma_start3A_575] : memref<125x128xbf16, #tpu.memory_space<vmem>> -> memref<16x128xbf16, #tpu.memory_space<vmem>>
        tpu.enqueue_dma source(%dma_start3A_576 : memref<16x128xbf16, #tpu.memory_space<vmem>>) target(%dma_start3A_573 : memref<16x128xbf16, #tpu.memory_space<hbm>>) target_semaphore(%run_scoped3A : memref<!tpu.dma_semaphore, #tpu.memory_space<semaphore_mem>>)
        %dma_wait3A = arith.constant 0 : i32
        %dma_wait3A_577 = arith.constant 0 : i32
        %dma_wait3A_578 = tpu.memref_slice %arg11[%dma_wait3A, %dma_wait3A_577] : memref<125x128xbf16, #tpu.memory_space<vmem>> -> memref<16x128xbf16, #tpu.memory_space<vmem>>
        %dma_wait3A_579 = arith.constant 0 : i32
        %dma_wait3A_580 = tpu.memref_slice %arg5[%multiple_of3A_480, %dma_wait3A_579] : memref<20000x128xbf16, #tpu.memory_space<hbm>> -> memref<16x128xbf16, #tpu.memory_space<hbm>>
        %dma_wait3A_581 = arith.constant 0 : i32
        %dma_wait3A_582 = tpu.memref_slice %arg5[%multiple_of3A_480, %dma_wait3A_581] : memref<20000x128xbf16, #tpu.memory_space<hbm>> -> memref<16x128xbf16, #tpu.memory_space<hbm>>
        %dma_wait3A_583 = arith.constant 0 : i32
        %dma_wait3A_584 = arith.constant 0 : i32
        %dma_wait3A_585 = tpu.memref_slice %arg11[%dma_wait3A_583, %dma_wait3A_584] : memref<125x128xbf16, #tpu.memory_space<vmem>> -> memref<16x128xbf16, #tpu.memory_space<vmem>>
        tpu.wait_dma2 semaphore(%run_scoped3A : memref<!tpu.dma_semaphore, #tpu.memory_space<semaphore_mem>>) src(%dma_wait3A_585 : memref<16x128xbf16, #tpu.memory_space<vmem>>) dst(%dma_wait3A_582 : memref<16x128xbf16, #tpu.memory_space<hbm>>)
        tpu.yield
      }) : () -> ()
    } else {
    }
    %add3A_491 = arith.constant 48 : i32
    %add3A_492 = arith.addi %arg1, %add3A_491 : i32
    %mul3A_493 = arith.constant 96 : i32
    %mul3A_494 = arith.muli %add3A_492, %mul3A_493 : i32
    %multiple_of3A_495 = tpu.assume_multiple %mul3A_494, 16 : i32
    %mul3A_496 = arith.constant 10000 : i32
    %mul3A_497 = arith.muli %arg0, %mul3A_496 : i32
    %add3A_498 = arith.addi %mul3A_497, %multiple_of3A_495 : i32
    %multiple_of3A_499 = tpu.assume_multiple %add3A_498, 16 : i32
    %lt3A_500 = arith.constant 104 : i32
    %lt3A_501 = arith.cmpi slt, %add3A_492, %lt3A_500 : i32
    %convert_element_type3A_502 = arith.extui %lt3A_501 : i1 to i32
    %cond3A_503 = arith.constant 0 : i32
    %cond3A_504 = arith.cmpi ne, %convert_element_type3A_502, %cond3A_503 : i32
    scf.if %cond3A_504 {
      "tpu.region"() ({
        %run_scoped3A = tpu.sem_alloc : memref<!tpu.dma_semaphore, #tpu.memory_space<semaphore_mem>>
        %dma_start3A_567 = arith.constant 0 : i32
        %dma_start3A_568 = arith.constant 0 : i32
        %dma_start3A_569 = tpu.memref_slice %arg11[%dma_start3A_567, %dma_start3A_568] : memref<125x128xbf16, #tpu.memory_space<vmem>> -> memref<96x128xbf16, #tpu.memory_space<vmem>>
        %dma_start3A_570 = arith.constant 0 : i32
        %dma_start3A_571 = tpu.memref_slice %arg13[%multiple_of3A_495, %dma_start3A_570] : memref<10000x128xbf16, #tpu.memory_space<vmem_shared>> -> memref<96x128xbf16, #tpu.memory_space<vmem_shared>>
        %dma_start3A_572 = arith.constant 0 : i32
        %dma_start3A_573 = arith.constant 0 : i32
        %dma_start3A_574 = tpu.memref_slice %arg11[%dma_start3A_572, %dma_start3A_573] : memref<125x128xbf16, #tpu.memory_space<vmem>> -> memref<96x128xbf16, #tpu.memory_space<vmem>>
        %dma_start3A_575 = arith.constant 0 : i32
        %dma_start3A_576 = tpu.memref_slice %arg13[%multiple_of3A_495, %dma_start3A_575] : memref<10000x128xbf16, #tpu.memory_space<vmem_shared>> -> memref<96x128xbf16, #tpu.memory_space<vmem_shared>>
        tpu.enqueue_dma source(%dma_start3A_576 : memref<96x128xbf16, #tpu.memory_space<vmem_shared>>) target(%dma_start3A_574 : memref<96x128xbf16, #tpu.memory_space<vmem>>) target_semaphore(%run_scoped3A : memref<!tpu.dma_semaphore, #tpu.memory_space<semaphore_mem>>)
        %dma_wait3A = arith.constant 0 : i32
        %dma_wait3A_577 = arith.constant 0 : i32
        %dma_wait3A_578 = tpu.memref_slice %arg11[%dma_wait3A, %dma_wait3A_577] : memref<125x128xbf16, #tpu.memory_space<vmem>> -> memref<96x128xbf16, #tpu.memory_space<vmem>>
        %dma_wait3A_579 = arith.constant 0 : i32
        %dma_wait3A_580 = tpu.memref_slice %arg13[%multiple_of3A_495, %dma_wait3A_579] : memref<10000x128xbf16, #tpu.memory_space<vmem_shared>> -> memref<96x128xbf16, #tpu.memory_space<vmem_shared>>
        %dma_wait3A_581 = arith.constant 0 : i32
        %dma_wait3A_582 = arith.constant 0 : i32
        %dma_wait3A_583 = tpu.memref_slice %arg11[%dma_wait3A_581, %dma_wait3A_582] : memref<125x128xbf16, #tpu.memory_space<vmem>> -> memref<96x128xbf16, #tpu.memory_space<vmem>>
        %dma_wait3A_584 = arith.constant 0 : i32
        %dma_wait3A_585 = tpu.memref_slice %arg13[%multiple_of3A_495, %dma_wait3A_584] : memref<10000x128xbf16, #tpu.memory_space<vmem_shared>> -> memref<96x128xbf16, #tpu.memory_space<vmem_shared>>
        tpu.wait_dma2 semaphore(%run_scoped3A : memref<!tpu.dma_semaphore, #tpu.memory_space<semaphore_mem>>) src(%dma_wait3A_585 : memref<96x128xbf16, #tpu.memory_space<vmem_shared>>) dst(%dma_wait3A_583 : memref<96x128xbf16, #tpu.memory_space<vmem>>)
        tpu.yield
      }) : () -> ()
      "tpu.region"() ({
        %run_scoped3A = tpu.sem_alloc : memref<!tpu.dma_semaphore, #tpu.memory_space<semaphore_mem>>
        %dma_start3A_567 = arith.constant 0 : i32
        %dma_start3A_568 = arith.constant 0 : i32
        %dma_start3A_569 = tpu.memref_slice %arg11[%dma_start3A_567, %dma_start3A_568] : memref<125x128xbf16, #tpu.memory_space<vmem>> -> memref<96x128xbf16, #tpu.memory_space<vmem>>
        %dma_start3A_570 = arith.constant 0 : i32
        %dma_start3A_571 = tpu.memref_slice %arg5[%multiple_of3A_499, %dma_start3A_570] : memref<20000x128xbf16, #tpu.memory_space<hbm>> -> memref<96x128xbf16, #tpu.memory_space<hbm>>
        %dma_start3A_572 = arith.constant 0 : i32
        %dma_start3A_573 = tpu.memref_slice %arg5[%multiple_of3A_499, %dma_start3A_572] : memref<20000x128xbf16, #tpu.memory_space<hbm>> -> memref<96x128xbf16, #tpu.memory_space<hbm>>
        %dma_start3A_574 = arith.constant 0 : i32
        %dma_start3A_575 = arith.constant 0 : i32
        %dma_start3A_576 = tpu.memref_slice %arg11[%dma_start3A_574, %dma_start3A_575] : memref<125x128xbf16, #tpu.memory_space<vmem>> -> memref<96x128xbf16, #tpu.memory_space<vmem>>
        tpu.enqueue_dma source(%dma_start3A_576 : memref<96x128xbf16, #tpu.memory_space<vmem>>) target(%dma_start3A_573 : memref<96x128xbf16, #tpu.memory_space<hbm>>) target_semaphore(%run_scoped3A : memref<!tpu.dma_semaphore, #tpu.memory_space<semaphore_mem>>)
        %dma_wait3A = arith.constant 0 : i32
        %dma_wait3A_577 = arith.constant 0 : i32
        %dma_wait3A_578 = tpu.memref_slice %arg11[%dma_wait3A, %dma_wait3A_577] : memref<125x128xbf16, #tpu.memory_space<vmem>> -> memref<96x128xbf16, #tpu.memory_space<vmem>>
        %dma_wait3A_579 = arith.constant 0 : i32
        %dma_wait3A_580 = tpu.memref_slice %arg5[%multiple_of3A_499, %dma_wait3A_579] : memref<20000x128xbf16, #tpu.memory_space<hbm>> -> memref<96x128xbf16, #tpu.memory_space<hbm>>
        %dma_wait3A_581 = arith.constant 0 : i32
        %dma_wait3A_582 = tpu.memref_slice %arg5[%multiple_of3A_499, %dma_wait3A_581] : memref<20000x128xbf16, #tpu.memory_space<hbm>> -> memref<96x128xbf16, #tpu.memory_space<hbm>>
        %dma_wait3A_583 = arith.constant 0 : i32
        %dma_wait3A_584 = arith.constant 0 : i32
        %dma_wait3A_585 = tpu.memref_slice %arg11[%dma_wait3A_583, %dma_wait3A_584] : memref<125x128xbf16, #tpu.memory_space<vmem>> -> memref<96x128xbf16, #tpu.memory_space<vmem>>
        tpu.wait_dma2 semaphore(%run_scoped3A : memref<!tpu.dma_semaphore, #tpu.memory_space<semaphore_mem>>) src(%dma_wait3A_585 : memref<96x128xbf16, #tpu.memory_space<vmem>>) dst(%dma_wait3A_582 : memref<96x128xbf16, #tpu.memory_space<hbm>>)
        tpu.yield
      }) : () -> ()
    } else {
    }
    %eq3A_505 = arith.constant 104 : i32
    %eq3A_506 = arith.cmpi eq, %add3A_492, %eq3A_505 : i32
    %convert_element_type3A_507 = arith.extui %eq3A_506 : i1 to i32
    %cond3A_508 = arith.constant 0 : i32
    %cond3A_509 = arith.cmpi ne, %convert_element_type3A_507, %cond3A_508 : i32
    scf.if %cond3A_509 {
      "tpu.region"() ({
        %run_scoped3A = tpu.sem_alloc : memref<!tpu.dma_semaphore, #tpu.memory_space<semaphore_mem>>
        %dma_start3A_567 = arith.constant 0 : i32
        %dma_start3A_568 = arith.constant 0 : i32
        %dma_start3A_569 = tpu.memref_slice %arg11[%dma_start3A_567, %dma_start3A_568] : memref<125x128xbf16, #tpu.memory_space<vmem>> -> memref<16x128xbf16, #tpu.memory_space<vmem>>
        %dma_start3A_570 = arith.constant 0 : i32
        %dma_start3A_571 = tpu.memref_slice %arg13[%multiple_of3A_495, %dma_start3A_570] : memref<10000x128xbf16, #tpu.memory_space<vmem_shared>> -> memref<16x128xbf16, #tpu.memory_space<vmem_shared>>
        %dma_start3A_572 = arith.constant 0 : i32
        %dma_start3A_573 = arith.constant 0 : i32
        %dma_start3A_574 = tpu.memref_slice %arg11[%dma_start3A_572, %dma_start3A_573] : memref<125x128xbf16, #tpu.memory_space<vmem>> -> memref<16x128xbf16, #tpu.memory_space<vmem>>
        %dma_start3A_575 = arith.constant 0 : i32
        %dma_start3A_576 = tpu.memref_slice %arg13[%multiple_of3A_495, %dma_start3A_575] : memref<10000x128xbf16, #tpu.memory_space<vmem_shared>> -> memref<16x128xbf16, #tpu.memory_space<vmem_shared>>
        tpu.enqueue_dma source(%dma_start3A_576 : memref<16x128xbf16, #tpu.memory_space<vmem_shared>>) target(%dma_start3A_574 : memref<16x128xbf16, #tpu.memory_space<vmem>>) target_semaphore(%run_scoped3A : memref<!tpu.dma_semaphore, #tpu.memory_space<semaphore_mem>>)
        %dma_wait3A = arith.constant 0 : i32
        %dma_wait3A_577 = arith.constant 0 : i32
        %dma_wait3A_578 = tpu.memref_slice %arg11[%dma_wait3A, %dma_wait3A_577] : memref<125x128xbf16, #tpu.memory_space<vmem>> -> memref<16x128xbf16, #tpu.memory_space<vmem>>
        %dma_wait3A_579 = arith.constant 0 : i32
        %dma_wait3A_580 = tpu.memref_slice %arg13[%multiple_of3A_495, %dma_wait3A_579] : memref<10000x128xbf16, #tpu.memory_space<vmem_shared>> -> memref<16x128xbf16, #tpu.memory_space<vmem_shared>>
        %dma_wait3A_581 = arith.constant 0 : i32
        %dma_wait3A_582 = arith.constant 0 : i32
        %dma_wait3A_583 = tpu.memref_slice %arg11[%dma_wait3A_581, %dma_wait3A_582] : memref<125x128xbf16, #tpu.memory_space<vmem>> -> memref<16x128xbf16, #tpu.memory_space<vmem>>
        %dma_wait3A_584 = arith.constant 0 : i32
        %dma_wait3A_585 = tpu.memref_slice %arg13[%multiple_of3A_495, %dma_wait3A_584] : memref<10000x128xbf16, #tpu.memory_space<vmem_shared>> -> memref<16x128xbf16, #tpu.memory_space<vmem_shared>>
        tpu.wait_dma2 semaphore(%run_scoped3A : memref<!tpu.dma_semaphore, #tpu.memory_space<semaphore_mem>>) src(%dma_wait3A_585 : memref<16x128xbf16, #tpu.memory_space<vmem_shared>>) dst(%dma_wait3A_583 : memref<16x128xbf16, #tpu.memory_space<vmem>>)
        tpu.yield
      }) : () -> ()
      "tpu.region"() ({
        %run_scoped3A = tpu.sem_alloc : memref<!tpu.dma_semaphore, #tpu.memory_space<semaphore_mem>>
        %dma_start3A_567 = arith.constant 0 : i32
        %dma_start3A_568 = arith.constant 0 : i32
        %dma_start3A_569 = tpu.memref_slice %arg11[%dma_start3A_567, %dma_start3A_568] : memref<125x128xbf16, #tpu.memory_space<vmem>> -> memref<16x128xbf16, #tpu.memory_space<vmem>>
        %dma_start3A_570 = arith.constant 0 : i32
        %dma_start3A_571 = tpu.memref_slice %arg5[%multiple_of3A_499, %dma_start3A_570] : memref<20000x128xbf16, #tpu.memory_space<hbm>> -> memref<16x128xbf16, #tpu.memory_space<hbm>>
        %dma_start3A_572 = arith.constant 0 : i32
        %dma_start3A_573 = tpu.memref_slice %arg5[%multiple_of3A_499, %dma_start3A_572] : memref<20000x128xbf16, #tpu.memory_space<hbm>> -> memref<16x128xbf16, #tpu.memory_space<hbm>>
        %dma_start3A_574 = arith.constant 0 : i32
        %dma_start3A_575 = arith.constant 0 : i32
        %dma_start3A_576 = tpu.memref_slice %arg11[%dma_start3A_574, %dma_start3A_575] : memref<125x128xbf16, #tpu.memory_space<vmem>> -> memref<16x128xbf16, #tpu.memory_space<vmem>>
        tpu.enqueue_dma source(%dma_start3A_576 : memref<16x128xbf16, #tpu.memory_space<vmem>>) target(%dma_start3A_573 : memref<16x128xbf16, #tpu.memory_space<hbm>>) target_semaphore(%run_scoped3A : memref<!tpu.dma_semaphore, #tpu.memory_space<semaphore_mem>>)
        %dma_wait3A = arith.constant 0 : i32
        %dma_wait3A_577 = arith.constant 0 : i32
        %dma_wait3A_578 = tpu.memref_slice %arg11[%dma_wait3A, %dma_wait3A_577] : memref<125x128xbf16, #tpu.memory_space<vmem>> -> memref<16x128xbf16, #tpu.memory_space<vmem>>
        %dma_wait3A_579 = arith.constant 0 : i32
        %dma_wait3A_580 = tpu.memref_slice %arg5[%multiple_of3A_499, %dma_wait3A_579] : memref<20000x128xbf16, #tpu.memory_space<hbm>> -> memref<16x128xbf16, #tpu.memory_space<hbm>>
        %dma_wait3A_581 = arith.constant 0 : i32
        %dma_wait3A_582 = tpu.memref_slice %arg5[%multiple_of3A_499, %dma_wait3A_581] : memref<20000x128xbf16, #tpu.memory_space<hbm>> -> memref<16x128xbf16, #tpu.memory_space<hbm>>
        %dma_wait3A_583 = arith.constant 0 : i32
        %dma_wait3A_584 = arith.constant 0 : i32
        %dma_wait3A_585 = tpu.memref_slice %arg11[%dma_wait3A_583, %dma_wait3A_584] : memref<125x128xbf16, #tpu.memory_space<vmem>> -> memref<16x128xbf16, #tpu.memory_space<vmem>>
        tpu.wait_dma2 semaphore(%run_scoped3A : memref<!tpu.dma_semaphore, #tpu.memory_space<semaphore_mem>>) src(%dma_wait3A_585 : memref<16x128xbf16, #tpu.memory_space<vmem>>) dst(%dma_wait3A_582 : memref<16x128xbf16, #tpu.memory_space<hbm>>)
        tpu.yield
      }) : () -> ()
    } else {
    }
    %add3A_510 = arith.constant 64 : i32
    %add3A_511 = arith.addi %arg1, %add3A_510 : i32
    %mul3A_512 = arith.constant 96 : i32
    %mul3A_513 = arith.muli %add3A_511, %mul3A_512 : i32
    %multiple_of3A_514 = tpu.assume_multiple %mul3A_513, 16 : i32
    %mul3A_515 = arith.constant 10000 : i32
    %mul3A_516 = arith.muli %arg0, %mul3A_515 : i32
    %add3A_517 = arith.addi %mul3A_516, %multiple_of3A_514 : i32
    %multiple_of3A_518 = tpu.assume_multiple %add3A_517, 16 : i32
    %lt3A_519 = arith.constant 104 : i32
    %lt3A_520 = arith.cmpi slt, %add3A_511, %lt3A_519 : i32
    %convert_element_type3A_521 = arith.extui %lt3A_520 : i1 to i32
    %cond3A_522 = arith.constant 0 : i32
    %cond3A_523 = arith.cmpi ne, %convert_element_type3A_521, %cond3A_522 : i32
    scf.if %cond3A_523 {
      "tpu.region"() ({
        %run_scoped3A = tpu.sem_alloc : memref<!tpu.dma_semaphore, #tpu.memory_space<semaphore_mem>>
        %dma_start3A_567 = arith.constant 0 : i32
        %dma_start3A_568 = arith.constant 0 : i32
        %dma_start3A_569 = tpu.memref_slice %arg11[%dma_start3A_567, %dma_start3A_568] : memref<125x128xbf16, #tpu.memory_space<vmem>> -> memref<96x128xbf16, #tpu.memory_space<vmem>>
        %dma_start3A_570 = arith.constant 0 : i32
        %dma_start3A_571 = tpu.memref_slice %arg13[%multiple_of3A_514, %dma_start3A_570] : memref<10000x128xbf16, #tpu.memory_space<vmem_shared>> -> memref<96x128xbf16, #tpu.memory_space<vmem_shared>>
        %dma_start3A_572 = arith.constant 0 : i32
        %dma_start3A_573 = arith.constant 0 : i32
        %dma_start3A_574 = tpu.memref_slice %arg11[%dma_start3A_572, %dma_start3A_573] : memref<125x128xbf16, #tpu.memory_space<vmem>> -> memref<96x128xbf16, #tpu.memory_space<vmem>>
        %dma_start3A_575 = arith.constant 0 : i32
        %dma_start3A_576 = tpu.memref_slice %arg13[%multiple_of3A_514, %dma_start3A_575] : memref<10000x128xbf16, #tpu.memory_space<vmem_shared>> -> memref<96x128xbf16, #tpu.memory_space<vmem_shared>>
        tpu.enqueue_dma source(%dma_start3A_576 : memref<96x128xbf16, #tpu.memory_space<vmem_shared>>) target(%dma_start3A_574 : memref<96x128xbf16, #tpu.memory_space<vmem>>) target_semaphore(%run_scoped3A : memref<!tpu.dma_semaphore, #tpu.memory_space<semaphore_mem>>)
        %dma_wait3A = arith.constant 0 : i32
        %dma_wait3A_577 = arith.constant 0 : i32
        %dma_wait3A_578 = tpu.memref_slice %arg11[%dma_wait3A, %dma_wait3A_577] : memref<125x128xbf16, #tpu.memory_space<vmem>> -> memref<96x128xbf16, #tpu.memory_space<vmem>>
        %dma_wait3A_579 = arith.constant 0 : i32
        %dma_wait3A_580 = tpu.memref_slice %arg13[%multiple_of3A_514, %dma_wait3A_579] : memref<10000x128xbf16, #tpu.memory_space<vmem_shared>> -> memref<96x128xbf16, #tpu.memory_space<vmem_shared>>
        %dma_wait3A_581 = arith.constant 0 : i32
        %dma_wait3A_582 = arith.constant 0 : i32
        %dma_wait3A_583 = tpu.memref_slice %arg11[%dma_wait3A_581, %dma_wait3A_582] : memref<125x128xbf16, #tpu.memory_space<vmem>> -> memref<96x128xbf16, #tpu.memory_space<vmem>>
        %dma_wait3A_584 = arith.constant 0 : i32
        %dma_wait3A_585 = tpu.memref_slice %arg13[%multiple_of3A_514, %dma_wait3A_584] : memref<10000x128xbf16, #tpu.memory_space<vmem_shared>> -> memref<96x128xbf16, #tpu.memory_space<vmem_shared>>
        tpu.wait_dma2 semaphore(%run_scoped3A : memref<!tpu.dma_semaphore, #tpu.memory_space<semaphore_mem>>) src(%dma_wait3A_585 : memref<96x128xbf16, #tpu.memory_space<vmem_shared>>) dst(%dma_wait3A_583 : memref<96x128xbf16, #tpu.memory_space<vmem>>)
        tpu.yield
      }) : () -> ()
      "tpu.region"() ({
        %run_scoped3A = tpu.sem_alloc : memref<!tpu.dma_semaphore, #tpu.memory_space<semaphore_mem>>
        %dma_start3A_567 = arith.constant 0 : i32
        %dma_start3A_568 = arith.constant 0 : i32
        %dma_start3A_569 = tpu.memref_slice %arg11[%dma_start3A_567, %dma_start3A_568] : memref<125x128xbf16, #tpu.memory_space<vmem>> -> memref<96x128xbf16, #tpu.memory_space<vmem>>
        %dma_start3A_570 = arith.constant 0 : i32
        %dma_start3A_571 = tpu.memref_slice %arg5[%multiple_of3A_518, %dma_start3A_570] : memref<20000x128xbf16, #tpu.memory_space<hbm>> -> memref<96x128xbf16, #tpu.memory_space<hbm>>
        %dma_start3A_572 = arith.constant 0 : i32
        %dma_start3A_573 = tpu.memref_slice %arg5[%multiple_of3A_518, %dma_start3A_572] : memref<20000x128xbf16, #tpu.memory_space<hbm>> -> memref<96x128xbf16, #tpu.memory_space<hbm>>
        %dma_start3A_574 = arith.constant 0 : i32
        %dma_start3A_575 = arith.constant 0 : i32
        %dma_start3A_576 = tpu.memref_slice %arg11[%dma_start3A_574, %dma_start3A_575] : memref<125x128xbf16, #tpu.memory_space<vmem>> -> memref<96x128xbf16, #tpu.memory_space<vmem>>
        tpu.enqueue_dma source(%dma_start3A_576 : memref<96x128xbf16, #tpu.memory_space<vmem>>) target(%dma_start3A_573 : memref<96x128xbf16, #tpu.memory_space<hbm>>) target_semaphore(%run_scoped3A : memref<!tpu.dma_semaphore, #tpu.memory_space<semaphore_mem>>)
        %dma_wait3A = arith.constant 0 : i32
        %dma_wait3A_577 = arith.constant 0 : i32
        %dma_wait3A_578 = tpu.memref_slice %arg11[%dma_wait3A, %dma_wait3A_577] : memref<125x128xbf16, #tpu.memory_space<vmem>> -> memref<96x128xbf16, #tpu.memory_space<vmem>>
        %dma_wait3A_579 = arith.constant 0 : i32
        %dma_wait3A_580 = tpu.memref_slice %arg5[%multiple_of3A_518, %dma_wait3A_579] : memref<20000x128xbf16, #tpu.memory_space<hbm>> -> memref<96x128xbf16, #tpu.memory_space<hbm>>
        %dma_wait3A_581 = arith.constant 0 : i32
        %dma_wait3A_582 = tpu.memref_slice %arg5[%multiple_of3A_518, %dma_wait3A_581] : memref<20000x128xbf16, #tpu.memory_space<hbm>> -> memref<96x128xbf16, #tpu.memory_space<hbm>>
        %dma_wait3A_583 = arith.constant 0 : i32
        %dma_wait3A_584 = arith.constant 0 : i32
        %dma_wait3A_585 = tpu.memref_slice %arg11[%dma_wait3A_583, %dma_wait3A_584] : memref<125x128xbf16, #tpu.memory_space<vmem>> -> memref<96x128xbf16, #tpu.memory_space<vmem>>
        tpu.wait_dma2 semaphore(%run_scoped3A : memref<!tpu.dma_semaphore, #tpu.memory_space<semaphore_mem>>) src(%dma_wait3A_585 : memref<96x128xbf16, #tpu.memory_space<vmem>>) dst(%dma_wait3A_582 : memref<96x128xbf16, #tpu.memory_space<hbm>>)
        tpu.yield
      }) : () -> ()
    } else {
    }
    %eq3A_524 = arith.constant 104 : i32
    %eq3A_525 = arith.cmpi eq, %add3A_511, %eq3A_524 : i32
    %convert_element_type3A_526 = arith.extui %eq3A_525 : i1 to i32
    %cond3A_527 = arith.constant 0 : i32
    %cond3A_528 = arith.cmpi ne, %convert_element_type3A_526, %cond3A_527 : i32
    scf.if %cond3A_528 {
      "tpu.region"() ({
        %run_scoped3A = tpu.sem_alloc : memref<!tpu.dma_semaphore, #tpu.memory_space<semaphore_mem>>
        %dma_start3A_567 = arith.constant 0 : i32
        %dma_start3A_568 = arith.constant 0 : i32
        %dma_start3A_569 = tpu.memref_slice %arg11[%dma_start3A_567, %dma_start3A_568] : memref<125x128xbf16, #tpu.memory_space<vmem>> -> memref<16x128xbf16, #tpu.memory_space<vmem>>
        %dma_start3A_570 = arith.constant 0 : i32
        %dma_start3A_571 = tpu.memref_slice %arg13[%multiple_of3A_514, %dma_start3A_570] : memref<10000x128xbf16, #tpu.memory_space<vmem_shared>> -> memref<16x128xbf16, #tpu.memory_space<vmem_shared>>
        %dma_start3A_572 = arith.constant 0 : i32
        %dma_start3A_573 = arith.constant 0 : i32
        %dma_start3A_574 = tpu.memref_slice %arg11[%dma_start3A_572, %dma_start3A_573] : memref<125x128xbf16, #tpu.memory_space<vmem>> -> memref<16x128xbf16, #tpu.memory_space<vmem>>
        %dma_start3A_575 = arith.constant 0 : i32
        %dma_start3A_576 = tpu.memref_slice %arg13[%multiple_of3A_514, %dma_start3A_575] : memref<10000x128xbf16, #tpu.memory_space<vmem_shared>> -> memref<16x128xbf16, #tpu.memory_space<vmem_shared>>
        tpu.enqueue_dma source(%dma_start3A_576 : memref<16x128xbf16, #tpu.memory_space<vmem_shared>>) target(%dma_start3A_574 : memref<16x128xbf16, #tpu.memory_space<vmem>>) target_semaphore(%run_scoped3A : memref<!tpu.dma_semaphore, #tpu.memory_space<semaphore_mem>>)
        %dma_wait3A = arith.constant 0 : i32
        %dma_wait3A_577 = arith.constant 0 : i32
        %dma_wait3A_578 = tpu.memref_slice %arg11[%dma_wait3A, %dma_wait3A_577] : memref<125x128xbf16, #tpu.memory_space<vmem>> -> memref<16x128xbf16, #tpu.memory_space<vmem>>
        %dma_wait3A_579 = arith.constant 0 : i32
        %dma_wait3A_580 = tpu.memref_slice %arg13[%multiple_of3A_514, %dma_wait3A_579] : memref<10000x128xbf16, #tpu.memory_space<vmem_shared>> -> memref<16x128xbf16, #tpu.memory_space<vmem_shared>>
        %dma_wait3A_581 = arith.constant 0 : i32
        %dma_wait3A_582 = arith.constant 0 : i32
        %dma_wait3A_583 = tpu.memref_slice %arg11[%dma_wait3A_581, %dma_wait3A_582] : memref<125x128xbf16, #tpu.memory_space<vmem>> -> memref<16x128xbf16, #tpu.memory_space<vmem>>
        %dma_wait3A_584 = arith.constant 0 : i32
        %dma_wait3A_585 = tpu.memref_slice %arg13[%multiple_of3A_514, %dma_wait3A_584] : memref<10000x128xbf16, #tpu.memory_space<vmem_shared>> -> memref<16x128xbf16, #tpu.memory_space<vmem_shared>>
        tpu.wait_dma2 semaphore(%run_scoped3A : memref<!tpu.dma_semaphore, #tpu.memory_space<semaphore_mem>>) src(%dma_wait3A_585 : memref<16x128xbf16, #tpu.memory_space<vmem_shared>>) dst(%dma_wait3A_583 : memref<16x128xbf16, #tpu.memory_space<vmem>>)
        tpu.yield
      }) : () -> ()
      "tpu.region"() ({
        %run_scoped3A = tpu.sem_alloc : memref<!tpu.dma_semaphore, #tpu.memory_space<semaphore_mem>>
        %dma_start3A_567 = arith.constant 0 : i32
        %dma_start3A_568 = arith.constant 0 : i32
        %dma_start3A_569 = tpu.memref_slice %arg11[%dma_start3A_567, %dma_start3A_568] : memref<125x128xbf16, #tpu.memory_space<vmem>> -> memref<16x128xbf16, #tpu.memory_space<vmem>>
        %dma_start3A_570 = arith.constant 0 : i32
        %dma_start3A_571 = tpu.memref_slice %arg5[%multiple_of3A_518, %dma_start3A_570] : memref<20000x128xbf16, #tpu.memory_space<hbm>> -> memref<16x128xbf16, #tpu.memory_space<hbm>>
        %dma_start3A_572 = arith.constant 0 : i32
        %dma_start3A_573 = tpu.memref_slice %arg5[%multiple_of3A_518, %dma_start3A_572] : memref<20000x128xbf16, #tpu.memory_space<hbm>> -> memref<16x128xbf16, #tpu.memory_space<hbm>>
        %dma_start3A_574 = arith.constant 0 : i32
        %dma_start3A_575 = arith.constant 0 : i32
        %dma_start3A_576 = tpu.memref_slice %arg11[%dma_start3A_574, %dma_start3A_575] : memref<125x128xbf16, #tpu.memory_space<vmem>> -> memref<16x128xbf16, #tpu.memory_space<vmem>>
        tpu.enqueue_dma source(%dma_start3A_576 : memref<16x128xbf16, #tpu.memory_space<vmem>>) target(%dma_start3A_573 : memref<16x128xbf16, #tpu.memory_space<hbm>>) target_semaphore(%run_scoped3A : memref<!tpu.dma_semaphore, #tpu.memory_space<semaphore_mem>>)
        %dma_wait3A = arith.constant 0 : i32
        %dma_wait3A_577 = arith.constant 0 : i32
        %dma_wait3A_578 = tpu.memref_slice %arg11[%dma_wait3A, %dma_wait3A_577] : memref<125x128xbf16, #tpu.memory_space<vmem>> -> memref<16x128xbf16, #tpu.memory_space<vmem>>
        %dma_wait3A_579 = arith.constant 0 : i32
        %dma_wait3A_580 = tpu.memref_slice %arg5[%multiple_of3A_518, %dma_wait3A_579] : memref<20000x128xbf16, #tpu.memory_space<hbm>> -> memref<16x128xbf16, #tpu.memory_space<hbm>>
        %dma_wait3A_581 = arith.constant 0 : i32
        %dma_wait3A_582 = tpu.memref_slice %arg5[%multiple_of3A_518, %dma_wait3A_581] : memref<20000x128xbf16, #tpu.memory_space<hbm>> -> memref<16x128xbf16, #tpu.memory_space<hbm>>
        %dma_wait3A_583 = arith.constant 0 : i32
        %dma_wait3A_584 = arith.constant 0 : i32
        %dma_wait3A_585 = tpu.memref_slice %arg11[%dma_wait3A_583, %dma_wait3A_584] : memref<125x128xbf16, #tpu.memory_space<vmem>> -> memref<16x128xbf16, #tpu.memory_space<vmem>>
        tpu.wait_dma2 semaphore(%run_scoped3A : memref<!tpu.dma_semaphore, #tpu.memory_space<semaphore_mem>>) src(%dma_wait3A_585 : memref<16x128xbf16, #tpu.memory_space<vmem>>) dst(%dma_wait3A_582 : memref<16x128xbf16, #tpu.memory_space<hbm>>)
        tpu.yield
      }) : () -> ()
    } else {
    }
    %add3A_529 = arith.constant 80 : i32
    %add3A_530 = arith.addi %arg1, %add3A_529 : i32
    %mul3A_531 = arith.constant 96 : i32
    %mul3A_532 = arith.muli %add3A_530, %mul3A_531 : i32
    %multiple_of3A_533 = tpu.assume_multiple %mul3A_532, 16 : i32
    %mul3A_534 = arith.constant 10000 : i32
    %mul3A_535 = arith.muli %arg0, %mul3A_534 : i32
    %add3A_536 = arith.addi %mul3A_535, %multiple_of3A_533 : i32
    %multiple_of3A_537 = tpu.assume_multiple %add3A_536, 16 : i32
    %lt3A_538 = arith.constant 104 : i32
    %lt3A_539 = arith.cmpi slt, %add3A_530, %lt3A_538 : i32
    %convert_element_type3A_540 = arith.extui %lt3A_539 : i1 to i32
    %cond3A_541 = arith.constant 0 : i32
    %cond3A_542 = arith.cmpi ne, %convert_element_type3A_540, %cond3A_541 : i32
    scf.if %cond3A_542 {
      "tpu.region"() ({
        %run_scoped3A = tpu.sem_alloc : memref<!tpu.dma_semaphore, #tpu.memory_space<semaphore_mem>>
        %dma_start3A_567 = arith.constant 0 : i32
        %dma_start3A_568 = arith.constant 0 : i32
        %dma_start3A_569 = tpu.memref_slice %arg11[%dma_start3A_567, %dma_start3A_568] : memref<125x128xbf16, #tpu.memory_space<vmem>> -> memref<96x128xbf16, #tpu.memory_space<vmem>>
        %dma_start3A_570 = arith.constant 0 : i32
        %dma_start3A_571 = tpu.memref_slice %arg13[%multiple_of3A_533, %dma_start3A_570] : memref<10000x128xbf16, #tpu.memory_space<vmem_shared>> -> memref<96x128xbf16, #tpu.memory_space<vmem_shared>>
        %dma_start3A_572 = arith.constant 0 : i32
        %dma_start3A_573 = arith.constant 0 : i32
        %dma_start3A_574 = tpu.memref_slice %arg11[%dma_start3A_572, %dma_start3A_573] : memref<125x128xbf16, #tpu.memory_space<vmem>> -> memref<96x128xbf16, #tpu.memory_space<vmem>>
        %dma_start3A_575 = arith.constant 0 : i32
        %dma_start3A_576 = tpu.memref_slice %arg13[%multiple_of3A_533, %dma_start3A_575] : memref<10000x128xbf16, #tpu.memory_space<vmem_shared>> -> memref<96x128xbf16, #tpu.memory_space<vmem_shared>>
        tpu.enqueue_dma source(%dma_start3A_576 : memref<96x128xbf16, #tpu.memory_space<vmem_shared>>) target(%dma_start3A_574 : memref<96x128xbf16, #tpu.memory_space<vmem>>) target_semaphore(%run_scoped3A : memref<!tpu.dma_semaphore, #tpu.memory_space<semaphore_mem>>)
        %dma_wait3A = arith.constant 0 : i32
        %dma_wait3A_577 = arith.constant 0 : i32
        %dma_wait3A_578 = tpu.memref_slice %arg11[%dma_wait3A, %dma_wait3A_577] : memref<125x128xbf16, #tpu.memory_space<vmem>> -> memref<96x128xbf16, #tpu.memory_space<vmem>>
        %dma_wait3A_579 = arith.constant 0 : i32
        %dma_wait3A_580 = tpu.memref_slice %arg13[%multiple_of3A_533, %dma_wait3A_579] : memref<10000x128xbf16, #tpu.memory_space<vmem_shared>> -> memref<96x128xbf16, #tpu.memory_space<vmem_shared>>
        %dma_wait3A_581 = arith.constant 0 : i32
        %dma_wait3A_582 = arith.constant 0 : i32
        %dma_wait3A_583 = tpu.memref_slice %arg11[%dma_wait3A_581, %dma_wait3A_582] : memref<125x128xbf16, #tpu.memory_space<vmem>> -> memref<96x128xbf16, #tpu.memory_space<vmem>>
        %dma_wait3A_584 = arith.constant 0 : i32
        %dma_wait3A_585 = tpu.memref_slice %arg13[%multiple_of3A_533, %dma_wait3A_584] : memref<10000x128xbf16, #tpu.memory_space<vmem_shared>> -> memref<96x128xbf16, #tpu.memory_space<vmem_shared>>
        tpu.wait_dma2 semaphore(%run_scoped3A : memref<!tpu.dma_semaphore, #tpu.memory_space<semaphore_mem>>) src(%dma_wait3A_585 : memref<96x128xbf16, #tpu.memory_space<vmem_shared>>) dst(%dma_wait3A_583 : memref<96x128xbf16, #tpu.memory_space<vmem>>)
        tpu.yield
      }) : () -> ()
      "tpu.region"() ({
        %run_scoped3A = tpu.sem_alloc : memref<!tpu.dma_semaphore, #tpu.memory_space<semaphore_mem>>
        %dma_start3A_567 = arith.constant 0 : i32
        %dma_start3A_568 = arith.constant 0 : i32
        %dma_start3A_569 = tpu.memref_slice %arg11[%dma_start3A_567, %dma_start3A_568] : memref<125x128xbf16, #tpu.memory_space<vmem>> -> memref<96x128xbf16, #tpu.memory_space<vmem>>
        %dma_start3A_570 = arith.constant 0 : i32
        %dma_start3A_571 = tpu.memref_slice %arg5[%multiple_of3A_537, %dma_start3A_570] : memref<20000x128xbf16, #tpu.memory_space<hbm>> -> memref<96x128xbf16, #tpu.memory_space<hbm>>
        %dma_start3A_572 = arith.constant 0 : i32
        %dma_start3A_573 = tpu.memref_slice %arg5[%multiple_of3A_537, %dma_start3A_572] : memref<20000x128xbf16, #tpu.memory_space<hbm>> -> memref<96x128xbf16, #tpu.memory_space<hbm>>
        %dma_start3A_574 = arith.constant 0 : i32
        %dma_start3A_575 = arith.constant 0 : i32
        %dma_start3A_576 = tpu.memref_slice %arg11[%dma_start3A_574, %dma_start3A_575] : memref<125x128xbf16, #tpu.memory_space<vmem>> -> memref<96x128xbf16, #tpu.memory_space<vmem>>
        tpu.enqueue_dma source(%dma_start3A_576 : memref<96x128xbf16, #tpu.memory_space<vmem>>) target(%dma_start3A_573 : memref<96x128xbf16, #tpu.memory_space<hbm>>) target_semaphore(%run_scoped3A : memref<!tpu.dma_semaphore, #tpu.memory_space<semaphore_mem>>)
        %dma_wait3A = arith.constant 0 : i32
        %dma_wait3A_577 = arith.constant 0 : i32
        %dma_wait3A_578 = tpu.memref_slice %arg11[%dma_wait3A, %dma_wait3A_577] : memref<125x128xbf16, #tpu.memory_space<vmem>> -> memref<96x128xbf16, #tpu.memory_space<vmem>>
        %dma_wait3A_579 = arith.constant 0 : i32
        %dma_wait3A_580 = tpu.memref_slice %arg5[%multiple_of3A_537, %dma_wait3A_579] : memref<20000x128xbf16, #tpu.memory_space<hbm>> -> memref<96x128xbf16, #tpu.memory_space<hbm>>
        %dma_wait3A_581 = arith.constant 0 : i32
        %dma_wait3A_582 = tpu.memref_slice %arg5[%multiple_of3A_537, %dma_wait3A_581] : memref<20000x128xbf16, #tpu.memory_space<hbm>> -> memref<96x128xbf16, #tpu.memory_space<hbm>>
        %dma_wait3A_583 = arith.constant 0 : i32
        %dma_wait3A_584 = arith.constant 0 : i32
        %dma_wait3A_585 = tpu.memref_slice %arg11[%dma_wait3A_583, %dma_wait3A_584] : memref<125x128xbf16, #tpu.memory_space<vmem>> -> memref<96x128xbf16, #tpu.memory_space<vmem>>
        tpu.wait_dma2 semaphore(%run_scoped3A : memref<!tpu.dma_semaphore, #tpu.memory_space<semaphore_mem>>) src(%dma_wait3A_585 : memref<96x128xbf16, #tpu.memory_space<vmem>>) dst(%dma_wait3A_582 : memref<96x128xbf16, #tpu.memory_space<hbm>>)
        tpu.yield
      }) : () -> ()
    } else {
    }
    %eq3A_543 = arith.constant 104 : i32
    %eq3A_544 = arith.cmpi eq, %add3A_530, %eq3A_543 : i32
    %convert_element_type3A_545 = arith.extui %eq3A_544 : i1 to i32
    %cond3A_546 = arith.constant 0 : i32
    %cond3A_547 = arith.cmpi ne, %convert_element_type3A_545, %cond3A_546 : i32
    scf.if %cond3A_547 {
      "tpu.region"() ({
        %run_scoped3A = tpu.sem_alloc : memref<!tpu.dma_semaphore, #tpu.memory_space<semaphore_mem>>
        %dma_start3A_567 = arith.constant 0 : i32
        %dma_start3A_568 = arith.constant 0 : i32
        %dma_start3A_569 = tpu.memref_slice %arg11[%dma_start3A_567, %dma_start3A_568] : memref<125x128xbf16, #tpu.memory_space<vmem>> -> memref<16x128xbf16, #tpu.memory_space<vmem>>
        %dma_start3A_570 = arith.constant 0 : i32
        %dma_start3A_571 = tpu.memref_slice %arg13[%multiple_of3A_533, %dma_start3A_570] : memref<10000x128xbf16, #tpu.memory_space<vmem_shared>> -> memref<16x128xbf16, #tpu.memory_space<vmem_shared>>
        %dma_start3A_572 = arith.constant 0 : i32
        %dma_start3A_573 = arith.constant 0 : i32
        %dma_start3A_574 = tpu.memref_slice %arg11[%dma_start3A_572, %dma_start3A_573] : memref<125x128xbf16, #tpu.memory_space<vmem>> -> memref<16x128xbf16, #tpu.memory_space<vmem>>
        %dma_start3A_575 = arith.constant 0 : i32
        %dma_start3A_576 = tpu.memref_slice %arg13[%multiple_of3A_533, %dma_start3A_575] : memref<10000x128xbf16, #tpu.memory_space<vmem_shared>> -> memref<16x128xbf16, #tpu.memory_space<vmem_shared>>
        tpu.enqueue_dma source(%dma_start3A_576 : memref<16x128xbf16, #tpu.memory_space<vmem_shared>>) target(%dma_start3A_574 : memref<16x128xbf16, #tpu.memory_space<vmem>>) target_semaphore(%run_scoped3A : memref<!tpu.dma_semaphore, #tpu.memory_space<semaphore_mem>>)
        %dma_wait3A = arith.constant 0 : i32
        %dma_wait3A_577 = arith.constant 0 : i32
        %dma_wait3A_578 = tpu.memref_slice %arg11[%dma_wait3A, %dma_wait3A_577] : memref<125x128xbf16, #tpu.memory_space<vmem>> -> memref<16x128xbf16, #tpu.memory_space<vmem>>
        %dma_wait3A_579 = arith.constant 0 : i32
        %dma_wait3A_580 = tpu.memref_slice %arg13[%multiple_of3A_533, %dma_wait3A_579] : memref<10000x128xbf16, #tpu.memory_space<vmem_shared>> -> memref<16x128xbf16, #tpu.memory_space<vmem_shared>>
        %dma_wait3A_581 = arith.constant 0 : i32
        %dma_wait3A_582 = arith.constant 0 : i32
        %dma_wait3A_583 = tpu.memref_slice %arg11[%dma_wait3A_581, %dma_wait3A_582] : memref<125x128xbf16, #tpu.memory_space<vmem>> -> memref<16x128xbf16, #tpu.memory_space<vmem>>
        %dma_wait3A_584 = arith.constant 0 : i32
        %dma_wait3A_585 = tpu.memref_slice %arg13[%multiple_of3A_533, %dma_wait3A_584] : memref<10000x128xbf16, #tpu.memory_space<vmem_shared>> -> memref<16x128xbf16, #tpu.memory_space<vmem_shared>>
        tpu.wait_dma2 semaphore(%run_scoped3A : memref<!tpu.dma_semaphore, #tpu.memory_space<semaphore_mem>>) src(%dma_wait3A_585 : memref<16x128xbf16, #tpu.memory_space<vmem_shared>>) dst(%dma_wait3A_583 : memref<16x128xbf16, #tpu.memory_space<vmem>>)
        tpu.yield
      }) : () -> ()
      "tpu.region"() ({
        %run_scoped3A = tpu.sem_alloc : memref<!tpu.dma_semaphore, #tpu.memory_space<semaphore_mem>>
        %dma_start3A_567 = arith.constant 0 : i32
        %dma_start3A_568 = arith.constant 0 : i32
        %dma_start3A_569 = tpu.memref_slice %arg11[%dma_start3A_567, %dma_start3A_568] : memref<125x128xbf16, #tpu.memory_space<vmem>> -> memref<16x128xbf16, #tpu.memory_space<vmem>>
        %dma_start3A_570 = arith.constant 0 : i32
        %dma_start3A_571 = tpu.memref_slice %arg5[%multiple_of3A_537, %dma_start3A_570] : memref<20000x128xbf16, #tpu.memory_space<hbm>> -> memref<16x128xbf16, #tpu.memory_space<hbm>>
        %dma_start3A_572 = arith.constant 0 : i32
        %dma_start3A_573 = tpu.memref_slice %arg5[%multiple_of3A_537, %dma_start3A_572] : memref<20000x128xbf16, #tpu.memory_space<hbm>> -> memref<16x128xbf16, #tpu.memory_space<hbm>>
        %dma_start3A_574 = arith.constant 0 : i32
        %dma_start3A_575 = arith.constant 0 : i32
        %dma_start3A_576 = tpu.memref_slice %arg11[%dma_start3A_574, %dma_start3A_575] : memref<125x128xbf16, #tpu.memory_space<vmem>> -> memref<16x128xbf16, #tpu.memory_space<vmem>>
        tpu.enqueue_dma source(%dma_start3A_576 : memref<16x128xbf16, #tpu.memory_space<vmem>>) target(%dma_start3A_573 : memref<16x128xbf16, #tpu.memory_space<hbm>>) target_semaphore(%run_scoped3A : memref<!tpu.dma_semaphore, #tpu.memory_space<semaphore_mem>>)
        %dma_wait3A = arith.constant 0 : i32
        %dma_wait3A_577 = arith.constant 0 : i32
        %dma_wait3A_578 = tpu.memref_slice %arg11[%dma_wait3A, %dma_wait3A_577] : memref<125x128xbf16, #tpu.memory_space<vmem>> -> memref<16x128xbf16, #tpu.memory_space<vmem>>
        %dma_wait3A_579 = arith.constant 0 : i32
        %dma_wait3A_580 = tpu.memref_slice %arg5[%multiple_of3A_537, %dma_wait3A_579] : memref<20000x128xbf16, #tpu.memory_space<hbm>> -> memref<16x128xbf16, #tpu.memory_space<hbm>>
        %dma_wait3A_581 = arith.constant 0 : i32
        %dma_wait3A_582 = tpu.memref_slice %arg5[%multiple_of3A_537, %dma_wait3A_581] : memref<20000x128xbf16, #tpu.memory_space<hbm>> -> memref<16x128xbf16, #tpu.memory_space<hbm>>
        %dma_wait3A_583 = arith.constant 0 : i32
        %dma_wait3A_584 = arith.constant 0 : i32
        %dma_wait3A_585 = tpu.memref_slice %arg11[%dma_wait3A_583, %dma_wait3A_584] : memref<125x128xbf16, #tpu.memory_space<vmem>> -> memref<16x128xbf16, #tpu.memory_space<vmem>>
        tpu.wait_dma2 semaphore(%run_scoped3A : memref<!tpu.dma_semaphore, #tpu.memory_space<semaphore_mem>>) src(%dma_wait3A_585 : memref<16x128xbf16, #tpu.memory_space<vmem>>) dst(%dma_wait3A_582 : memref<16x128xbf16, #tpu.memory_space<hbm>>)
        tpu.yield
      }) : () -> ()
    } else {
    }
    %add3A_548 = arith.constant 96 : i32
    %add3A_549 = arith.addi %arg1, %add3A_548 : i32
    %mul3A_550 = arith.constant 96 : i32
    %mul3A_551 = arith.muli %add3A_549, %mul3A_550 : i32
    %multiple_of3A_552 = tpu.assume_multiple %mul3A_551, 16 : i32
    %mul3A_553 = arith.constant 10000 : i32
    %mul3A_554 = arith.muli %arg0, %mul3A_553 : i32
    %add3A_555 = arith.addi %mul3A_554, %multiple_of3A_552 : i32
    %multiple_of3A_556 = tpu.assume_multiple %add3A_555, 16 : i32
    %lt3A_557 = arith.constant 104 : i32
    %lt3A_558 = arith.cmpi slt, %add3A_549, %lt3A_557 : i32
    %convert_element_type3A_559 = arith.extui %lt3A_558 : i1 to i32
    %cond3A_560 = arith.constant 0 : i32
    %cond3A_561 = arith.cmpi ne, %convert_element_type3A_559, %cond3A_560 : i32
    scf.if %cond3A_561 {
      "tpu.region"() ({
        %run_scoped3A = tpu.sem_alloc : memref<!tpu.dma_semaphore, #tpu.memory_space<semaphore_mem>>
        %dma_start3A_567 = arith.constant 0 : i32
        %dma_start3A_568 = arith.constant 0 : i32
        %dma_start3A_569 = tpu.memref_slice %arg11[%dma_start3A_567, %dma_start3A_568] : memref<125x128xbf16, #tpu.memory_space<vmem>> -> memref<96x128xbf16, #tpu.memory_space<vmem>>
        %dma_start3A_570 = arith.constant 0 : i32
        %dma_start3A_571 = tpu.memref_slice %arg13[%multiple_of3A_552, %dma_start3A_570] : memref<10000x128xbf16, #tpu.memory_space<vmem_shared>> -> memref<96x128xbf16, #tpu.memory_space<vmem_shared>>
        %dma_start3A_572 = arith.constant 0 : i32
        %dma_start3A_573 = arith.constant 0 : i32
        %dma_start3A_574 = tpu.memref_slice %arg11[%dma_start3A_572, %dma_start3A_573] : memref<125x128xbf16, #tpu.memory_space<vmem>> -> memref<96x128xbf16, #tpu.memory_space<vmem>>
        %dma_start3A_575 = arith.constant 0 : i32
        %dma_start3A_576 = tpu.memref_slice %arg13[%multiple_of3A_552, %dma_start3A_575] : memref<10000x128xbf16, #tpu.memory_space<vmem_shared>> -> memref<96x128xbf16, #tpu.memory_space<vmem_shared>>
        tpu.enqueue_dma source(%dma_start3A_576 : memref<96x128xbf16, #tpu.memory_space<vmem_shared>>) target(%dma_start3A_574 : memref<96x128xbf16, #tpu.memory_space<vmem>>) target_semaphore(%run_scoped3A : memref<!tpu.dma_semaphore, #tpu.memory_space<semaphore_mem>>)
        %dma_wait3A = arith.constant 0 : i32
        %dma_wait3A_577 = arith.constant 0 : i32
        %dma_wait3A_578 = tpu.memref_slice %arg11[%dma_wait3A, %dma_wait3A_577] : memref<125x128xbf16, #tpu.memory_space<vmem>> -> memref<96x128xbf16, #tpu.memory_space<vmem>>
        %dma_wait3A_579 = arith.constant 0 : i32
        %dma_wait3A_580 = tpu.memref_slice %arg13[%multiple_of3A_552, %dma_wait3A_579] : memref<10000x128xbf16, #tpu.memory_space<vmem_shared>> -> memref<96x128xbf16, #tpu.memory_space<vmem_shared>>
        %dma_wait3A_581 = arith.constant 0 : i32
        %dma_wait3A_582 = arith.constant 0 : i32
        %dma_wait3A_583 = tpu.memref_slice %arg11[%dma_wait3A_581, %dma_wait3A_582] : memref<125x128xbf16, #tpu.memory_space<vmem>> -> memref<96x128xbf16, #tpu.memory_space<vmem>>
        %dma_wait3A_584 = arith.constant 0 : i32
        %dma_wait3A_585 = tpu.memref_slice %arg13[%multiple_of3A_552, %dma_wait3A_584] : memref<10000x128xbf16, #tpu.memory_space<vmem_shared>> -> memref<96x128xbf16, #tpu.memory_space<vmem_shared>>
        tpu.wait_dma2 semaphore(%run_scoped3A : memref<!tpu.dma_semaphore, #tpu.memory_space<semaphore_mem>>) src(%dma_wait3A_585 : memref<96x128xbf16, #tpu.memory_space<vmem_shared>>) dst(%dma_wait3A_583 : memref<96x128xbf16, #tpu.memory_space<vmem>>)
        tpu.yield
      }) : () -> ()
      "tpu.region"() ({
        %run_scoped3A = tpu.sem_alloc : memref<!tpu.dma_semaphore, #tpu.memory_space<semaphore_mem>>
        %dma_start3A_567 = arith.constant 0 : i32
        %dma_start3A_568 = arith.constant 0 : i32
        %dma_start3A_569 = tpu.memref_slice %arg11[%dma_start3A_567, %dma_start3A_568] : memref<125x128xbf16, #tpu.memory_space<vmem>> -> memref<96x128xbf16, #tpu.memory_space<vmem>>
        %dma_start3A_570 = arith.constant 0 : i32
        %dma_start3A_571 = tpu.memref_slice %arg5[%multiple_of3A_556, %dma_start3A_570] : memref<20000x128xbf16, #tpu.memory_space<hbm>> -> memref<96x128xbf16, #tpu.memory_space<hbm>>
        %dma_start3A_572 = arith.constant 0 : i32
        %dma_start3A_573 = tpu.memref_slice %arg5[%multiple_of3A_556, %dma_start3A_572] : memref<20000x128xbf16, #tpu.memory_space<hbm>> -> memref<96x128xbf16, #tpu.memory_space<hbm>>
        %dma_start3A_574 = arith.constant 0 : i32
        %dma_start3A_575 = arith.constant 0 : i32
        %dma_start3A_576 = tpu.memref_slice %arg11[%dma_start3A_574, %dma_start3A_575] : memref<125x128xbf16, #tpu.memory_space<vmem>> -> memref<96x128xbf16, #tpu.memory_space<vmem>>
        tpu.enqueue_dma source(%dma_start3A_576 : memref<96x128xbf16, #tpu.memory_space<vmem>>) target(%dma_start3A_573 : memref<96x128xbf16, #tpu.memory_space<hbm>>) target_semaphore(%run_scoped3A : memref<!tpu.dma_semaphore, #tpu.memory_space<semaphore_mem>>)
        %dma_wait3A = arith.constant 0 : i32
        %dma_wait3A_577 = arith.constant 0 : i32
        %dma_wait3A_578 = tpu.memref_slice %arg11[%dma_wait3A, %dma_wait3A_577] : memref<125x128xbf16, #tpu.memory_space<vmem>> -> memref<96x128xbf16, #tpu.memory_space<vmem>>
        %dma_wait3A_579 = arith.constant 0 : i32
        %dma_wait3A_580 = tpu.memref_slice %arg5[%multiple_of3A_556, %dma_wait3A_579] : memref<20000x128xbf16, #tpu.memory_space<hbm>> -> memref<96x128xbf16, #tpu.memory_space<hbm>>
        %dma_wait3A_581 = arith.constant 0 : i32
        %dma_wait3A_582 = tpu.memref_slice %arg5[%multiple_of3A_556, %dma_wait3A_581] : memref<20000x128xbf16, #tpu.memory_space<hbm>> -> memref<96x128xbf16, #tpu.memory_space<hbm>>
        %dma_wait3A_583 = arith.constant 0 : i32
        %dma_wait3A_584 = arith.constant 0 : i32
        %dma_wait3A_585 = tpu.memref_slice %arg11[%dma_wait3A_583, %dma_wait3A_584] : memref<125x128xbf16, #tpu.memory_space<vmem>> -> memref<96x128xbf16, #tpu.memory_space<vmem>>
        tpu.wait_dma2 semaphore(%run_scoped3A : memref<!tpu.dma_semaphore, #tpu.memory_space<semaphore_mem>>) src(%dma_wait3A_585 : memref<96x128xbf16, #tpu.memory_space<vmem>>) dst(%dma_wait3A_582 : memref<96x128xbf16, #tpu.memory_space<hbm>>)
        tpu.yield
      }) : () -> ()
    } else {
    }
    %eq3A_562 = arith.constant 104 : i32
    %eq3A_563 = arith.cmpi eq, %add3A_549, %eq3A_562 : i32
    %convert_element_type3A_564 = arith.extui %eq3A_563 : i1 to i32
    %cond3A_565 = arith.constant 0 : i32
    %cond3A_566 = arith.cmpi ne, %convert_element_type3A_564, %cond3A_565 : i32
    scf.if %cond3A_566 {
      "tpu.region"() ({
        %run_scoped3A = tpu.sem_alloc : memref<!tpu.dma_semaphore, #tpu.memory_space<semaphore_mem>>
        %dma_start3A_567 = arith.constant 0 : i32
        %dma_start3A_568 = arith.constant 0 : i32
        %dma_start3A_569 = tpu.memref_slice %arg11[%dma_start3A_567, %dma_start3A_568] : memref<125x128xbf16, #tpu.memory_space<vmem>> -> memref<16x128xbf16, #tpu.memory_space<vmem>>
        %dma_start3A_570 = arith.constant 0 : i32
        %dma_start3A_571 = tpu.memref_slice %arg13[%multiple_of3A_552, %dma_start3A_570] : memref<10000x128xbf16, #tpu.memory_space<vmem_shared>> -> memref<16x128xbf16, #tpu.memory_space<vmem_shared>>
        %dma_start3A_572 = arith.constant 0 : i32
        %dma_start3A_573 = arith.constant 0 : i32
        %dma_start3A_574 = tpu.memref_slice %arg11[%dma_start3A_572, %dma_start3A_573] : memref<125x128xbf16, #tpu.memory_space<vmem>> -> memref<16x128xbf16, #tpu.memory_space<vmem>>
        %dma_start3A_575 = arith.constant 0 : i32
        %dma_start3A_576 = tpu.memref_slice %arg13[%multiple_of3A_552, %dma_start3A_575] : memref<10000x128xbf16, #tpu.memory_space<vmem_shared>> -> memref<16x128xbf16, #tpu.memory_space<vmem_shared>>
        tpu.enqueue_dma source(%dma_start3A_576 : memref<16x128xbf16, #tpu.memory_space<vmem_shared>>) target(%dma_start3A_574 : memref<16x128xbf16, #tpu.memory_space<vmem>>) target_semaphore(%run_scoped3A : memref<!tpu.dma_semaphore, #tpu.memory_space<semaphore_mem>>)
        %dma_wait3A = arith.constant 0 : i32
        %dma_wait3A_577 = arith.constant 0 : i32
        %dma_wait3A_578 = tpu.memref_slice %arg11[%dma_wait3A, %dma_wait3A_577] : memref<125x128xbf16, #tpu.memory_space<vmem>> -> memref<16x128xbf16, #tpu.memory_space<vmem>>
        %dma_wait3A_579 = arith.constant 0 : i32
        %dma_wait3A_580 = tpu.memref_slice %arg13[%multiple_of3A_552, %dma_wait3A_579] : memref<10000x128xbf16, #tpu.memory_space<vmem_shared>> -> memref<16x128xbf16, #tpu.memory_space<vmem_shared>>
        %dma_wait3A_581 = arith.constant 0 : i32
        %dma_wait3A_582 = arith.constant 0 : i32
        %dma_wait3A_583 = tpu.memref_slice %arg11[%dma_wait3A_581, %dma_wait3A_582] : memref<125x128xbf16, #tpu.memory_space<vmem>> -> memref<16x128xbf16, #tpu.memory_space<vmem>>
        %dma_wait3A_584 = arith.constant 0 : i32
        %dma_wait3A_585 = tpu.memref_slice %arg13[%multiple_of3A_552, %dma_wait3A_584] : memref<10000x128xbf16, #tpu.memory_space<vmem_shared>> -> memref<16x128xbf16, #tpu.memory_space<vmem_shared>>
        tpu.wait_dma2 semaphore(%run_scoped3A : memref<!tpu.dma_semaphore, #tpu.memory_space<semaphore_mem>>) src(%dma_wait3A_585 : memref<16x128xbf16, #tpu.memory_space<vmem_shared>>) dst(%dma_wait3A_583 : memref<16x128xbf16, #tpu.memory_space<vmem>>)
        tpu.yield
      }) : () -> ()
      "tpu.region"() ({
        %run_scoped3A = tpu.sem_alloc : memref<!tpu.dma_semaphore, #tpu.memory_space<semaphore_mem>>
        %dma_start3A_567 = arith.constant 0 : i32
        %dma_start3A_568 = arith.constant 0 : i32
        %dma_start3A_569 = tpu.memref_slice %arg11[%dma_start3A_567, %dma_start3A_568] : memref<125x128xbf16, #tpu.memory_space<vmem>> -> memref<16x128xbf16, #tpu.memory_space<vmem>>
        %dma_start3A_570 = arith.constant 0 : i32
        %dma_start3A_571 = tpu.memref_slice %arg5[%multiple_of3A_556, %dma_start3A_570] : memref<20000x128xbf16, #tpu.memory_space<hbm>> -> memref<16x128xbf16, #tpu.memory_space<hbm>>
        %dma_start3A_572 = arith.constant 0 : i32
        %dma_start3A_573 = tpu.memref_slice %arg5[%multiple_of3A_556, %dma_start3A_572] : memref<20000x128xbf16, #tpu.memory_space<hbm>> -> memref<16x128xbf16, #tpu.memory_space<hbm>>
        %dma_start3A_574 = arith.constant 0 : i32
        %dma_start3A_575 = arith.constant 0 : i32
        %dma_start3A_576 = tpu.memref_slice %arg11[%dma_start3A_574, %dma_start3A_575] : memref<125x128xbf16, #tpu.memory_space<vmem>> -> memref<16x128xbf16, #tpu.memory_space<vmem>>
        tpu.enqueue_dma source(%dma_start3A_576 : memref<16x128xbf16, #tpu.memory_space<vmem>>) target(%dma_start3A_573 : memref<16x128xbf16, #tpu.memory_space<hbm>>) target_semaphore(%run_scoped3A : memref<!tpu.dma_semaphore, #tpu.memory_space<semaphore_mem>>)
        %dma_wait3A = arith.constant 0 : i32
        %dma_wait3A_577 = arith.constant 0 : i32
        %dma_wait3A_578 = tpu.memref_slice %arg11[%dma_wait3A, %dma_wait3A_577] : memref<125x128xbf16, #tpu.memory_space<vmem>> -> memref<16x128xbf16, #tpu.memory_space<vmem>>
        %dma_wait3A_579 = arith.constant 0 : i32
        %dma_wait3A_580 = tpu.memref_slice %arg5[%multiple_of3A_556, %dma_wait3A_579] : memref<20000x128xbf16, #tpu.memory_space<hbm>> -> memref<16x128xbf16, #tpu.memory_space<hbm>>
        %dma_wait3A_581 = arith.constant 0 : i32
        %dma_wait3A_582 = tpu.memref_slice %arg5[%multiple_of3A_556, %dma_wait3A_581] : memref<20000x128xbf16, #tpu.memory_space<hbm>> -> memref<16x128xbf16, #tpu.memory_space<hbm>>
        %dma_wait3A_583 = arith.constant 0 : i32
        %dma_wait3A_584 = arith.constant 0 : i32
        %dma_wait3A_585 = tpu.memref_slice %arg11[%dma_wait3A_583, %dma_wait3A_584] : memref<125x128xbf16, #tpu.memory_space<vmem>> -> memref<16x128xbf16, #tpu.memory_space<vmem>>
        tpu.wait_dma2 semaphore(%run_scoped3A : memref<!tpu.dma_semaphore, #tpu.memory_space<semaphore_mem>>) src(%dma_wait3A_585 : memref<16x128xbf16, #tpu.memory_space<vmem>>) dst(%dma_wait3A_582 : memref<16x128xbf16, #tpu.memory_space<hbm>>)
        tpu.yield
      }) : () -> ()
    } else {
    }
    return
  }
}

module attributes {stable_mosaic.version = 14 : i64} {
  func.func @_pack_body(%arg0: i32, %arg1: memref<2x320000xi32, #tpu.memory_space<vmem>>, %arg2: memref<320000xi32, #tpu.memory_space<vmem>>) attributes {dimension_semantics = [#tpu.dimension_semantics<arbitrary>], iteration_bounds = array<i64: 1>, scalar_prefetch = 0 : i64, scratch_operands = 0 : i64, tpu.core_type = #tpu.core_type<tc>, window_params = [{pipeline_mode = #tpu.pipeline_mode<synchronous>, transform_indices = @transform_0, window_bounds = array<i64: 2, 320000>}, {pipeline_mode = #tpu.pipeline_mode<synchronous>, transform_indices = @transform_1, window_bounds = array<i64: 320000>}]} {
    %get3A = arith.constant 0 : index
    %get3A_0 = arith.constant 0 : index
    %get3A_1 = vector.load %arg1[%get3A, %get3A_0] : memref<2x320000xi32, #tpu.memory_space<vmem>>, vector<1x320000xi32>
    %get3A_2 = vector.shape_cast %get3A_1 : vector<1x320000xi32> to vector<320000xi32>
    %shift_left3A = arith.constant 16 : i32
    %shift_left3A_3 = vector.broadcast %shift_left3A : i32 to vector<320000xi32>
    %shift_left3A_4 = arith.shli %get3A_2, %shift_left3A_3 : vector<320000xi32>
    %get3A_5 = arith.constant 1 : index
    %get3A_6 = arith.constant 0 : index
    %get3A_7 = vector.load %arg1[%get3A_5, %get3A_6] : memref<2x320000xi32, #tpu.memory_space<vmem>>, vector<1x320000xi32>
    %get3A_8 = vector.shape_cast %get3A_7 : vector<1x320000xi32> to vector<320000xi32>
    %or3A = arith.ori %shift_left3A_4, %get3A_8 : vector<320000xi32>
    %swap3A = arith.constant 0 : index
    %swap3A_9 = vector.load %arg2[%swap3A] : memref<320000xi32, #tpu.memory_space<vmem>>, vector<320000xi32>
    tpu.vector_store %arg2[%swap3A], %or3A {strides = array<i32>} : memref<320000xi32, #tpu.memory_space<vmem>>, vector<320000xi32>,
    return
  }
  func.func @transform_0(%arg0: i32) -> (i32, i32) {
    %c0_i32 = arith.constant 0 : i32
    %c0_i32_0 = arith.constant 0 : i32
    %c0_i32_1 = arith.constant 0 : i32
    return %c0_i32, %c0_i32_0 : i32, i32
  }
  func.func @transform_1(%arg0: i32) -> i32 {
    %c0_i32 = arith.constant 0 : i32
    %c0_i32_0 = arith.constant 0 : i32
    return %c0_i32 : i32
  }
}

module attributes {stable_mosaic.version = 14 : i64} {
  func.func @_self_body(%arg0: i32, %arg1: memref<1000x128xf32, #tpu.memory_space<vmem>>, %arg2: memref<128x128xf32, #tpu.memory_space<vmem>>, %arg3: memref<1x128xf32, #tpu.memory_space<vmem>>, %arg4: memref<1000x128xf32, #tpu.memory_space<vmem>>) attributes {dimension_semantics = [#tpu.dimension_semantics<arbitrary>], iteration_bounds = array<i64: 10>, scalar_prefetch = 0 : i64, scratch_operands = 0 : i64, tpu.core_type = #tpu.core_type<tc>, window_params = [{transform_indices = @transform_0, window_bounds = array<i64: 1000, 128>}, {pipeline_mode = #tpu.pipeline_mode<synchronous>, transform_indices = @transform_1, window_bounds = array<i64: 128, 128>}, {pipeline_mode = #tpu.pipeline_mode<synchronous>, transform_indices = @transform_2, window_bounds = array<i64: 1, 128>}, {transform_indices = @transform_3, window_bounds = array<i64: 1000, 128>}]} {
    %get3A = arith.constant 0 : index
    %get3A_0 = arith.constant 0 : index
    %get3A_1 = vector.load %arg1[%get3A, %get3A_0] : memref<1000x128xf32, #tpu.memory_space<vmem>>, vector<1000x128xf32>
    %get3A_2 = arith.constant 0 : index
    %get3A_3 = arith.constant 0 : index
    %get3A_4 = vector.load %arg2[%get3A_2, %get3A_3] : memref<128x128xf32, #tpu.memory_space<vmem>>, vector<128x128xf32>
    %dot_general3A = arith.constant dense<0.000000e+00> : vector<1000x128xf32>
    %dot_general3A_5 = tpu.matmul %get3A_1, %get3A_4, %dot_general3A {dimension_numbers = #tpu.dot_dimension_numbers<[1], [0], [0], [1], [0, 0, 1, 1], [], []>, transpose_lhs_hint = false} : vector<1000x128xf32>, vector<128x128xf32>, vector<1000x128xf32> -> vector<1000x128xf32>
    %get3A_6 = arith.constant 0 : index
    %get3A_7 = arith.constant 0 : index
    %get3A_8 = vector.load %arg3[%get3A_6, %get3A_7] : memref<1x128xf32, #tpu.memory_space<vmem>>, vector<1x128xf32>
    %add3A = vector.broadcast %get3A_8 : vector<1x128xf32> to vector<1000x128xf32>
    %add3A_9 = arith.addf %dot_general3A_5, %add3A : vector<1000x128xf32>
    %swap3A = arith.constant 0 : index
    %swap3A_10 = arith.constant 0 : index
    %swap3A_11 = vector.load %arg4[%swap3A, %swap3A_10] : memref<1000x128xf32, #tpu.memory_space<vmem>>, vector<1000x128xf32>
    tpu.vector_store %arg4[%swap3A, %swap3A_10], %add3A_9 {strides = array<i32>} : memref<1000x128xf32, #tpu.memory_space<vmem>>, vector<1000x128xf32>,
    return
  }
  func.func @transform_0(%arg0: i32) -> (i32, i32) {
    %c0_i32 = arith.constant 0 : i32
    %c0_i32_0 = arith.constant 0 : i32
    return %arg0, %c0_i32 : i32, i32
  }
  func.func @transform_1(%arg0: i32) -> (i32, i32) {
    %c0_i32 = arith.constant 0 : i32
    %c0_i32_0 = arith.constant 0 : i32
    %c0_i32_1 = arith.constant 0 : i32
    return %c0_i32, %c0_i32_0 : i32, i32
  }
  func.func @transform_2(%arg0: i32) -> (i32, i32) {
    %c0_i32 = arith.constant 0 : i32
    %c0_i32_0 = arith.constant 0 : i32
    %c0_i32_1 = arith.constant 0 : i32
    return %c0_i32, %c0_i32_0 : i32, i32
  }
  func.func @transform_3(%arg0: i32) -> (i32, i32) {
    %c0_i32 = arith.constant 0 : i32
    %c0_i32_0 = arith.constant 0 : i32
    return %arg0, %c0_i32 : i32, i32
  }
}

module attributes {stable_mosaic.version = 14 : i64} {
  func.func @_final_body(%arg0: i32, %arg1: memref<1000x128xf32, #tpu.memory_space<vmem>>, %arg2: memref<2x1000x128xbf16, #tpu.memory_space<vmem>>, %arg3: memref<128x128xf32, #tpu.memory_space<vmem>>, %arg4: memref<1000x128xf32, #tpu.memory_space<vmem>>) attributes {dimension_semantics = [#tpu.dimension_semantics<arbitrary>], iteration_bounds = array<i64: 10>, scalar_prefetch = 0 : i64, scratch_operands = 0 : i64, tpu.core_type = #tpu.core_type<tc>, window_params = [{transform_indices = @transform_0, window_bounds = array<i64: 1000, 128>}, {transform_indices = @transform_1, window_bounds = array<i64: 2, 1000, 128>}, {pipeline_mode = #tpu.pipeline_mode<synchronous>, transform_indices = @transform_2, window_bounds = array<i64: 128, 128>}, {transform_indices = @transform_3, window_bounds = array<i64: 1000, 128>}]} {
    %get3A = arith.constant 0 : index
    %get3A_0 = arith.constant 0 : index
    %get3A_1 = arith.constant 0 : index
    %get3A_2 = vector.load %arg2[%get3A, %get3A_0, %get3A_1] : memref<2x1000x128xbf16, #tpu.memory_space<vmem>>, vector<1x1000x128xbf16>
    %get3A_3 = vector.shape_cast %get3A_2 : vector<1x1000x128xbf16> to vector<1000x128xbf16>
    %convert_element_type3A = arith.extf %get3A_3 : vector<1000x128xbf16> to vector<1000x128xf32>
    %get3A_4 = arith.constant 1 : index
    %get3A_5 = arith.constant 0 : index
    %get3A_6 = arith.constant 0 : index
    %get3A_7 = vector.load %arg2[%get3A_4, %get3A_5, %get3A_6] : memref<2x1000x128xbf16, #tpu.memory_space<vmem>>, vector<1x1000x128xbf16>
    %get3A_8 = vector.shape_cast %get3A_7 : vector<1x1000x128xbf16> to vector<1000x128xbf16>
    %convert_element_type3A_9 = arith.extf %get3A_8 : vector<1000x128xbf16> to vector<1000x128xf32>
    %add3A = arith.addf %convert_element_type3A, %convert_element_type3A_9 : vector<1000x128xf32>
    %get3A_10 = arith.constant 0 : index
    %get3A_11 = arith.constant 0 : index
    %get3A_12 = vector.load %arg1[%get3A_10, %get3A_11] : memref<1000x128xf32, #tpu.memory_space<vmem>>, vector<1000x128xf32>
    %get3A_13 = arith.constant 0 : index
    %get3A_14 = arith.constant 0 : index
    %get3A_15 = vector.load %arg3[%get3A_13, %get3A_14] : memref<128x128xf32, #tpu.memory_space<vmem>>, vector<128x128xf32>
    %dot_general3A = arith.constant dense<0.000000e+00> : vector<1000x128xf32>
    %dot_general3A_16 = tpu.matmul %add3A, %get3A_15, %dot_general3A {dimension_numbers = #tpu.dot_dimension_numbers<[1], [0], [0], [1], [0, 0, 1, 1], [], []>, transpose_lhs_hint = false} : vector<1000x128xf32>, vector<128x128xf32>, vector<1000x128xf32> -> vector<1000x128xf32>
    %add3A_17 = arith.addf %get3A_12, %dot_general3A_16 : vector<1000x128xf32>
    %max3A = arith.constant 0.000000e+00 : f32
    %max3A_18 = vector.broadcast %max3A : f32 to vector<1000x128xf32>
    %max3A_19 = arith.maximumf %add3A_17, %max3A_18 : vector<1000x128xf32>
    %swap3A = arith.constant 0 : index
    %swap3A_20 = arith.constant 0 : index
    %swap3A_21 = vector.load %arg4[%swap3A, %swap3A_20] : memref<1000x128xf32, #tpu.memory_space<vmem>>, vector<1000x128xf32>
    tpu.vector_store %arg4[%swap3A, %swap3A_20], %max3A_19 {strides = array<i32>} : memref<1000x128xf32, #tpu.memory_space<vmem>>, vector<1000x128xf32>,
    return
  }
  func.func @transform_0(%arg0: i32) -> (i32, i32) {
    %c0_i32 = arith.constant 0 : i32
    %c0_i32_0 = arith.constant 0 : i32
    return %arg0, %c0_i32 : i32, i32
  }
  func.func @transform_1(%arg0: i32) -> (i32, i32, i32) {
    %c0_i32 = arith.constant 0 : i32
    %c0_i32_0 = arith.constant 0 : i32
    %c0_i32_1 = arith.constant 0 : i32
    return %c0_i32, %arg0, %c0_i32_0 : i32, i32, i32
  }
  func.func @transform_2(%arg0: i32) -> (i32, i32) {
    %c0_i32 = arith.constant 0 : i32
    %c0_i32_0 = arith.constant 0 : i32
    %c0_i32_1 = arith.constant 0 : i32
    return %c0_i32, %c0_i32_0 : i32, i32
  }
  func.func @transform_3(%arg0: i32) -> (i32, i32) {
    %c0_i32 = arith.constant 0 : i32
    %c0_i32_0 = arith.constant 0 : i32
    return %arg0, %c0_i32 : i32, i32
  }
}

</mosaic_0001>

<sc_bundles>
// kernel: kernel.6.cloned.1.call-start
scs
__scs_entry_jumppad:
0x0: {  	(pc) =	sbr.rel $0x88, $3  }
0x1: {  	(tag) =	ssettag $0x0;
	lr =	simm.s32 $0x1  }
0x2: {  	[smem:$0x3F9C] =	sst lr;
	_ =	strace $0xD0000000  }
0x3: {  	_ = 	snop  }
0x4: {  	_ = 	snop  }
0x5: {  	_ = 	snop  }
0x6: {  	_ = 	snop  }
0x7: {  	_ = 	snop  }
__scs_overlays_trampoline_lowered:
0x8: {  	[smem:$0x3FAB] =	sst s0  }
0x9: {  	[smem:$0x3FAC] =	sst s1  }
0xa: {  	[smem:$0x3FAD] =	sst s2  }
0xb: {  	[smem:$0x3FAE] =	sst s3  }
0xc: {  	[smem:$0x3FAF] =	sst s4  }
0xd: {  	[smem:$0x3FB0] =	sst s5  }
0xe: {  	[smem:$0x3FB1] =	sst s6  }
0xf: {  	[smem:$0x3FB2] =	sst s7  }
0x10: {  	[smem:$0x3FB3] =	sst s8  }
0x11: {  	[smem:$0x3FB4] =	sst s9;
	s0 =	simm.s32 @!p0 $0x0  }
0x12: {  	s1 =	sld [smem:$0x3F9A];
	s0 =	simm.s32 @p0 $0x1  }
0x13: {  	[smem:$0x3FB5] =	sst s0;
	s0 =	simm.s32 @!p1 $0x0  }
0x14: {  	s2 =	sld [smem:$0x3F99];
	s0 =	simm.s32 @p1 $0x1  }
0x15: {  	[smem:$0x3FB6] =	sst s0;
	s0 =	simm.s32 @!p2 $0x0  }
0x16: {  	s3 =	sld [smem:$0x3FDB];
	s0 =	simm.s32 @p2 $0x1  }
0x17: {  	s4 =	simm.s32 $0x1BF5;
	[smem:$0x3FB8] =	sst s0  }
0x18: {  	s0 =	sld [smem:$0x3F9B];
	_ =	swait.ge [sflag:s4], $0x0  }
0x19: {  	s7 =	sld [smem:$0x3F9C]  }
0x1a: {  	s8 =	sadd.s32 $0xFFFFE003, lr  }
0x1b: {  	s9 =	sadd.s32 $0xFFFFFEF7, lr;
	s5 =	simm.s32 $0xFFFFFFFF;
	p2 =	slt.u32 s8, $0xFFFFF086  }
0x1c: {  	p1 =	slt.u32 s9, $0xF7A;
	s5 =	simm.s32 @!p2 $0x0  }
0x1d: {  	s5 =	simm.s32 @p1 $0x1;
	p0 =	seq.s32 s7, s2  }
0x1e: {  	s7 =	smul.u32 @!p0 $0xF7A, s2;
	p2 =	seq.s32 @!p0 s5, $0x0  }
0x1f: {  	s9 =	smul.u32 $0xF7A, s1;
	s8 =	simm.s32 @!p0 $0x1BF5;
	p2 =	por !p2, p0  }
0x20: {  	[sflag:s8] =	ssyncset.s32 @!p0 $0xFFFFF086;
	s6 =	sadd.s32 @!p0 s3, s7;
	s7 =	simm.s32 @!p0 $0x108  }
0x21: {  	s3 =	sadd.s32 s3, s9;
	s6 =	sadd.s32 @!p0 $0x88, s6;
	s7 =	simm.s32 @p2 $0x1082  }
0x22: {  	[simem:s7], [sflag:s8] =	dma.local @!p0 [hbm:s6], $0xF7A  }
0x23: {  	s9 =	sor.u32 $0xD0000000, s2;
	s6 =	simm.s32 $0x108;
	_ =	swait.ge @!p0 [sflag:s8], $0x0  }
0x24: {  	s3 =	sadd.s32 $0x88, s3;
	s6 =	simm.s32 @!p1 $0x1082;
	[sflag:s4] =	ssyncset.s32 $0xFFFFF086  }
0x25: {  	[simem:s6], [sflag:s4] =	dma.local [hbm:s3], $0xF7A  }
0x26: {  	[smem:$0x3F9C] =	sst s1;
	(tag) =	ssettag s2;
	_ =	strace s9  }
0x27: {  	s1 =	sld [smem:$0x3FAC]  }
0x28: {  	s2 =	sld [smem:$0x3FAD]  }
0x29: {  	s4 =	sld [smem:$0x3FAF]  }
0x2a: {  	p0 =	seq.s32 s5, $0x0;
	s5 =	sld [smem:$0x3FB0]  }
0x2b: {  	s6 =	sld [smem:$0x3FB1]  }
0x2c: {  	s7 =	sld [smem:$0x3FB2]  }
0x2d: {  	s3 =	simm.s32 $0x108;
	s8 =	sld [smem:$0x3FB3]  }
0x2e: {  	s3 =	simm.s32 @!p0 $0x1082;
	s9 =	sld [smem:$0x3FB4]  }
0x2f: {  	lr =	sadd.s32 s0, s3;
	s0 =	sld [smem:$0x3FAB]  }
0x30: {  	s3 =	sld [smem:$0x3FAE]  }
0x31: {  	[smem:$0x3FB7] =	sst s10  }
0x32: {  	s10 =	sld [smem:$0x3FB5];
	_ =	sdelay $0x3  }
0x33: {  	p0 =	seq.s32 s10, $0x1;
	s10 =	sld [smem:$0x3FB7];
	_ =	sdelay $0x3  }
0x34: {  	[smem:$0x3FB7] =	sst s10  }
0x35: {  	s10 =	sld [smem:$0x3FB6];
	_ =	sdelay $0x3  }
0x36: {  	p1 =	seq.s32 s10, $0x1;
	s10 =	sld [smem:$0x3FB7];
	_ =	sdelay $0x3  }
0x37: {  	[smem:$0x3FB7] =	sst s10  }
0x38: {  	s10 =	sld [smem:$0x3FB8]  }
0x39: {  	_ = 	snop;
	(pc) =	sbr.ind lr, $3  }
0x3a: {  	_ = 	snop  }
0x3b: {  	_ = 	snop  }
0x3c: {  	p2 =	seq.s32 s10, $0x1;
	s10 =	sld [smem:$0x3FB7]  }
0x3d: {  	_ =	shalt  }
0x3e: {  	_ =	shalt  }
0x3f: {  	_ =	shalt  }
0x40: {  	_ =	shalt  }
0x41: {  	_ =	shalt  }
0x42: {  	_ =	shalt  }
0x43: {  	_ =	shalt  }
0x44: {  	_ =	shalt  }
0x45: {  	_ =	shalt  }
0x46: {  	_ =	shalt  }
0x47: {  	_ =	shalt  }
0x48: {  	_ =	shalt  }
0x49: {  	_ =	shalt  }
0x4a: {  	_ =	shalt  }
0x4b: {  	_ =	shalt  }
0x4c: {  	_ =	shalt  }
0x4d: {  	_ =	shalt  }
0x4e: {  	_ =	shalt  }
0x4f: {  	_ =	shalt  }
0x50: {  	_ =	shalt  }
0x51: {  	_ =	shalt  }
0x52: {  	_ =	shalt  }
0x53: {  	_ =	shalt  }
0x54: {  	_ =	shalt  }
0x55: {  	_ =	shalt  }
0x56: {  	_ =	shalt  }
0x57: {  	_ =	shalt  }
0x58: {  	_ =	shalt  }
0x59: {  	_ =	shalt  }
0x5a: {  	_ =	shalt  }
0x5b: {  	_ =	shalt  }
0x5c: {  	_ =	shalt  }
0x5d: {  	_ =	shalt  }
0x5e: {  	_ =	shalt  }
0x5f: {  	_ =	shalt  }
0x60: {  	_ =	shalt  }
0x61: {  	_ =	shalt  }
0x62: {  	_ =	shalt  }
0x63: {  	_ =	shalt  }
0x64: {  	_ =	shalt  }
0x65: {  	_ =	shalt  }
0x66: {  	_ =	shalt  }
0x67: {  	_ =	shalt  }
0x68: {  	_ =	shalt  }
0x69: {  	_ =	shalt  }
0x6a: {  	_ =	shalt  }
0x6b: {  	_ =	shalt  }
0x6c: {  	_ =	shalt  }
0x6d: {  	_ =	shalt  }
0x6e: {  	_ =	shalt  }
0x6f: {  	_ =	shalt  }
0x70: {  	_ =	shalt  }
0x71: {  	_ =	shalt  }
0x72: {  	_ =	shalt  }
0x73: {  	_ =	shalt  }
0x74: {  	_ =	shalt  }
0x75: {  	_ =	shalt  }
0x76: {  	_ =	shalt  }
0x77: {  	_ =	shalt  }
0x78: {  	_ =	shalt  }
0x79: {  	_ =	shalt  }
0x7a: {  	_ =	shalt  }
0x7b: {  	_ =	shalt  }
0x7c: {  	_ =	shalt  }
0x7d: {  	_ =	shalt  }
0x7e: {  	_ =	shalt  }
0x7f: {  	_ =	shalt  }
0x80: {  	_ =	shalt  }
0x81: {  	_ =	shalt  }
0x82: {  	_ =	shalt  }
0x83: {  	_ =	shalt  }
0x84: {  	_ =	shalt  }
0x85: {  	_ =	shalt  }
0x86: {  	_ =	shalt  }
0x87: {  	_ =	shalt  }
.Lfunc_end0:
.L_simem_size_0:
called_computation_lowered:
.L_overlay_start_0:
0x88: {  	s2 =	sld [smem:$0x3FD9]  }
0x89: {  	s3 =	sld [smem:$0x3FFE];
	_ =	sdelay $0x1  }
0x8a: {  	s1 =	srdreg.scid  }
0x8b: {  	s0 =	sand.u32 $0x1, s1  }
0x8c: {  	s17 =	sshll.u32 s0, $0xA;
	s2 =	sadd.s32 s3, s2  }
0x8d: {  	s2 =	sadd.s32 s2, s17  }
0x8e: {  	[smem:$0x3FC3] =	sst s2  }
0x8f: {  	_ = 	snop  }
0x90: {  	s2 =	sld [smem:$0x3FD0];
	(tm) =	ssettm $0x1  }
0x91: {  	s18 =	sld [smem:$0x3FFB];
	_ =	sdelay $0x3  }
0x92: {  	_ =	strace s18  }
0x93: {  	s3 =	sld [smem:$0x3FFC];
	_ =	sdelay $0x3  }
0x94: {  	_ =	strace s3  }
0x95: {  	s3 =	sld [smem:$0x3FFD];
	_ =	sdelay $0x3  }
0x96: {  	_ =	strace s3  }
0x97: {  	_ =	strace $0x8FFFFFFF  }
0x98: {  	s19 =	sld [smem:$0x3FDB];
	_ =	sdelay $0x1  }
0x99: {  	s4 =	simm.s32 $_scs_section_size  }
0x9a: {  	s5 =	simm.s32 $_size__tile_overlayer_lowered;
	s6 =	simm.s32 $_tile_overlayer_lowered  }
0x9b: {  	s22 =	simm.s32 $0x1BFF;
	s21 =	sshll.u32 s6, $0x1;
	s3 =	sadd.s32 s4, s19  }
0x9c: {  	s7 =	simm.s32 $0x0;
	s20 =	sshll.u32 s5, $0x1;
	s5 =	sadd.s32 s21, s3  }
0x9d: {  	[timem:s7], [sflag:s22] =	dma.local [hbm:s5], s20  }
0x9e: {  	_ =	swait.ge [sflag:s22], s20  }
0x9f: {  	s4 =	ssub.s32 $0x0, s20;
	[sflag:s22] =	ssyncset.done $0x0  }
0xa0: {  	[sflag:s22] =	ssyncadd.s32 s4;
	_ =	sdelay $0x1  }
0xa1: {  	s23 =	simm.s32 $0x1B8B  }
0xa2: {  	_ =	swait.ge [sflag:s23], $0x1  }
0xa3: {  	[sflag:s23] =	ssyncset.done $0x0  }
0xa4: {  	s25 =	simm.s32 $0x1B8E;
	s24 =	sld [smem:$0x3FFE];
	[sflag:s23] =	ssyncadd.s32 $0xFFFFFFFF  }
0xa5: {  	s26 =	simm.s32 $execute0_lowered;
	[smem:$0x3FD2] =	sst s25  }
0xa6: {  	s5 =	sshll.u32 s26, $0x1;
	_ =	strace $0x80000046;
	[dreg:$0x1] =	wrdreg $0xFFFFFFFF  }
0xa7: {  	s28 =	simm.s32 $_size_execute0_lowered;
	s3 =	sadd.s32 s3, s5;
	[dreg:$0x0] =	wrdreg $0x0  }
0xa8: {  	s5 =	sshll.u32 s28, $0x1;
	[dreg:$0x2] =	wrdreg s3  }
0xa9: {  	[dreg:$0x3] =	wrdreg s5  }
0xaa: {  	[dreg:$0x4] =	wrdreg $0xC0  }
0xab: {  	_ =	task [dreg:s7], $0x5FFFF  }
0xac: {  	[dreg:$0x1] =	wrdreg $0xFFFFFFFF  }
0xad: {  	[dreg:$0x0] =	wrdreg $0x60  }
0xae: {  	[dreg:$0x2] =	wrdreg s24  }
0xaf: {  	[dreg:$0x3] =	wrdreg s2  }
0xb0: {  	[dreg:$0x4] =	wrdreg $0x67900  }
0xb1: {  	[dreg:$0x5] =	wrdreg $0x9  }
0xb2: {  	_ =	task.clear_ibuf [dreg:s7], $0x6FFFF;
	_ =	strace $0x90000046  }
0xb3: {  	s29 =	simm.s32 $0x9;
	_ =	strace $0x80000048  }
0xb4: {  	_ =	swait.ge [sflag:s29], $0x1  }
0xb5: {  	[sflag:s29] =	ssyncadd.s32 $0xFFFFFFFF  }
0xb6: {  	_ =	strace $0x90000048  }
0xb7: {  	_ =	sfence  }
0xb8: {  	s30 =	sld [smem:$0x0];
	_ =	sdelay $0x2  }
0xb9: {  	s31 =	sshll.u32 s1, $0xD;
	s1 =	sshrl.u32 s1, $0x2  }
0xba: {  	s3 =	sand.u32 $0x4000, s31;
	s1 =	sadd.s32 s1, s30  }
0xbb: {  	s0 =	sor.u32 s3, s0;
	s1 =	sshll.u32 s1, $0x11  }
0xbc: {  	s0 =	sor.u32 s1, s0  }
0xbd: {  	s0 =	sadd.s32 $0x8F2B, s0  }
0xbe: {  	[sflag:s0] =	ssyncadd.remote.s32 $0x1  }
0xbf: {  	_ =	sfence.sel $0xFFFF  }
0xc0: {  	[dreg:$0x0] =	wrdreg $0xFFFFFFFF;
	(pc) =	sbr.abs _section_cstart, $3  }
0xc1: {  	[dreg:$0x1] =	wrdreg $0xFFFFFFFF  }
0xc2: {  	_ =	task.clear_ibuf [dreg:s7], $0x2FFFF;
	_ =	strace $0x9FFFFFFF  }
0xc3: {  	(tm) =	ssettm $0x7FFFFFFF  }
tec
execute0_lowered:
.L_overlay_start_1:
0x0: {  	(tag) =	ssettag $0x1  }
0x1: {  	s25 =	stileid.u32  }
0x2: {  	s8 =	smul.u32 $0x6000, s25  }
0x3: {  	s26 =	sor.u32 $0x10, s25;
	s20 =	smul.u32 $0x60, s25  }
0x4: {  	s1 =	rddreg [dreg:$0x0];
	s15 =	sor.u32 $0x20, s25;
	s14 =	smul.u32 $0x6000, s26  }
0x5: {  	s2 =	srdreg.scid;
	s16 =	sor.u32 $0x30, s25;
	s9 =	smul.u32 $0x6000, s15  }
0x6: {  	s0 =	rddreg [dreg:$0x1];
	s17 =	sor.u32 $0x40, s25;
	s10 =	smul.u32 $0x6000, s16  }
0x7: {  	s3 =	simm.s32 $0x0;
	s18 =	sor.u32 $0x50, s25;
	s11 =	smul.u32 $0x6000, s17  }
0x8: {  	s28 =	simm.s32 $0x2790;
	s5 =	sand.u32 $0x1, s2;
	s12 =	smul.u32 $0x6000, s18  }
0x9: {  	s4 =	sshll.u32 s5, $0x4;
	s7 =	ssub.s32 $0x2, s5;
	s5 =	smul.u32 $0x2710, s5  }
0xa: {  	s29 =	simm.s32 $0x4850;
	s30 =	simm.s32 $0x1;
	s15 =	smul.u32 $0x60, s15  }
0xb: {  	s31 =	simm.s32 $0x2810;
	s2 =	rddreg [dreg:$0x2];
	s16 =	smul.u32 $0x60, s16  }
0xc: {  	[smem:$0x7FF] =	sst s3;
	s19 =	sor.u32 $0x60, s25;
	s21 =	smul.u32 $0x60, s18  }
0xd: {  	p0 =	sgt.u32 s25, $0x7;
	_ =	strace $0x80000047;
	s23 =	smul.u32 $0x60, s19  }
0xe: {  	p2 =	sne.s32 @p0 s25, $0x8;
	s4 =	sor.u32 s25, s4;
	s24 =	sshrl.u32 s7, $0x1  }
0xf: {  	s13 =	sshrl.u32 s8, $0x2;
	p1 =	por p2, !p0;
	p2 =	por !p2, !p0  }
0x10: {  	s25 =	simm.s32 $0x7D;
	s6 =	smul.u32 $0x4E2, s4;
	s4 =	sadd.s32 $0xB800, s1  }
0x11: {  	s8 =	sshrl.u32 s14, $0x2;
	s9 =	sshrl.u32 s9, $0x2;
	s10 =	sshrl.u32 s10, $0x2  }
0x12: {  	s11 =	sshrl.u32 s11, $0x2;
	s12 =	sshrl.u32 s12, $0x2;
	s20 =	sadd.s32 s20, s5  }
0x13: {  	s15 =	sadd.s32 s5, s15;
	s16 =	sadd.s32 s5, s16;
	s8 =	sadd.s32 s8, s2  }
0x14: {  	s9 =	sadd.s32 s9, s2;
	s10 =	sadd.s32 s10, s2;
	s11 =	sadd.s32 s11, s2  }
0x15: {  	s20 =	sshll.u32 s20, $0x3;
	s6 =	sadd.s32 s6, s1;
	s1 =	sadd.s32 $0x1600, s1  }
0x16: {  	s12 =	sadd.s32 s12, s2;
	s20 =	sadd.s32 s0, s20;
	[dreg:$0x4] =	wrdreg s1  }
0x17: {  	s1 =	ssub.s32 s7, s24;
	s7 =	sadd.s32 s13, s2;
	s13 =	smul.u32 $0x6000, s19  }
0x18: {  	s6 =	sadd.s32 $0x1A00, s6;
	[dreg:$0x6] =	wrdreg s20;
	s20 =	smul.u32 $0x60, s17  }
0x19: {  	s22 =	sshll.u32 s16, $0x3;
	[dreg:$0x5] =	wrdreg s6;
	s6 =	smul.u32 $0x60, s26  }
0x1a: {  	s26 =	sadd.s32 s5, s21;
	s14 =	sshrl.u32 s13, $0x2;
	s13 =	sadd.s32 $0x9C000, s2  }
0x1b: {  	s24 =	sadd.s32 s5, s20;
	s6 =	sadd.s32 s5, s6;
	s5 =	sadd.s32 s5, s23  }
0x1c: {  	s14 =	sadd.s32 s14, s2;
	s6 =	sshll.u32 s6, $0x3;
	s5 =	sshll.u32 s5, $0x3  }
0x1d: {  	s23 =	simm.s32 $0x4;
	s6 =	sadd.s32 s0, s6;
	s21 =	sadd.s32 s0, s5  }
0x1e: {  	s5 =	simm.s32 $0x2890;
	[dreg:$0x7] =	wrdreg s6;
	s6 =	sshll.u32 s15, $0x3  }
0x1f: {  	s15 =	sshll.u32 s26, $0x3;
	s26 =	simm.s32 $0x2710;
	s6 =	sadd.s32 s0, s6  }
0x20: {  	s20 =	sadd.s32 s0, s15;
	[dreg:$0x8] =	wrdreg s6;
	s6 =	sadd.s32 s0, s22  }
0x21: {  	s22 =	smax.u32 s1, $0x1;
	[dreg:$0x9] =	wrdreg s6;
	s6 =	sshll.u32 s24, $0x3  }
0x22: {  	s1 =	simm.s32 $0x2;
	s24 =	simm.s32 $0x2910;
	s6 =	sadd.s32 s0, s6  }
0x23: {  	s0 =	simm.s32 $0x3;
	[dreg:$0xa] =	wrdreg s6;
	s6 =	simm.s32 $0x0  }
.LBB2_1:
0x24: {  	s15 =	rddreg [dreg:$0x5]  }
0x25: {  	[tilespmem:s3], [sflag:$0x4] =	stream.linear.gather [hbm4b:s15+s3], $0x2710, $0x38;
	[tilespmem:$0x103D0] =	vst v63  }
0x26: {  	_ =	swait.ge [sflag:s23], $0x2710  }
0x27: {  	[sflag:s23] =	ssyncset.done $0x0  }
0x28: {  	s18 =	rddreg [dreg:$0x4];
	[sflag:s23] =	ssyncadd.s32 $0xFFFFD8F0  }
0x29: {  	[tilespmem:s24], [sflag:$0x4] =	stream.linear.gather [hbm4b:s18+s3], $0x1F40, $0x38;
	[tilespmem:$0x103D0] =	vst v63  }
0x2a: {  	_ =	swait.ge [sflag:s23], $0x1F40  }
0x2b: {  	[sflag:s23] =	ssyncset.done $0x0  }
0x2c: {  	[sflag:s23] =	ssyncadd.s32 $0xFFFFE0C0  }
0x2d: {  	[spmem:s7] =	stream.linear.scatter [tilespmem:s24], [sflag:$0x4], $0x1800, $0x38;
	[tilespmem:$0x103D0] =	vst v63  }
0x2e: {  	_ =	swait.ge [sflag:s23], $0x1800  }
0x2f: {  	[sflag:s23] =	ssyncset.done $0x0  }
0x30: {  	[sflag:s23] =	ssyncadd.s32 $0xFFFFE800  }
0x31: {  	[spmem:s8] =	stream.linear.scatter [tilespmem:s24], [sflag:$0x4], $0x1800, $0x38;
	[tilespmem:$0x103D0] =	vst v63  }
0x32: {  	_ =	swait.ge [sflag:s23], $0x1800  }
0x33: {  	[sflag:s23] =	ssyncset.done $0x0  }
0x34: {  	[sflag:s23] =	ssyncadd.s32 $0xFFFFE800  }
0x35: {  	[spmem:s9] =	stream.linear.scatter [tilespmem:s24], [sflag:$0x4], $0x1800, $0x38;
	[tilespmem:$0x103D0] =	vst v63  }
0x36: {  	_ =	swait.ge [sflag:s23], $0x1800  }
0x37: {  	[sflag:s23] =	ssyncset.done $0x0  }
0x38: {  	[sflag:s23] =	ssyncadd.s32 $0xFFFFE800  }
0x39: {  	[spmem:s10] =	stream.linear.scatter [tilespmem:s24], [sflag:$0x4], $0x1800, $0x38;
	[tilespmem:$0x103D0] =	vst v63  }
0x3a: {  	_ =	swait.ge [sflag:s23], $0x1800  }
0x3b: {  	[sflag:s23] =	ssyncset.done $0x0  }
0x3c: {  	[sflag:s23] =	ssyncadd.s32 $0xFFFFE800  }
0x3d: {  	[spmem:s11] =	stream.linear.scatter [tilespmem:s24], [sflag:$0x4], $0x1800, $0x38;
	[tilespmem:$0x103D0] =	vst v63  }
0x3e: {  	_ =	swait.ge [sflag:s23], $0x1800  }
0x3f: {  	[sflag:s23] =	ssyncset.done $0x0  }
0x40: {  	[sflag:s23] =	ssyncadd.s32 $0xFFFFE800  }
0x41: {  	[spmem:s12] =	stream.linear.scatter [tilespmem:s24], [sflag:$0x4], $0x1800, $0x38;
	[tilespmem:$0x103D0] =	vst v63  }
0x42: {  	_ =	swait.ge [sflag:s23], $0x1800  }
0x43: {  	[sflag:s23] =	ssyncset.done $0x0  }
0x44: {  	s15 =	simm.s32 @!p1 $0x2910;
	[sflag:s23] =	ssyncadd.s32 $0xFFFFE800  }
0x45: {  	[spmem:s13] =	stream.linear.scatter @!p1 [tilespmem:s15], [sflag:$0x4], $0x400, $0x38;
	[tilespmem:$0x103D0] =	vst v63  }
0x46: {  	s15 =	simm.s32 @!p1 $0x4  }
0x47: {  	_ =	swait.ge @!p1 [sflag:s15], $0x400  }
0x48: {  	[sflag:s15] =	ssyncset.done @!p1 $0x0  }
0x49: {  	[sflag:s15] =	ssyncadd.s32 @!p1 $0xFFFFFC00;
	s15 =	simm.s32 @!p0 $0x2910  }
0x4a: {  	[spmem:s14] =	stream.linear.scatter @!p0 [tilespmem:s15], [sflag:$0x4], $0x1800, $0x38;
	[tilespmem:$0x103D0] =	vst v63  }
0x4b: {  	s15 =	simm.s32 @!p0 $0x4  }
0x4c: {  	_ =	swait.ge @!p0 [sflag:s15], $0x1800  }
0x4d: {  	[sflag:s15] =	ssyncset.done @!p0 $0x0  }
0x4e: {  	[sflag:s15] =	ssyncadd.s32 @!p0 $0xFFFFE800  }
0x4f: {  	[bflag:$0x0] =	sbarrier.arrive $0xFFFF  }
0x50: {  	v0 =	vld [tilespmem:$0x0];
	_ =	sdelay $0x1  }
0x51: {  	v1 =	vld [tilespmem:$0x10];
	_ =	sdelay $0x1  }
0x52: {  	v2 =	vld [tilespmem:$0x20]  }
0x53: {  	v3 =	vshrl.u32 v0, $0x10  }
0x54: {  	v0 =	vand.u32 $0xFFFF, v0;
	[tilespmem:$0x2710] =	vst v3;
	v3 =	vld [tilespmem:$0x30]  }
0x55: {  	[tilespmem:$0x2810] =	vst v0;
	v0 =	vshrl.u32 v1, $0x10  }
0x56: {  	[tilespmem:$0x2720] =	vst v0;
	v0 =	vand.u32 $0xFFFF, v1;
	v1 =	vld [tilespmem:$0x40]  }
0x57: {  	[tilespmem:$0x2820] =	vst v0;
	v0 =	vshrl.u32 v2, $0x10  }
0x58: {  	[tilespmem:$0x2730] =	vst v0;
	v0 =	vand.u32 $0xFFFF, v2;
	v2 =	vld [tilespmem:$0x50]  }
0x59: {  	[tilespmem:$0x2830] =	vst v0;
	v0 =	vshrl.u32 v3, $0x10  }
0x5a: {  	[tilespmem:$0x2740] =	vst v0;
	v0 =	vand.u32 $0xFFFF, v3;
	v3 =	vld [tilespmem:$0x60]  }
0x5b: {  	[tilespmem:$0x2840] =	vst v0;
	v0 =	vshrl.u32 v1, $0x10  }
0x5c: {  	[tilespmem:$0x2750] =	vst v0;
	v0 =	vand.u32 $0xFFFF, v1;
	v1 =	vld [tilespmem:$0x6D]  }
0x5d: {  	[tilespmem:$0x2850] =	vst v0;
	v0 =	vshrl.u32 v2, $0x10  }
0x5e: {  	[tilespmem:$0x2760] =	vst v0;
	v0 =	vand.u32 $0xFFFF, v2  }
0x5f: {  	[tilespmem:$0x2860] =	vst v0;
	v0 =	vshrl.u32 v3, $0x10  }
0x60: {  	[tilespmem:$0x2770] =	vst v0;
	v0 =	vand.u32 $0xFFFF, v3  }
0x61: {  	[tilespmem:$0x2870] =	vst v0;
	v0 =	vshrl.u32 v1, $0x10  }
0x62: {  	[tilespmem:$0x277D] =	vst v0;
	v0 =	vand.u32 $0xFFFF, v1  }
0x63: {  	[tilespmem:$0x287D] =	vst v0  }
0x64: {  	[tilespmem:s24], [sflag:$0x1] =	stream.indirect.gather [hbm4b:s4+s25], $0x40, s26, s25, $0xb8;
	[tilespmem:$0x103D0] =	vst v63  }
0x65: {  	v0 =	vld [tilespmem:$0x7D];
	_ =	sdelay $0x1  }
0x66: {  	v1 =	vld [tilespmem:$0x8D];
	_ =	sdelay $0x1  }
0x67: {  	v2 =	vld [tilespmem:$0x9D]  }
0x68: {  	v3 =	vshrl.u32 v0, $0x10  }
0x69: {  	v0 =	vand.u32 $0xFFFF, v0;
	[tilespmem:$0x2790] =	vst v3;
	v3 =	vld [tilespmem:$0xAD]  }
0x6a: {  	[tilespmem:$0x2890] =	vst v0;
	v0 =	vshrl.u32 v1, $0x10  }
0x6b: {  	[tilespmem:$0x27A0] =	vst v0;
	v0 =	vand.u32 $0xFFFF, v1;
	v1 =	vld [tilespmem:$0xBD]  }
0x6c: {  	[tilespmem:$0x28A0] =	vst v0;
	v0 =	vshrl.u32 v2, $0x10  }
0x6d: {  	[tilespmem:$0x27B0] =	vst v0;
	v0 =	vand.u32 $0xFFFF, v2;
	v2 =	vld [tilespmem:$0xCD]  }
0x6e: {  	[tilespmem:$0x28B0] =	vst v0;
	v0 =	vshrl.u32 v3, $0x10  }
0x6f: {  	[tilespmem:$0x27C0] =	vst v0;
	v0 =	vand.u32 $0xFFFF, v3;
	v3 =	vld [tilespmem:$0xDD]  }
0x70: {  	[tilespmem:$0x28C0] =	vst v0;
	v0 =	vshrl.u32 v1, $0x10  }
0x71: {  	[tilespmem:$0x27D0] =	vst v0;
	v0 =	vand.u32 $0xFFFF, v1;
	v1 =	vld [tilespmem:$0xEA]  }
0x72: {  	[tilespmem:$0x28D0] =	vst v0;
	v0 =	vshrl.u32 v2, $0x10  }
0x73: {  	[tilespmem:$0x27E0] =	vst v0;
	v0 =	vand.u32 $0xFFFF, v2  }
0x74: {  	[tilespmem:$0x28E0] =	vst v0;
	v0 =	vshrl.u32 v3, $0x10  }
0x75: {  	[tilespmem:$0x27F0] =	vst v0;
	v0 =	vand.u32 $0xFFFF, v3  }
0x76: {  	[tilespmem:$0x28F0] =	vst v0;
	v0 =	vshrl.u32 v1, $0x10  }
0x77: {  	[tilespmem:$0x27FD] =	vst v0;
	v0 =	vand.u32 $0xFFFF, v1  }
0x78: {  	[tilespmem:$0x28FD] =	vst v0  }
0x79: {  	[tilespmem:s29], [sflag:$0x2] =	stream.indirect.gather [hbm4b:s4+s25], $0x40, s28, s25, $0xb8;
	[tilespmem:$0x103D0] =	vst v63  }
0x7a: {  	_ =	swait.ge [sflag:s30], $0x1F40  }
0x7b: {  	[sflag:s30] =	ssyncset.done $0x0  }
0x7c: {  	[sflag:s30] =	ssyncadd.s32 $0xFFFFE0C0  }
0x7d: {  	[spmem:s2] =	stream.indirect.scatter.add.bf16 [tilespmem:s24], [sflag:$0x3], $0x40, s31, s25, $0xb8;
	[tilespmem:$0x103D0] =	vst v63  }
0x7e: {  	_ =	swait.ge [sflag:s0], $0x1F40  }
0x7f: {  	[sflag:s0] =	ssyncset.done $0x0  }
0x80: {  	s15 =	simm.s32 $0xFA;
	[sflag:s0] =	ssyncadd.s32 $0xFFFFE0C0  }
0x81: {  	v0 =	vld [tilespmem:s15+$0x0];
	_ =	sdelay $0x4  }
0x82: {  	v1 =	vshrl.u32 v0, $0x10  }
0x83: {  	s16 =	simm.s32 $0xFA;
	v0 =	vand.u32 $0xFFFF, v0;
	[tilespmem:$0x2710] =	vst v1  }
0x84: {  	s16 =	sand.u32 $0x7FFE, s16;
	[tilespmem:$0x2810] =	vst v0  }
0x85: {  	v0 =	vld [tilespmem:s16+$0x10];
	_ =	sdelay $0x4  }
0x86: {  	v1 =	vshrl.u32 v0, $0x10  }
0x87: {  	v0 =	vand.u32 $0xFFFF, v0;
	[tilespmem:$0x2720] =	vst v1  }
0x88: {  	[tilespmem:$0x2820] =	vst v0  }
0x89: {  	v0 =	vld [tilespmem:s16+$0x20];
	_ =	sdelay $0x4  }
0x8a: {  	v1 =	vshrl.u32 v0, $0x10  }
0x8b: {  	v0 =	vand.u32 $0xFFFF, v0;
	[tilespmem:$0x2730] =	vst v1  }
0x8c: {  	[tilespmem:$0x2830] =	vst v0  }
0x8d: {  	v0 =	vld [tilespmem:s16+$0x30];
	_ =	sdelay $0x4  }
0x8e: {  	v1 =	vshrl.u32 v0, $0x10  }
0x8f: {  	v0 =	vand.u32 $0xFFFF, v0;
	[tilespmem:$0x2740] =	vst v1  }
0x90: {  	[tilespmem:$0x2840] =	vst v0  }
0x91: {  	v0 =	vld [tilespmem:s16+$0x40];
	_ =	sdelay $0x4  }
0x92: {  	v1 =	vshrl.u32 v0, $0x10  }
0x93: {  	v0 =	vand.u32 $0xFFFF, v0;
	[tilespmem:$0x2750] =	vst v1  }
0x94: {  	[tilespmem:$0x2850] =	vst v0  }
0x95: {  	v0 =	vld [tilespmem:s16+$0x50];
	_ =	sdelay $0x4  }
0x96: {  	v1 =	vshrl.u32 v0, $0x10  }
0x97: {  	v0 =	vand.u32 $0xFFFF, v0;
	[tilespmem:$0x2760] =	vst v1  }
0x98: {  	[tilespmem:$0x2860] =	vst v0  }
0x99: {  	v0 =	vld [tilespmem:s16+$0x60];
	_ =	sdelay $0x4  }
0x9a: {  	v1 =	vshrl.u32 v0, $0x10  }
0x9b: {  	v0 =	vand.u32 $0xFFFF, v0;
	[tilespmem:$0x2770] =	vst v1  }
0x9c: {  	[tilespmem:$0x2870] =	vst v0  }
0x9d: {  	v0 =	vld [tilespmem:s15+$0x6D];
	_ =	sdelay $0x4  }
0x9e: {  	v1 =	vshrl.u32 v0, $0x10  }
0x9f: {  	v0 =	vand.u32 $0xFFFF, v0;
	[tilespmem:$0x277D] =	vst v1  }
0xa0: {  	[tilespmem:$0x287D] =	vst v0  }
0xa1: {  	[tilespmem:s24], [sflag:$0x1] =	stream.indirect.gather [hbm4b:s4+s25], $0x40, s26, s25, $0xb8;
	[tilespmem:$0x103D0] =	vst v63  }
0xa2: {  	_ =	swait.ge [sflag:s1], $0x1F40  }
0xa3: {  	[sflag:s1] =	ssyncset.done $0x0  }
0xa4: {  	[sflag:s1] =	ssyncadd.s32 $0xFFFFE0C0  }
0xa5: {  	[spmem:s2] =	stream.indirect.scatter.add.bf16 [tilespmem:s29], [sflag:$0x3], $0x40, s5, s25, $0xb8;
	[tilespmem:$0x103D0] =	vst v63  }
0xa6: {  	_ =	swait.ge [sflag:s0], $0x1F40  }
0xa7: {  	[sflag:s0] =	ssyncset.done $0x0  }
0xa8: {  	[sflag:s0] =	ssyncadd.s32 $0xFFFFE0C0  }
0xa9: {  	v0 =	vld [tilespmem:s15+$0x7D];
	_ =	sdelay $0x4  }
0xaa: {  	v1 =	vshrl.u32 v0, $0x10  }
0xab: {  	s19 =	simm.s32 $0x177;
	v0 =	vand.u32 $0xFFFF, v0;
	[tilespmem:$0x2790] =	vst v1  }
0xac: {  	s16 =	sand.u32 $0x7FFF, s19;
	[tilespmem:$0x2890] =	vst v0  }
0xad: {  	v0 =	vld [tilespmem:s16+$0x10];
	_ =	sdelay $0x4  }
0xae: {  	v1 =	vshrl.u32 v0, $0x10  }
0xaf: {  	v0 =	vand.u32 $0xFFFF, v0;
	[tilespmem:$0x27A0] =	vst v1  }
0xb0: {  	[tilespmem:$0x28A0] =	vst v0  }
0xb1: {  	v0 =	vld [tilespmem:s16+$0x20];
	_ =	sdelay $0x4  }
0xb2: {  	v1 =	vshrl.u32 v0, $0x10  }
0xb3: {  	v0 =	vand.u32 $0xFFFF, v0;
	[tilespmem:$0x27B0] =	vst v1  }
0xb4: {  	[tilespmem:$0x28B0] =	vst v0  }
0xb5: {  	v0 =	vld [tilespmem:s16+$0x30];
	_ =	sdelay $0x4  }
0xb6: {  	v1 =	vshrl.u32 v0, $0x10  }
0xb7: {  	v0 =	vand.u32 $0xFFFF, v0;
	[tilespmem:$0x27C0] =	vst v1  }
0xb8: {  	[tilespmem:$0x28C0] =	vst v0  }
0xb9: {  	v0 =	vld [tilespmem:s16+$0x40];
	_ =	sdelay $0x4  }
0xba: {  	v1 =	vshrl.u32 v0, $0x10  }
0xbb: {  	v0 =	vand.u32 $0xFFFF, v0;
	[tilespmem:$0x27D0] =	vst v1  }
0xbc: {  	[tilespmem:$0x28D0] =	vst v0  }
0xbd: {  	v0 =	vld [tilespmem:s16+$0x50];
	_ =	sdelay $0x4  }
0xbe: {  	v1 =	vshrl.u32 v0, $0x10  }
0xbf: {  	v0 =	vand.u32 $0xFFFF, v0;
	[tilespmem:$0x27E0] =	vst v1  }
0xc0: {  	[tilespmem:$0x28E0] =	vst v0  }
0xc1: {  	v0 =	vld [tilespmem:s16+$0x60];
	_ =	sdelay $0x3  }
0xc2: {  	p4 =	por @p0 $0x0, $0x0;
	p3 =	por @!p1 $0x1, $0x1  }
0xc3: {  	p3 =	por @!p2 p4, p4;
	p4 =	por @!p0 $0x0, $0x0;
	v1 =	vshrl.u32 v0, $0x10  }
0xc4: {  	s17 =	simm.s32 $0xFA;
	p3 =	por @!p0 p4, p4;
	s16 =	simm.s32 $0x271;
	v0 =	vand.u32 $0xFFFF, v0;
	[tilespmem:$0x27F0] =	vst v1  }
.LBB2_2:
0xc5: {  	p4 =	sne.s32 s16, $0x2693  }
0xc6: {  	[tilespmem:$0x28F0] =	vst v0;
	s15 =	sadd.s32 $0xFA, s15;
	s18 =	smov.u32 s16;
	s16 =	sadd.s32 $0xFA, s16  }
0xc7: {  	v0 =	vld [tilespmem:s17+$0xEA];
	s17 =	smov.u32 s15;
	_ =	sdelay $0x4  }
0xc8: {  	v1 =	vshrl.u32 v0, $0x10;
	v0 =	vand.u32 $0xFFFF, v0  }
0xc9: {  	[tilespmem:$0x27FD] =	vst v1  }
0xca: {  	[tilespmem:$0x28FD] =	vst v0  }
0xcb: {  	[tilespmem:s29], [sflag:$0x2] =	stream.indirect.gather [hbm4b:s4+s25], $0x40, s28, s25, $0xb8;
	[tilespmem:$0x103D0] =	vst v63  }
0xcc: {  	_ =	swait.ge [sflag:s30], $0x1F40  }
0xcd: {  	[sflag:s30] =	ssyncset.done $0x0  }
0xce: {  	[sflag:s30] =	ssyncadd.s32 $0xFFFFE0C0  }
0xcf: {  	[spmem:s2] =	stream.indirect.scatter.add.bf16 [tilespmem:s24], [sflag:$0x3], $0x40, s31, s25, $0xb8;
	[tilespmem:$0x103D0] =	vst v63  }
0xd0: {  	_ =	swait.ge [sflag:s0], $0x1F40  }
0xd1: {  	[sflag:s0] =	ssyncset.done $0x0  }
0xd2: {  	[sflag:s0] =	ssyncadd.s32 $0xFFFFE0C0  }
0xd3: {  	v0 =	vld [tilespmem:s15+$0x0];
	_ =	sdelay $0x4  }
0xd4: {  	s19 =	sadd.s32 $0xFFFFFF83, s18;
	v1 =	vshrl.u32 v0, $0x10;
	v0 =	vand.u32 $0xFFFF, v0  }
0xd5: {  	s19 =	sand.u32 $0x7FFE, s19;
	[tilespmem:$0x2710] =	vst v1  }
0xd6: {  	[tilespmem:$0x2810] =	vst v0  }
0xd7: {  	v0 =	vld [tilespmem:s19+$0x10];
	_ =	sdelay $0x4  }
0xd8: {  	v1 =	vshrl.u32 v0, $0x10;
	v0 =	vand.u32 $0xFFFF, v0  }
0xd9: {  	[tilespmem:$0x2720] =	vst v1  }
0xda: {  	[tilespmem:$0x2820] =	vst v0  }
0xdb: {  	v0 =	vld [tilespmem:s19+$0x20];
	_ =	sdelay $0x4  }
0xdc: {  	v1 =	vshrl.u32 v0, $0x10;
	v0 =	vand.u32 $0xFFFF, v0  }
0xdd: {  	[tilespmem:$0x2730] =	vst v1  }
0xde: {  	[tilespmem:$0x2830] =	vst v0  }
0xdf: {  	v0 =	vld [tilespmem:s19+$0x30];
	_ =	sdelay $0x4  }
0xe0: {  	v1 =	vshrl.u32 v0, $0x10;
	v0 =	vand.u32 $0xFFFF, v0  }
0xe1: {  	[tilespmem:$0x2740] =	vst v1  }
0xe2: {  	[tilespmem:$0x2840] =	vst v0  }
0xe3: {  	v0 =	vld [tilespmem:s19+$0x40];
	_ =	sdelay $0x4  }
0xe4: {  	v1 =	vshrl.u32 v0, $0x10;
	v0 =	vand.u32 $0xFFFF, v0  }
0xe5: {  	[tilespmem:$0x2750] =	vst v1  }
0xe6: {  	[tilespmem:$0x2850] =	vst v0  }
0xe7: {  	v0 =	vld [tilespmem:s19+$0x50];
	_ =	sdelay $0x4  }
0xe8: {  	v1 =	vshrl.u32 v0, $0x10;
	v0 =	vand.u32 $0xFFFF, v0  }
0xe9: {  	[tilespmem:$0x2760] =	vst v1  }
0xea: {  	[tilespmem:$0x2860] =	vst v0  }
0xeb: {  	v0 =	vld [tilespmem:s19+$0x60];
	_ =	sdelay $0x4  }
0xec: {  	v1 =	vshrl.u32 v0, $0x10;
	v0 =	vand.u32 $0xFFFF, v0  }
0xed: {  	[tilespmem:$0x2770] =	vst v1  }
0xee: {  	[tilespmem:$0x2870] =	vst v0  }
0xef: {  	v0 =	vld [tilespmem:s15+$0x6D];
	_ =	sdelay $0x4  }
0xf0: {  	v1 =	vshrl.u32 v0, $0x10;
	v0 =	vand.u32 $0xFFFF, v0  }
0xf1: {  	[tilespmem:$0x277D] =	vst v1  }
0xf2: {  	[tilespmem:$0x287D] =	vst v0  }
0xf3: {  	[tilespmem:s24], [sflag:$0x1] =	stream.indirect.gather [hbm4b:s4+s25], $0x40, s26, s25, $0xb8;
	[tilespmem:$0x103D0] =	vst v63  }
0xf4: {  	_ =	swait.ge [sflag:s1], $0x1F40  }
0xf5: {  	[sflag:s1] =	ssyncset.done $0x0  }
0xf6: {  	[sflag:s1] =	ssyncadd.s32 $0xFFFFE0C0  }
0xf7: {  	[spmem:s2] =	stream.indirect.scatter.add.bf16 [tilespmem:s29], [sflag:$0x3], $0x40, s5, s25, $0xb8;
	[tilespmem:$0x103D0] =	vst v63  }
0xf8: {  	_ =	swait.ge [sflag:s0], $0x1F40  }
0xf9: {  	s18 =	sand.u32 $0x7FFF, s18;
	[sflag:s0] =	ssyncset.done $0x0  }
0xfa: {  	[sflag:s0] =	ssyncadd.s32 $0xFFFFE0C0  }
0xfb: {  	v0 =	vld [tilespmem:s15+$0x7D];
	_ =	sdelay $0x4  }
0xfc: {  	v1 =	vshrl.u32 v0, $0x10;
	v0 =	vand.u32 $0xFFFF, v0  }
0xfd: {  	[tilespmem:$0x2790] =	vst v1  }
0xfe: {  	[tilespmem:$0x2890] =	vst v0  }
0xff: {  	v0 =	vld [tilespmem:s18+$0x10];
	_ =	sdelay $0x4  }
0x100: {  	v1 =	vshrl.u32 v0, $0x10;
	v0 =	vand.u32 $0xFFFF, v0  }
0x101: {  	[tilespmem:$0x27A0] =	vst v1  }
0x102: {  	[tilespmem:$0x28A0] =	vst v0  }
0x103: {  	v0 =	vld [tilespmem:s18+$0x20];
	_ =	sdelay $0x4  }
0x104: {  	v1 =	vshrl.u32 v0, $0x10;
	v0 =	vand.u32 $0xFFFF, v0  }
0x105: {  	[tilespmem:$0x27B0] =	vst v1  }
0x106: {  	[tilespmem:$0x28B0] =	vst v0  }
0x107: {  	v0 =	vld [tilespmem:s18+$0x30];
	_ =	sdelay $0x4  }
0x108: {  	v1 =	vshrl.u32 v0, $0x10;
	v0 =	vand.u32 $0xFFFF, v0  }
0x109: {  	[tilespmem:$0x27C0] =	vst v1  }
0x10a: {  	[tilespmem:$0x28C0] =	vst v0  }
0x10b: {  	v0 =	vld [tilespmem:s18+$0x40];
	_ =	sdelay $0x4  }
0x10c: {  	v1 =	vshrl.u32 v0, $0x10;
	v0 =	vand.u32 $0xFFFF, v0  }
0x10d: {  	[tilespmem:$0x27D0] =	vst v1  }
0x10e: {  	[tilespmem:$0x28D0] =	vst v0  }
0x10f: {  	v0 =	vld [tilespmem:s18+$0x50];
	_ =	sdelay $0x4  }
0x110: {  	v1 =	vshrl.u32 v0, $0x10;
	v0 =	vand.u32 $0xFFFF, v0  }
0x111: {  	[tilespmem:$0x27E0] =	vst v1  }
0x112: {  	[tilespmem:$0x28E0] =	vst v0  }
0x113: {  	v0 =	vld [tilespmem:s18+$0x60];
	_ =	sdelay $0x1  }
.Ltmp0:
0x114: {  	(pc) =	sbr.rel @p4 .LBB2_2-.Ltmp0, $3  }
0x115: {  	_ =	sdelay $0x1  }
0x116: {  	v1 =	vshrl.u32 v0, $0x10;
	v0 =	vand.u32 $0xFFFF, v0  }
0x117: {  	[tilespmem:$0x27F0] =	vst v1  }
0x118: {  	[tilespmem:$0x28F0] =	vst v0  }
0x119: {  	v0 =	vld [tilespmem:s17+$0xEA];
	_ =	sdelay $0x4  }
0x11a: {  	v1 =	vshrl.u32 v0, $0x10  }
0x11b: {  	v0 =	vand.u32 $0xFFFF, v0;
	[tilespmem:$0x27FD] =	vst v1  }
0x11c: {  	[tilespmem:$0x28FD] =	vst v0  }
0x11d: {  	[tilespmem:s29], [sflag:$0x2] =	stream.indirect.gather [hbm4b:s4+s25], $0x40, s28, s25, $0xb8;
	[tilespmem:$0x103D0] =	vst v63  }
0x11e: {  	_ =	swait.ge [sflag:s30], $0x1F40  }
0x11f: {  	[sflag:s30] =	ssyncset.done $0x0  }
0x120: {  	[sflag:s30] =	ssyncadd.s32 $0xFFFFE0C0  }
0x121: {  	[spmem:s2] =	stream.indirect.scatter.add.bf16 [tilespmem:s24], [sflag:$0x3], $0x40, s31, s25, $0xb8;
	[tilespmem:$0x103D0] =	vst v63  }
0x122: {  	_ =	swait.ge [sflag:s0], $0x1F40  }
0x123: {  	[sflag:s0] =	ssyncset.done $0x0  }
0x124: {  	[sflag:s0] =	ssyncadd.s32 $0xFFFFE0C0  }
0x125: {  	_ =	swait.ge [sflag:s1], $0x1F40  }
0x126: {  	[sflag:s1] =	ssyncset.done $0x0  }
0x127: {  	[sflag:s1] =	ssyncadd.s32 $0xFFFFE0C0  }
0x128: {  	[spmem:s2] =	stream.indirect.scatter.add.bf16 [tilespmem:s29], [sflag:$0x3], $0x40, s5, s25, $0xb8;
	[tilespmem:$0x103D0] =	vst v63  }
0x129: {  	_ =	swait.ge [sflag:s0], $0x1F40  }
0x12a: {  	[sflag:s0] =	ssyncset.done $0x0  }
0x12b: {  	[sflag:s0] =	ssyncadd.s32 $0xFFFFE0C0  }
0x12c: {  	[bflag:$0x0] =	sbarrier.arrive $0xFFFF  }
0x12d: {  	[tilespmem:s24], [sflag:$0x4] =	stream.linear.gather [spmem:s7], $0x1800, $0x38;
	[tilespmem:$0x103D0] =	vst v63  }
0x12e: {  	_ =	swait.ge [sflag:s23], $0x1800  }
0x12f: {  	[sflag:s23] =	ssyncset.done $0x0  }
0x130: {  	s15 =	rddreg [dreg:$0x6];
	[sflag:s23] =	ssyncadd.s32 $0xFFFFE800  }
0x131: {  	[hbm4b:s15+s3] =	stream.linear.scatter [tilespmem:s24], [sflag:$0x4], $0x1800, $0x38;
	[tilespmem:$0x103D0] =	vst v63  }
0x132: {  	_ =	swait.ge [sflag:s23], $0x1800  }
0x133: {  	[sflag:s23] =	ssyncset.done $0x0  }
0x134: {  	[sflag:s23] =	ssyncadd.s32 $0xFFFFE800  }
0x135: {  	[tilespmem:s24], [sflag:$0x4] =	stream.linear.gather [spmem:s8], $0x1800, $0x38;
	[tilespmem:$0x103D0] =	vst v63  }
0x136: {  	_ =	swait.ge [sflag:s23], $0x1800  }
0x137: {  	[sflag:s23] =	ssyncset.done $0x0  }
0x138: {  	s16 =	rddreg [dreg:$0x7];
	[sflag:s23] =	ssyncadd.s32 $0xFFFFE800  }
0x139: {  	[hbm4b:s16+s3] =	stream.linear.scatter [tilespmem:s24], [sflag:$0x4], $0x1800, $0x38;
	[tilespmem:$0x103D0] =	vst v63  }
0x13a: {  	_ =	swait.ge [sflag:s23], $0x1800  }
0x13b: {  	[sflag:s23] =	ssyncset.done $0x0  }
0x13c: {  	[sflag:s23] =	ssyncadd.s32 $0xFFFFE800  }
0x13d: {  	[tilespmem:s24], [sflag:$0x4] =	stream.linear.gather [spmem:s9], $0x1800, $0x38;
	[tilespmem:$0x103D0] =	vst v63  }
0x13e: {  	_ =	swait.ge [sflag:s23], $0x1800  }
0x13f: {  	[sflag:s23] =	ssyncset.done $0x0  }
0x140: {  	s17 =	rddreg [dreg:$0x8];
	[sflag:s23] =	ssyncadd.s32 $0xFFFFE800  }
0x141: {  	[hbm4b:s17+s3] =	stream.linear.scatter [tilespmem:s24], [sflag:$0x4], $0x1800, $0x38;
	[tilespmem:$0x103D0] =	vst v63  }
0x142: {  	_ =	swait.ge [sflag:s23], $0x1800  }
0x143: {  	[sflag:s23] =	ssyncset.done $0x0  }
0x144: {  	[sflag:s23] =	ssyncadd.s32 $0xFFFFE800  }
0x145: {  	[tilespmem:s24], [sflag:$0x4] =	stream.linear.gather [spmem:s10], $0x1800, $0x38;
	[tilespmem:$0x103D0] =	vst v63  }
0x146: {  	_ =	swait.ge [sflag:s23], $0x1800  }
0x147: {  	[sflag:s23] =	ssyncset.done $0x0  }
0x148: {  	s18 =	rddreg [dreg:$0x9];
	[sflag:s23] =	ssyncadd.s32 $0xFFFFE800  }
0x149: {  	[hbm4b:s18+s3] =	stream.linear.scatter [tilespmem:s24], [sflag:$0x4], $0x1800, $0x38;
	[tilespmem:$0x103D0] =	vst v63  }
0x14a: {  	_ =	swait.ge [sflag:s23], $0x1800  }
0x14b: {  	[sflag:s23] =	ssyncset.done $0x0  }
0x14c: {  	[sflag:s23] =	ssyncadd.s32 $0xFFFFE800  }
0x14d: {  	[tilespmem:s24], [sflag:$0x4] =	stream.linear.gather [spmem:s11], $0x1800, $0x38;
	[tilespmem:$0x103D0] =	vst v63  }
0x14e: {  	_ =	swait.ge [sflag:s23], $0x1800  }
0x14f: {  	[sflag:s23] =	ssyncset.done $0x0  }
0x150: {  	s19 =	rddreg [dreg:$0xa];
	[sflag:s23] =	ssyncadd.s32 $0xFFFFE800  }
0x151: {  	[hbm4b:s19+s3] =	stream.linear.scatter [tilespmem:s24], [sflag:$0x4], $0x1800, $0x38;
	[tilespmem:$0x103D0] =	vst v63  }
0x152: {  	_ =	swait.ge [sflag:s23], $0x1800  }
0x153: {  	[sflag:s23] =	ssyncset.done $0x0  }
0x154: {  	[sflag:s23] =	ssyncadd.s32 $0xFFFFE800  }
0x155: {  	[tilespmem:s24], [sflag:$0x4] =	stream.linear.gather [spmem:s12], $0x1800, $0x38;
	[tilespmem:$0x103D0] =	vst v63  }
0x156: {  	_ =	swait.ge [sflag:s23], $0x1800  }
0x157: {  	[sflag:s23] =	ssyncset.done $0x0  }
0x158: {  	[sflag:s23] =	ssyncadd.s32 $0xFFFFE800  }
0x159: {  	[hbm4b:s20+s3] =	stream.linear.scatter [tilespmem:s24], [sflag:$0x4], $0x1800, $0x38;
	[tilespmem:$0x103D0] =	vst v63  }
0x15a: {  	_ =	swait.ge [sflag:s23], $0x1800  }
0x15b: {  	[sflag:s23] =	ssyncset.done $0x0  }
0x15c: {  	s15 =	simm.s32 @!p0 $0x2910;
	s16 =	simm.s32 @!p0 $0x4;
	[sflag:s23] =	ssyncadd.s32 $0xFFFFE800  }
0x15d: {  	[tilespmem:s15], [sflag:$0x4] =	stream.linear.gather @!p0 [spmem:s14], $0x1800, $0x38;
	[tilespmem:$0x103D0] =	vst v63  }
0x15e: {  	_ =	swait.ge @!p0 [sflag:s16], $0x1800  }
0x15f: {  	[sflag:s16] =	ssyncset.done @!p0 $0x0  }
0x160: {  	s17 =	simm.s32 @!p0 $0x0;
	[sflag:s16] =	ssyncadd.s32 @!p0 $0xFFFFE800  }
0x161: {  	[hbm4b:s21+s17] =	stream.linear.scatter @!p0 [tilespmem:s15], [sflag:$0x4], $0x1800, $0x38;
	[tilespmem:$0x103D0] =	vst v63  }
0x162: {  	_ =	swait.ge @!p0 [sflag:s16], $0x1800  }
0x163: {  	[sflag:s16] =	ssyncset.done @!p0 $0x0  }
0x164: {  	s15 =	simm.s32 @p3 $0x2910;
	[sflag:s16] =	ssyncadd.s32 @!p0 $0xFFFFE800;
	s16 =	simm.s32 @p3 $0x4  }
0x165: {  	[tilespmem:s15], [sflag:$0x4] =	stream.linear.gather @p3 [spmem:s13], $0x400, $0x38;
	[tilespmem:$0x103D0] =	vst v63  }
0x166: {  	s6 =	sadd.s32 $0x1, s6;
	_ =	swait.ge @p3 [sflag:s16], $0x400  }
0x167: {  	p4 =	sne.s32 s6, s22;
	[sflag:s16] =	ssyncset.done @p3 $0x0  }
.Ltmp1:
0x168: {  	s17 =	simm.s32 @p3 $0x0;
	[sflag:s16] =	ssyncadd.s32 @p3 $0xFFFFFC00;
	(pc) =	sbr.rel @p4 .LBB2_1-.Ltmp1, $4  }
0x169: {  	[hbm4b:s21+s17] =	stream.linear.scatter @p3 [tilespmem:s15], [sflag:$0x4], $0x400, $0x38;
	[tilespmem:$0x103D0] =	vst v63  }
0x16a: {  	_ =	swait.ge @p3 [sflag:s16], $0x400  }
0x16b: {  	[sflag:s16] =	ssyncset.done @p3 $0x0  }
0x16c: {  	[sflag:s16] =	ssyncadd.s32 @p3 $0xFFFFFC00  }
0x16d: {  	_ =	sfence.sel $0x180000  }
0x16e: {  	[bflag:$0x0] =	sbarrier.arrive $0xFFFF  }
0x16f: {  	_ =	strace $0x90000047  }
0x170: {  	s0 =	stileid.u32;
	[bflag:$0x2] =	sbarrier.arrive $0xFFFF  }
0x171: {  	p0 =	sne.s32 s0, $0x0;
	s0 =	rddreg [dreg:$0x3]  }
0x172: {  	s0 =	sadd.s32 @!p0 $0x100000, s0  }
0x173: {  	[sflag:s0] =	ssyncadd.tile.s32 @!p0 $0x1;
	_ =	shalt  }
.Lfunc_end2:
_tile_overlayer_lowered:
.L_overlay_start_2:
0x174: {  	(tag) =	ssettag $0x2  }
0x175: {  	s0 =	rddreg [dreg:$0x0];
	s2 =	stileid.u32  }
0x176: {  	s1 =	rddreg [dreg:$0x1];
	p0 =	sne.s32 s2, $0x0  }
0x177: {  	s3 =	rddreg [dreg:$0x2];
	[bflag:$0x3] =	sbarrier.arrive $0xFFFF;
	s2 =	simm.s32 @!p0 $0x1C04  }
0x178: {  	[timem:s3], [sflag:s2] =	dma.local @!p0 [hbm:s0], s1  }
0x179: {  	s0 =	simm.s32 @!p0 $0x4  }
0x17a: {  	_ =	swait.ge @!p0 [sflag:s0], s1  }
0x17b: {  	s1 =	ssub.s32 @!p0 $0x0, s1;
	[sflag:s0] =	ssyncset.done @!p0 $0x0  }
0x17c: {  	[sflag:s0] =	ssyncadd.s32 @!p0 s1  }
0x17d: {  	[bflag:$0x3] =	sbarrier.arrive $0xFFFF  }
0x17e: {  	_ =	shalt  }

</sc_bundles>
